<compile_context>
chip_gen: v7x
topology: tpu7x:2x2x1
jax: 0.10.2.dev20260603
libtpu: 0.0.44.dev20260713+nightly
codegen_flags: <defaults>
</compile_context>

<pallas_src>
import functools
import math

import jax
import jax.numpy as jnp
from jax import lax
from jax.experimental import pallas as pl
from jax.experimental.pallas import tpu as pltpu
from jax.experimental.pallas import tpu_sc as plsc

_MAX_TIME_PERIOD = 100000


@functools.cache
def _make_sc_gather_t(V: int, D: int, B: int):
    info = plsc.get_sparse_core_info()
    NC, NS, L = info.num_cores, info.num_subcores, info.num_lanes
    NW = NC * NS
    dims_per_w = D // NW
    CH = 4096
    n_chunks = B // CH
    mesh = plsc.VectorSubcoreMesh(core_axis_name="c", subcore_axis_name="s")

    @functools.partial(
        pl.kernel,
        mesh=mesh,
        out_type=jax.ShapeDtypeStruct((D, B), jnp.float32),
        scratch_types=[
            pltpu.VMEM((V,), jnp.float32),
            pltpu.VMEM((B,), jnp.int32),
            pltpu.VMEM((2, CH), jnp.float32),
            pltpu.SemaphoreType.DMA,
            pltpu.SemaphoreType.DMA,
        ],
        compiler_params=pltpu.CompilerParams(
            use_tc_tiling_on_sc=True, needs_layout_passes=False
        ),
    )
    def sc_gather_t(tbl_hbm, idx_hbm, out_hbm, row_v, idx_v, out_v, sem, rsem):
        wid = lax.axis_index("s") * NC + lax.axis_index("c")
        d0 = wid * dims_per_w
        row_cp = pltpu.async_copy(tbl_hbm.at[d0], row_v, rsem)
        pltpu.sync_copy(idx_hbm, idx_v)
        row_cp.wait()
        outstanding = []
        for j in range(dims_per_w):
            d = d0 + j
            if j > 0:
                pltpu.sync_copy(tbl_hbm.at[d], row_v)
            for c in range(n_chunks):
                buf = c % 2
                if len(outstanding) >= 2:
                    outstanding.pop(0).wait()

                def body(i, _):
                    base = c * CH + i * (L * 8)
                    ivs = [idx_v[pl.ds(base + k * L, L)] for k in range(8)]
                    gs = [plsc.load_gather(row_v, [iv]) for iv in ivs]
                    for k in range(8):
                        out_v[buf, pl.ds(i * (L * 8) + k * L, L)] = gs[k]
                    return 0

                lax.fori_loop(0, CH // (L * 8), body, 0, unroll=2)
                outstanding.append(
                    pltpu.async_copy(
                        out_v.at[buf], out_hbm.at[d, pl.ds(c * CH, CH)], sem
                    )
                )
        for cp in outstanding:
            cp.wait()

    return sc_gather_t


def _sincos_t_body(t_ref, o_ref):
    width, blk = o_ref.shape
    half = width // 2
    t = t_ref[...]
    j = lax.broadcasted_iota(jnp.int32, (width, 1), 0)
    k = jnp.where(j < half, j, j - half)
    scale = -math.log(_MAX_TIME_PERIOD) / (half - 1)
    freqs = jnp.exp(k.astype(jnp.float32) * scale)
    shift = jnp.where(j < half, 0.0, math.pi / 2).astype(jnp.float32)
    o_ref[...] = jnp.sin(freqs * t + shift)


def _sincos_t(t_row, width, total_rows):
    B = t_row.shape[1]
    BLK = 4096
    return pl.pallas_call(
        _sincos_t_body,
        grid=(B // BLK,),
        in_specs=[pl.BlockSpec((1, BLK), lambda i: (0, i))],
        out_specs=pl.BlockSpec((width, BLK), lambda i: (0, i)),
        out_shape=jax.ShapeDtypeStruct((total_rows, B), jnp.float32),
    )(t_row)


def _emb_insert_body(base_ref, emb_ref, o_ref):
    o_ref[...] = emb_ref[...]


def _emb_insert(base, emb_t):
    R, B = base.shape
    D = emb_t.shape[0]
    BLK = 4096
    return pl.pallas_call(
        _emb_insert_body,
        grid=(B // BLK,),
        in_specs=[
            pl.BlockSpec(memory_space=pl.ANY),
            pl.BlockSpec((D, BLK), lambda i: (0, i)),
        ],
        out_specs=pl.BlockSpec((D, BLK), lambda i: (R // D - 1, i)),
        out_shape=jax.ShapeDtypeStruct((R, B), jnp.float32),
        input_output_aliases={0: 0},
    )(base, emb_t)


def kernel(inputs, event_emb_table):
    B = inputs.shape[0]
    V, D = event_emb_table.shape
    tbl_t = event_emb_table.T
    t_row = inputs[:, 0].reshape(1, B)
    idx = inputs[:, 1].astype(jnp.int32)
    emb_t = _make_sc_gather_t(V, D, B)(tbl_t, idx)
    sincos = _sincos_t(t_row, 2 * D, 3 * D)
    out_t = lax.dynamic_update_slice(sincos, emb_t, (2 * D, 0))
    return out_t.T

# --- scband reference (transcript-rebuilt; emitter-appended) ---
"""Pipeline reference for scband-sinusoidal-and-embedding-layer-60851096650285 (READ-ONLY COPY).

The authoritative reference and input builder live on the scoring server;
editing this copy changes nothing except your own understanding.
"""

import math
import jax, jax.numpy as jnp
import numpy as np

DIM_EMB = 128
MAX_TIME_PERIOD = 100000
NUM_CLASSES = 100000
BATCH = 16384


def setup_inputs(seed: int = 0) -> dict:
    key = jax.random.key(seed)
    k1, k2 = jax.random.split(key)
    # inputs[:,0] = time_to_event (float), inputs[:,1] = event indicator (integer-valued float)
    inputs = jax.random.randint(k1, (BATCH, 2), 0, NUM_CLASSES).astype(jnp.float32)
    # learned embedding table: nn.Embedding(num_classes, dim_emb // 2)
    event_emb_table = jax.random.normal(k2, (NUM_CLASSES, DIM_EMB // 2), dtype=jnp.float32)
    return {"inputs": inputs, "event_emb_table": event_emb_table}


def reference(inputs, event_emb_table):
    time_to_event = inputs[:, 0]
    event_indicator = inputs[:, 1]
    sorted_indices = jnp.argsort(time_to_event)
    t_sorted = time_to_event[sorted_indices]
    dim = DIM_EMB // 2
    freqs = jnp.exp(-math.log(MAX_TIME_PERIOD) / (dim - 1) * jnp.arange(dim, dtype=jnp.float32))
    args = t_sorted[:, None] * freqs[None, :]
    sinusoidal_emb = jnp.concatenate([jnp.sin(args), jnp.cos(args)], axis=-1)
    # undo the sort
    sinusoidal_emb = sinusoidal_emb[jnp.argsort(sorted_indices)]
    event_emb = jnp.take(event_emb_table, event_indicator.astype(jnp.int32), axis=0)
    return jnp.concatenate([sinusoidal_emb, event_emb], axis=-1)

if __name__ == "__main__":
    import jax
    _d = setup_inputs()
    print(jax.jit(kernel)(*tuple(_d.values())))

</pallas_src>

<mosaic_0001>
#map = affine_map<(d0, d1) -> (0, 0)>
#map1 = affine_map<(d0, d1) -> (0)>
module attributes {stable_mosaic.version = 14 : i64} {
  func.func @sc_gather_t(%arg0: i32, %arg1: i32, %arg2: memref<64x100000xf32, #tpu.memory_space<hbm>>, %arg3: memref<16384xi32, #tpu.memory_space<hbm>>, %arg4: memref<64x16384xf32, #tpu.memory_space<hbm>>, %arg5: memref<100000xf32, #tpu.memory_space<vmem>>, %arg6: memref<16384xi32, #tpu.memory_space<vmem>>, %arg7: memref<2x4096xf32, #tpu.memory_space<vmem>>, %arg8: memref<!tpu.dma_semaphore, #tpu.memory_space<semaphore_mem>>, %arg9: memref<!tpu.dma_semaphore, #tpu.memory_space<semaphore_mem>>) attributes {dimension_semantics = [#tpu.dimension_semantics<core_parallel>, #tpu.dimension_semantics<subcore_parallel>], iteration_bounds = array<i64: 2, 16>, scalar_prefetch = 0 : i64, scratch_operands = 5 : i64, tpu.core_type = #tpu.core_type<sc_vector_subcore>, window_params = [{transform_indices = #map}, {transform_indices = #map1}, {transform_indices = #map}]} {
    %mul3A = arith.constant 2 : i32
    %mul3A_0 = arith.muli %arg1, %mul3A : i32
    %add3A = arith.addi %mul3A_0, %arg0 : i32
    %mul3A_1 = arith.constant 2 : i32
    %mul3A_2 = arith.muli %add3A, %mul3A_1 : i32
    %dma_start3A = arith.constant 0 : i32
    %dma_start3A_3 = tpu.memref_slice %arg2[%mul3A_2, %dma_start3A] : memref<64x100000xf32, #tpu.memory_space<hbm>> -> memref<1x100000xf32, #tpu.memory_space<hbm>>
    %dma_start3A_4 = tpu.memref_squeeze %dma_start3A_3 : memref<1x100000xf32, #tpu.memory_space<hbm>> -> memref<100000xf32, #tpu.memory_space<hbm>>
    %dma_start3A_5 = arith.constant 0 : i32
    %dma_start3A_6 = tpu.memref_slice %arg2[%mul3A_2, %dma_start3A_5] : memref<64x100000xf32, #tpu.memory_space<hbm>> -> memref<1x100000xf32, #tpu.memory_space<hbm>>
    %dma_start3A_7 = tpu.memref_squeeze %dma_start3A_6 : memref<1x100000xf32, #tpu.memory_space<hbm>> -> memref<100000xf32, #tpu.memory_space<hbm>>
    tpu.enqueue_dma source(%dma_start3A_7 : memref<100000xf32, #tpu.memory_space<hbm>>) target(%arg5 : memref<100000xf32, #tpu.memory_space<vmem>>) target_semaphore(%arg9 : memref<!tpu.dma_semaphore, #tpu.memory_space<semaphore_mem>>)
    "tpu.region"() ({
      %run_scoped3A = tpu.sem_alloc : memref<!tpu.dma_semaphore, #tpu.memory_space<semaphore_mem>>
      tpu.enqueue_dma source(%arg3 : memref<16384xi32, #tpu.memory_space<hbm>>) target(%arg6 : memref<16384xi32, #tpu.memory_space<vmem>>) target_semaphore(%run_scoped3A : memref<!tpu.dma_semaphore, #tpu.memory_space<semaphore_mem>>)
      tpu.wait_dma2 semaphore(%run_scoped3A : memref<!tpu.dma_semaphore, #tpu.memory_space<semaphore_mem>>) src(%arg3 : memref<16384xi32, #tpu.memory_space<hbm>>) dst(%arg6 : memref<16384xi32, #tpu.memory_space<vmem>>)
      tpu.yield
    }) : () -> ()
    %dma_wait3A = arith.constant 0 : i32
    %dma_wait3A_8 = tpu.memref_slice %arg2[%mul3A_2, %dma_wait3A] : memref<64x100000xf32, #tpu.memory_space<hbm>> -> memref<1x100000xf32, #tpu.memory_space<hbm>>
    %dma_wait3A_9 = tpu.memref_squeeze %dma_wait3A_8 : memref<1x100000xf32, #tpu.memory_space<hbm>> -> memref<100000xf32, #tpu.memory_space<hbm>>
    %dma_wait3A_10 = arith.constant 0 : i32
    %dma_wait3A_11 = tpu.memref_slice %arg2[%mul3A_2, %dma_wait3A_10] : memref<64x100000xf32, #tpu.memory_space<hbm>> -> memref<1x100000xf32, #tpu.memory_space<hbm>>
    %dma_wait3A_12 = tpu.memref_squeeze %dma_wait3A_11 : memref<1x100000xf32, #tpu.memory_space<hbm>> -> memref<100000xf32, #tpu.memory_space<hbm>>
    tpu.wait_dma2 semaphore(%arg9 : memref<!tpu.dma_semaphore, #tpu.memory_space<semaphore_mem>>) src(%dma_wait3A_12 : memref<100000xf32, #tpu.memory_space<hbm>>) dst(%arg5 : memref<100000xf32, #tpu.memory_space<vmem>>)
    %add3A_13 = arith.constant 0 : i32
    %add3A_14 = arith.addi %mul3A_2, %add3A_13 : i32
    %scan3A = arith.constant 0 : i32
    %scan3A_15 = arith.constant 0 : i32
    %scan3A_16 = arith.constant 32 : i32
    %scan3A_17 = arith.addi %scan3A_15, %scan3A_16 : i32
    %scan3A_18 = arith.constant 2 : i32
    %scan3A_19 = scf.for %scan3A_280 = %scan3A_15 to %scan3A_17 step %scan3A_18 iter_args(%scan3A_281 = %scan3A) -> (i32)  : i32 {
      %mul3A_282 = arith.constant 128 : i32
      %mul3A_283 = arith.muli %scan3A_280, %mul3A_282 : i32
      %add3A_284 = arith.constant 0 : i32
      %add3A_285 = arith.addi %add3A_284, %mul3A_283 : i32
      %add3A_286 = arith.constant 0 : i32
      %add3A_287 = arith.addi %add3A_285, %add3A_286 : i32
      %get3A = arith.index_cast %add3A_287 : i32 to index
      %get3A_288 = tpu.vector_load %arg6[%get3A] {strides = array<i32>} : memref<16384xi32, #tpu.memory_space<vmem>>, vector<16xi32>,
      %add3A_289 = arith.constant 16 : i32
      %add3A_290 = arith.addi %add3A_285, %add3A_289 : i32
      %get3A_291 = arith.index_cast %add3A_290 : i32 to index
      %get3A_292 = tpu.vector_load %arg6[%get3A_291] {strides = array<i32>} : memref<16384xi32, #tpu.memory_space<vmem>>, vector<16xi32>,
      %add3A_293 = arith.constant 32 : i32
      %add3A_294 = arith.addi %add3A_285, %add3A_293 : i32
      %get3A_295 = arith.index_cast %add3A_294 : i32 to index
      %get3A_296 = tpu.vector_load %arg6[%get3A_295] {strides = array<i32>} : memref<16384xi32, #tpu.memory_space<vmem>>, vector<16xi32>,
      %add3A_297 = arith.constant 48 : i32
      %add3A_298 = arith.addi %add3A_285, %add3A_297 : i32
      %get3A_299 = arith.index_cast %add3A_298 : i32 to index
      %get3A_300 = tpu.vector_load %arg6[%get3A_299] {strides = array<i32>} : memref<16384xi32, #tpu.memory_space<vmem>>, vector<16xi32>,
      %add3A_301 = arith.constant 64 : i32
      %add3A_302 = arith.addi %add3A_285, %add3A_301 : i32
      %get3A_303 = arith.index_cast %add3A_302 : i32 to index
      %get3A_304 = tpu.vector_load %arg6[%get3A_303] {strides = array<i32>} : memref<16384xi32, #tpu.memory_space<vmem>>, vector<16xi32>,
      %add3A_305 = arith.constant 80 : i32
      %add3A_306 = arith.addi %add3A_285, %add3A_305 : i32
      %get3A_307 = arith.index_cast %add3A_306 : i32 to index
      %get3A_308 = tpu.vector_load %arg6[%get3A_307] {strides = array<i32>} : memref<16384xi32, #tpu.memory_space<vmem>>, vector<16xi32>,
      %add3A_309 = arith.constant 96 : i32
      %add3A_310 = arith.addi %add3A_285, %add3A_309 : i32
      %get3A_311 = arith.index_cast %add3A_310 : i32 to index
      %get3A_312 = tpu.vector_load %arg6[%get3A_311] {strides = array<i32>} : memref<16384xi32, #tpu.memory_space<vmem>>, vector<16xi32>,
      %add3A_313 = arith.constant 112 : i32
      %add3A_314 = arith.addi %add3A_285, %add3A_313 : i32
      %get3A_315 = arith.index_cast %add3A_314 : i32 to index
      %get3A_316 = tpu.vector_load %arg6[%get3A_315] {strides = array<i32>} : memref<16384xi32, #tpu.memory_space<vmem>>, vector<16xi32>,
      %gather3A = tpu.vector_load_idx %arg5[%get3A_288] : memref<100000xf32, #tpu.memory_space<vmem>>[vector<16xi32>], vector<16xf32>,
      %gather3A_317 = tpu.vector_load_idx %arg5[%get3A_292] : memref<100000xf32, #tpu.memory_space<vmem>>[vector<16xi32>], vector<16xf32>,
      %gather3A_318 = tpu.vector_load_idx %arg5[%get3A_296] : memref<100000xf32, #tpu.memory_space<vmem>>[vector<16xi32>], vector<16xf32>,
      %gather3A_319 = tpu.vector_load_idx %arg5[%get3A_300] : memref<100000xf32, #tpu.memory_space<vmem>>[vector<16xi32>], vector<16xf32>,
      %gather3A_320 = tpu.vector_load_idx %arg5[%get3A_304] : memref<100000xf32, #tpu.memory_space<vmem>>[vector<16xi32>], vector<16xf32>,
      %gather3A_321 = tpu.vector_load_idx %arg5[%get3A_308] : memref<100000xf32, #tpu.memory_space<vmem>>[vector<16xi32>], vector<16xf32>,
      %gather3A_322 = tpu.vector_load_idx %arg5[%get3A_312] : memref<100000xf32, #tpu.memory_space<vmem>>[vector<16xi32>], vector<16xf32>,
      %gather3A_323 = tpu.vector_load_idx %arg5[%get3A_316] : memref<100000xf32, #tpu.memory_space<vmem>>[vector<16xi32>], vector<16xf32>,
      %mul3A_324 = arith.constant 128 : i32
      %mul3A_325 = arith.muli %scan3A_280, %mul3A_324 : i32
      %add3A_326 = arith.constant 0 : i32
      %add3A_327 = arith.addi %mul3A_325, %add3A_326 : i32
      %swap3A = arith.constant 0 : i32
      %swap3A_328 = arith.index_cast %swap3A : i32 to index
      %swap3A_329 = arith.index_cast %add3A_327 : i32 to index
      %swap3A_330 = tpu.vector_load %arg7[%swap3A_328, %swap3A_329] {strides = array<i32>} : memref<2x4096xf32, #tpu.memory_space<vmem>>, vector<16xf32>,
      tpu.vector_store %arg7[%swap3A_328, %swap3A_329], %gather3A {strides = array<i32>} : memref<2x4096xf32, #tpu.memory_space<vmem>>, vector<16xf32>,
      %mul3A_331 = arith.constant 128 : i32
      %mul3A_332 = arith.muli %scan3A_280, %mul3A_331 : i32
      %add3A_333 = arith.constant 16 : i32
      %add3A_334 = arith.addi %mul3A_332, %add3A_333 : i32
      %swap3A_335 = arith.constant 0 : i32
      %swap3A_336 = arith.index_cast %swap3A_335 : i32 to index
      %swap3A_337 = arith.index_cast %add3A_334 : i32 to index
      %swap3A_338 = tpu.vector_load %arg7[%swap3A_336, %swap3A_337] {strides = array<i32>} : memref<2x4096xf32, #tpu.memory_space<vmem>>, vector<16xf32>,
      tpu.vector_store %arg7[%swap3A_336, %swap3A_337], %gather3A_317 {strides = array<i32>} : memref<2x4096xf32, #tpu.memory_space<vmem>>, vector<16xf32>,
      %mul3A_339 = arith.constant 128 : i32
      %mul3A_340 = arith.muli %scan3A_280, %mul3A_339 : i32
      %add3A_341 = arith.constant 32 : i32
      %add3A_342 = arith.addi %mul3A_340, %add3A_341 : i32
      %swap3A_343 = arith.constant 0 : i32
      %swap3A_344 = arith.index_cast %swap3A_343 : i32 to index
      %swap3A_345 = arith.index_cast %add3A_342 : i32 to index
      %swap3A_346 = tpu.vector_load %arg7[%swap3A_344, %swap3A_345] {strides = array<i32>} : memref<2x4096xf32, #tpu.memory_space<vmem>>, vector<16xf32>,
      tpu.vector_store %arg7[%swap3A_344, %swap3A_345], %gather3A_318 {strides = array<i32>} : memref<2x4096xf32, #tpu.memory_space<vmem>>, vector<16xf32>,
      %mul3A_347 = arith.constant 128 : i32
      %mul3A_348 = arith.muli %scan3A_280, %mul3A_347 : i32
      %add3A_349 = arith.constant 48 : i32
      %add3A_350 = arith.addi %mul3A_348, %add3A_349 : i32
      %swap3A_351 = arith.constant 0 : i32
      %swap3A_352 = arith.index_cast %swap3A_351 : i32 to index
      %swap3A_353 = arith.index_cast %add3A_350 : i32 to index
      %swap3A_354 = tpu.vector_load %arg7[%swap3A_352, %swap3A_353] {strides = array<i32>} : memref<2x4096xf32, #tpu.memory_space<vmem>>, vector<16xf32>,
      tpu.vector_store %arg7[%swap3A_352, %swap3A_353], %gather3A_319 {strides = array<i32>} : memref<2x4096xf32, #tpu.memory_space<vmem>>, vector<16xf32>,
      %mul3A_355 = arith.constant 128 : i32
      %mul3A_356 = arith.muli %scan3A_280, %mul3A_355 : i32
      %add3A_357 = arith.constant 64 : i32
      %add3A_358 = arith.addi %mul3A_356, %add3A_357 : i32
      %swap3A_359 = arith.constant 0 : i32
      %swap3A_360 = arith.index_cast %swap3A_359 : i32 to index
      %swap3A_361 = arith.index_cast %add3A_358 : i32 to index
      %swap3A_362 = tpu.vector_load %arg7[%swap3A_360, %swap3A_361] {strides = array<i32>} : memref<2x4096xf32, #tpu.memory_space<vmem>>, vector<16xf32>,
      tpu.vector_store %arg7[%swap3A_360, %swap3A_361], %gather3A_320 {strides = array<i32>} : memref<2x4096xf32, #tpu.memory_space<vmem>>, vector<16xf32>,
      %mul3A_363 = arith.constant 128 : i32
      %mul3A_364 = arith.muli %scan3A_280, %mul3A_363 : i32
      %add3A_365 = arith.constant 80 : i32
      %add3A_366 = arith.addi %mul3A_364, %add3A_365 : i32
      %swap3A_367 = arith.constant 0 : i32
      %swap3A_368 = arith.index_cast %swap3A_367 : i32 to index
      %swap3A_369 = arith.index_cast %add3A_366 : i32 to index
      %swap3A_370 = tpu.vector_load %arg7[%swap3A_368, %swap3A_369] {strides = array<i32>} : memref<2x4096xf32, #tpu.memory_space<vmem>>, vector<16xf32>,
      tpu.vector_store %arg7[%swap3A_368, %swap3A_369], %gather3A_321 {strides = array<i32>} : memref<2x4096xf32, #tpu.memory_space<vmem>>, vector<16xf32>,
      %mul3A_371 = arith.constant 128 : i32
      %mul3A_372 = arith.muli %scan3A_280, %mul3A_371 : i32
      %add3A_373 = arith.constant 96 : i32
      %add3A_374 = arith.addi %mul3A_372, %add3A_373 : i32
      %swap3A_375 = arith.constant 0 : i32
      %swap3A_376 = arith.index_cast %swap3A_375 : i32 to index
      %swap3A_377 = arith.index_cast %add3A_374 : i32 to index
      %swap3A_378 = tpu.vector_load %arg7[%swap3A_376, %swap3A_377] {strides = array<i32>} : memref<2x4096xf32, #tpu.memory_space<vmem>>, vector<16xf32>,
      tpu.vector_store %arg7[%swap3A_376, %swap3A_377], %gather3A_322 {strides = array<i32>} : memref<2x4096xf32, #tpu.memory_space<vmem>>, vector<16xf32>,
      %mul3A_379 = arith.constant 128 : i32
      %mul3A_380 = arith.muli %scan3A_280, %mul3A_379 : i32
      %add3A_381 = arith.constant 112 : i32
      %add3A_382 = arith.addi %mul3A_380, %add3A_381 : i32
      %swap3A_383 = arith.constant 0 : i32
      %swap3A_384 = arith.index_cast %swap3A_383 : i32 to index
      %swap3A_385 = arith.index_cast %add3A_382 : i32 to index
      %swap3A_386 = tpu.vector_load %arg7[%swap3A_384, %swap3A_385] {strides = array<i32>} : memref<2x4096xf32, #tpu.memory_space<vmem>>, vector<16xf32>,
      tpu.vector_store %arg7[%swap3A_384, %swap3A_385], %gather3A_323 {strides = array<i32>} : memref<2x4096xf32, #tpu.memory_space<vmem>>, vector<16xf32>,
      %scan3A_387 = arith.constant 0 : i32
      %scan3A_388 = arith.constant 1 : i32
      %scan3A_389 = arith.addi %scan3A_280, %scan3A_388 : i32
      %mul3A_390 = arith.constant 128 : i32
      %mul3A_391 = arith.muli %scan3A_389, %mul3A_390 : i32
      %add3A_392 = arith.constant 0 : i32
      %add3A_393 = arith.addi %add3A_392, %mul3A_391 : i32
      %add3A_394 = arith.constant 0 : i32
      %add3A_395 = arith.addi %add3A_393, %add3A_394 : i32
      %get3A_396 = arith.index_cast %add3A_395 : i32 to index
      %get3A_397 = tpu.vector_load %arg6[%get3A_396] {strides = array<i32>} : memref<16384xi32, #tpu.memory_space<vmem>>, vector<16xi32>,
      %add3A_398 = arith.constant 16 : i32
      %add3A_399 = arith.addi %add3A_393, %add3A_398 : i32
      %get3A_400 = arith.index_cast %add3A_399 : i32 to index
      %get3A_401 = tpu.vector_load %arg6[%get3A_400] {strides = array<i32>} : memref<16384xi32, #tpu.memory_space<vmem>>, vector<16xi32>,
      %add3A_402 = arith.constant 32 : i32
      %add3A_403 = arith.addi %add3A_393, %add3A_402 : i32
      %get3A_404 = arith.index_cast %add3A_403 : i32 to index
      %get3A_405 = tpu.vector_load %arg6[%get3A_404] {strides = array<i32>} : memref<16384xi32, #tpu.memory_space<vmem>>, vector<16xi32>,
      %add3A_406 = arith.constant 48 : i32
      %add3A_407 = arith.addi %add3A_393, %add3A_406 : i32
      %get3A_408 = arith.index_cast %add3A_407 : i32 to index
      %get3A_409 = tpu.vector_load %arg6[%get3A_408] {strides = array<i32>} : memref<16384xi32, #tpu.memory_space<vmem>>, vector<16xi32>,
      %add3A_410 = arith.constant 64 : i32
      %add3A_411 = arith.addi %add3A_393, %add3A_410 : i32
      %get3A_412 = arith.index_cast %add3A_411 : i32 to index
      %get3A_413 = tpu.vector_load %arg6[%get3A_412] {strides = array<i32>} : memref<16384xi32, #tpu.memory_space<vmem>>, vector<16xi32>,
      %add3A_414 = arith.constant 80 : i32
      %add3A_415 = arith.addi %add3A_393, %add3A_414 : i32
      %get3A_416 = arith.index_cast %add3A_415 : i32 to index
      %get3A_417 = tpu.vector_load %arg6[%get3A_416] {strides = array<i32>} : memref<16384xi32, #tpu.memory_space<vmem>>, vector<16xi32>,
      %add3A_418 = arith.constant 96 : i32
      %add3A_419 = arith.addi %add3A_393, %add3A_418 : i32
      %get3A_420 = arith.index_cast %add3A_419 : i32 to index
      %get3A_421 = tpu.vector_load %arg6[%get3A_420] {strides = array<i32>} : memref<16384xi32, #tpu.memory_space<vmem>>, vector<16xi32>,
      %add3A_422 = arith.constant 112 : i32
      %add3A_423 = arith.addi %add3A_393, %add3A_422 : i32
      %get3A_424 = arith.index_cast %add3A_423 : i32 to index
      %get3A_425 = tpu.vector_load %arg6[%get3A_424] {strides = array<i32>} : memref<16384xi32, #tpu.memory_space<vmem>>, vector<16xi32>,
      %gather3A_426 = tpu.vector_load_idx %arg5[%get3A_397] : memref<100000xf32, #tpu.memory_space<vmem>>[vector<16xi32>], vector<16xf32>,
      %gather3A_427 = tpu.vector_load_idx %arg5[%get3A_401] : memref<100000xf32, #tpu.memory_space<vmem>>[vector<16xi32>], vector<16xf32>,
      %gather3A_428 = tpu.vector_load_idx %arg5[%get3A_405] : memref<100000xf32, #tpu.memory_space<vmem>>[vector<16xi32>], vector<16xf32>,
      %gather3A_429 = tpu.vector_load_idx %arg5[%get3A_409] : memref<100000xf32, #tpu.memory_space<vmem>>[vector<16xi32>], vector<16xf32>,
      %gather3A_430 = tpu.vector_load_idx %arg5[%get3A_413] : memref<100000xf32, #tpu.memory_space<vmem>>[vector<16xi32>], vector<16xf32>,
      %gather3A_431 = tpu.vector_load_idx %arg5[%get3A_417] : memref<100000xf32, #tpu.memory_space<vmem>>[vector<16xi32>], vector<16xf32>,
      %gather3A_432 = tpu.vector_load_idx %arg5[%get3A_421] : memref<100000xf32, #tpu.memory_space<vmem>>[vector<16xi32>], vector<16xf32>,
      %gather3A_433 = tpu.vector_load_idx %arg5[%get3A_425] : memref<100000xf32, #tpu.memory_space<vmem>>[vector<16xi32>], vector<16xf32>,
      %mul3A_434 = arith.constant 128 : i32
      %mul3A_435 = arith.muli %scan3A_389, %mul3A_434 : i32
      %add3A_436 = arith.constant 0 : i32
      %add3A_437 = arith.addi %mul3A_435, %add3A_436 : i32
      %swap3A_438 = arith.constant 0 : i32
      %swap3A_439 = arith.index_cast %swap3A_438 : i32 to index
      %swap3A_440 = arith.index_cast %add3A_437 : i32 to index
      %swap3A_441 = tpu.vector_load %arg7[%swap3A_439, %swap3A_440] {strides = array<i32>} : memref<2x4096xf32, #tpu.memory_space<vmem>>, vector<16xf32>,
      tpu.vector_store %arg7[%swap3A_439, %swap3A_440], %gather3A_426 {strides = array<i32>} : memref<2x4096xf32, #tpu.memory_space<vmem>>, vector<16xf32>,
      %mul3A_442 = arith.constant 128 : i32
      %mul3A_443 = arith.muli %scan3A_389, %mul3A_442 : i32
      %add3A_444 = arith.constant 16 : i32
      %add3A_445 = arith.addi %mul3A_443, %add3A_444 : i32
      %swap3A_446 = arith.constant 0 : i32
      %swap3A_447 = arith.index_cast %swap3A_446 : i32 to index
      %swap3A_448 = arith.index_cast %add3A_445 : i32 to index
      %swap3A_449 = tpu.vector_load %arg7[%swap3A_447, %swap3A_448] {strides = array<i32>} : memref<2x4096xf32, #tpu.memory_space<vmem>>, vector<16xf32>,
      tpu.vector_store %arg7[%swap3A_447, %swap3A_448], %gather3A_427 {strides = array<i32>} : memref<2x4096xf32, #tpu.memory_space<vmem>>, vector<16xf32>,
      %mul3A_450 = arith.constant 128 : i32
      %mul3A_451 = arith.muli %scan3A_389, %mul3A_450 : i32
      %add3A_452 = arith.constant 32 : i32
      %add3A_453 = arith.addi %mul3A_451, %add3A_452 : i32
      %swap3A_454 = arith.constant 0 : i32
      %swap3A_455 = arith.index_cast %swap3A_454 : i32 to index
      %swap3A_456 = arith.index_cast %add3A_453 : i32 to index
      %swap3A_457 = tpu.vector_load %arg7[%swap3A_455, %swap3A_456] {strides = array<i32>} : memref<2x4096xf32, #tpu.memory_space<vmem>>, vector<16xf32>,
      tpu.vector_store %arg7[%swap3A_455, %swap3A_456], %gather3A_428 {strides = array<i32>} : memref<2x4096xf32, #tpu.memory_space<vmem>>, vector<16xf32>,
      %mul3A_458 = arith.constant 128 : i32
      %mul3A_459 = arith.muli %scan3A_389, %mul3A_458 : i32
      %add3A_460 = arith.constant 48 : i32
      %add3A_461 = arith.addi %mul3A_459, %add3A_460 : i32
      %swap3A_462 = arith.constant 0 : i32
      %swap3A_463 = arith.index_cast %swap3A_462 : i32 to index
      %swap3A_464 = arith.index_cast %add3A_461 : i32 to index
      %swap3A_465 = tpu.vector_load %arg7[%swap3A_463, %swap3A_464] {strides = array<i32>} : memref<2x4096xf32, #tpu.memory_space<vmem>>, vector<16xf32>,
      tpu.vector_store %arg7[%swap3A_463, %swap3A_464], %gather3A_429 {strides = array<i32>} : memref<2x4096xf32, #tpu.memory_space<vmem>>, vector<16xf32>,
      %mul3A_466 = arith.constant 128 : i32
      %mul3A_467 = arith.muli %scan3A_389, %mul3A_466 : i32
      %add3A_468 = arith.constant 64 : i32
      %add3A_469 = arith.addi %mul3A_467, %add3A_468 : i32
      %swap3A_470 = arith.constant 0 : i32
      %swap3A_471 = arith.index_cast %swap3A_470 : i32 to index
      %swap3A_472 = arith.index_cast %add3A_469 : i32 to index
      %swap3A_473 = tpu.vector_load %arg7[%swap3A_471, %swap3A_472] {strides = array<i32>} : memref<2x4096xf32, #tpu.memory_space<vmem>>, vector<16xf32>,
      tpu.vector_store %arg7[%swap3A_471, %swap3A_472], %gather3A_430 {strides = array<i32>} : memref<2x4096xf32, #tpu.memory_space<vmem>>, vector<16xf32>,
      %mul3A_474 = arith.constant 128 : i32
      %mul3A_475 = arith.muli %scan3A_389, %mul3A_474 : i32
      %add3A_476 = arith.constant 80 : i32
      %add3A_477 = arith.addi %mul3A_475, %add3A_476 : i32
      %swap3A_478 = arith.constant 0 : i32
      %swap3A_479 = arith.index_cast %swap3A_478 : i32 to index
      %swap3A_480 = arith.index_cast %add3A_477 : i32 to index
      %swap3A_481 = tpu.vector_load %arg7[%swap3A_479, %swap3A_480] {strides = array<i32>} : memref<2x4096xf32, #tpu.memory_space<vmem>>, vector<16xf32>,
      tpu.vector_store %arg7[%swap3A_479, %swap3A_480], %gather3A_431 {strides = array<i32>} : memref<2x4096xf32, #tpu.memory_space<vmem>>, vector<16xf32>,
      %mul3A_482 = arith.constant 128 : i32
      %mul3A_483 = arith.muli %scan3A_389, %mul3A_482 : i32
      %add3A_484 = arith.constant 96 : i32
      %add3A_485 = arith.addi %mul3A_483, %add3A_484 : i32
      %swap3A_486 = arith.constant 0 : i32
      %swap3A_487 = arith.index_cast %swap3A_486 : i32 to index
      %swap3A_488 = arith.index_cast %add3A_485 : i32 to index
      %swap3A_489 = tpu.vector_load %arg7[%swap3A_487, %swap3A_488] {strides = array<i32>} : memref<2x4096xf32, #tpu.memory_space<vmem>>, vector<16xf32>,
      tpu.vector_store %arg7[%swap3A_487, %swap3A_488], %gather3A_432 {strides = array<i32>} : memref<2x4096xf32, #tpu.memory_space<vmem>>, vector<16xf32>,
      %mul3A_490 = arith.constant 128 : i32
      %mul3A_491 = arith.muli %scan3A_389, %mul3A_490 : i32
      %add3A_492 = arith.constant 112 : i32
      %add3A_493 = arith.addi %mul3A_491, %add3A_492 : i32
      %swap3A_494 = arith.constant 0 : i32
      %swap3A_495 = arith.index_cast %swap3A_494 : i32 to index
      %swap3A_496 = arith.index_cast %add3A_493 : i32 to index
      %swap3A_497 = tpu.vector_load %arg7[%swap3A_495, %swap3A_496] {strides = array<i32>} : memref<2x4096xf32, #tpu.memory_space<vmem>>, vector<16xf32>,
      tpu.vector_store %arg7[%swap3A_495, %swap3A_496], %gather3A_433 {strides = array<i32>} : memref<2x4096xf32, #tpu.memory_space<vmem>>, vector<16xf32>,
      %scan3A_498 = arith.constant 0 : i32
      scf.yield %scan3A_498 : i32
    }
    %scan3A_20 = arith.constant 32 : i32
    %dma_start3A_21 = arith.constant 0 : i32
    %dma_start3A_22 = arith.constant 0 : i32
    %dma_start3A_23 = tpu.memref_slice %arg7[%dma_start3A_21, %dma_start3A_22] : memref<2x4096xf32, #tpu.memory_space<vmem>> -> memref<1x4096xf32, #tpu.memory_space<vmem>>
    %dma_start3A_24 = tpu.memref_squeeze %dma_start3A_23 : memref<1x4096xf32, #tpu.memory_space<vmem>> -> memref<4096xf32, #tpu.memory_space<vmem>>
    %dma_start3A_25 = arith.constant 0 : i32
    %dma_start3A_26 = tpu.memref_slice %arg4[%add3A_14, %dma_start3A_25] : memref<64x16384xf32, #tpu.memory_space<hbm>> -> memref<1x4096xf32, #tpu.memory_space<hbm>>
    %dma_start3A_27 = tpu.memref_squeeze %dma_start3A_26 : memref<1x4096xf32, #tpu.memory_space<hbm>> -> memref<4096xf32, #tpu.memory_space<hbm>>
    %dma_start3A_28 = arith.constant 0 : i32
    %dma_start3A_29 = tpu.memref_slice %arg4[%add3A_14, %dma_start3A_28] : memref<64x16384xf32, #tpu.memory_space<hbm>> -> memref<1x4096xf32, #tpu.memory_space<hbm>>
    %dma_start3A_30 = tpu.memref_squeeze %dma_start3A_29 : memref<1x4096xf32, #tpu.memory_space<hbm>> -> memref<4096xf32, #tpu.memory_space<hbm>>
    %dma_start3A_31 = arith.constant 0 : i32
    %dma_start3A_32 = tpu.memref_slice %arg7[%dma_start3A_21, %dma_start3A_31] : memref<2x4096xf32, #tpu.memory_space<vmem>> -> memref<1x4096xf32, #tpu.memory_space<vmem>>
    %dma_start3A_33 = tpu.memref_squeeze %dma_start3A_32 : memref<1x4096xf32, #tpu.memory_space<vmem>> -> memref<4096xf32, #tpu.memory_space<vmem>>
    tpu.enqueue_dma source(%dma_start3A_33 : memref<4096xf32, #tpu.memory_space<vmem>>) target(%dma_start3A_30 : memref<4096xf32, #tpu.memory_space<hbm>>) target_semaphore(%arg8 : memref<!tpu.dma_semaphore, #tpu.memory_space<semaphore_mem>>)
    %scan3A_34 = arith.constant 0 : i32
    %scan3A_35 = arith.constant 0 : i32
    %scan3A_36 = arith.constant 32 : i32
    %scan3A_37 = arith.addi %scan3A_35, %scan3A_36 : i32
    %scan3A_38 = arith.constant 2 : i32
    %scan3A_39 = scf.for %scan3A_280 = %scan3A_35 to %scan3A_37 step %scan3A_38 iter_args(%scan3A_281 = %scan3A_34) -> (i32)  : i32 {
      %mul3A_282 = arith.constant 128 : i32
      %mul3A_283 = arith.muli %scan3A_280, %mul3A_282 : i32
      %add3A_284 = arith.constant 4096 : i32
      %add3A_285 = arith.addi %add3A_284, %mul3A_283 : i32
      %add3A_286 = arith.constant 0 : i32
      %add3A_287 = arith.addi %add3A_285, %add3A_286 : i32
      %get3A = arith.index_cast %add3A_287 : i32 to index
      %get3A_288 = tpu.vector_load %arg6[%get3A] {strides = array<i32>} : memref<16384xi32, #tpu.memory_space<vmem>>, vector<16xi32>,
      %add3A_289 = arith.constant 16 : i32
      %add3A_290 = arith.addi %add3A_285, %add3A_289 : i32
      %get3A_291 = arith.index_cast %add3A_290 : i32 to index
      %get3A_292 = tpu.vector_load %arg6[%get3A_291] {strides = array<i32>} : memref<16384xi32, #tpu.memory_space<vmem>>, vector<16xi32>,
      %add3A_293 = arith.constant 32 : i32
      %add3A_294 = arith.addi %add3A_285, %add3A_293 : i32
      %get3A_295 = arith.index_cast %add3A_294 : i32 to index
      %get3A_296 = tpu.vector_load %arg6[%get3A_295] {strides = array<i32>} : memref<16384xi32, #tpu.memory_space<vmem>>, vector<16xi32>,
      %add3A_297 = arith.constant 48 : i32
      %add3A_298 = arith.addi %add3A_285, %add3A_297 : i32
      %get3A_299 = arith.index_cast %add3A_298 : i32 to index
      %get3A_300 = tpu.vector_load %arg6[%get3A_299] {strides = array<i32>} : memref<16384xi32, #tpu.memory_space<vmem>>, vector<16xi32>,
      %add3A_301 = arith.constant 64 : i32
      %add3A_302 = arith.addi %add3A_285, %add3A_301 : i32
      %get3A_303 = arith.index_cast %add3A_302 : i32 to index
      %get3A_304 = tpu.vector_load %arg6[%get3A_303] {strides = array<i32>} : memref<16384xi32, #tpu.memory_space<vmem>>, vector<16xi32>,
      %add3A_305 = arith.constant 80 : i32
      %add3A_306 = arith.addi %add3A_285, %add3A_305 : i32
      %get3A_307 = arith.index_cast %add3A_306 : i32 to index
      %get3A_308 = tpu.vector_load %arg6[%get3A_307] {strides = array<i32>} : memref<16384xi32, #tpu.memory_space<vmem>>, vector<16xi32>,
      %add3A_309 = arith.constant 96 : i32
      %add3A_310 = arith.addi %add3A_285, %add3A_309 : i32
      %get3A_311 = arith.index_cast %add3A_310 : i32 to index
      %get3A_312 = tpu.vector_load %arg6[%get3A_311] {strides = array<i32>} : memref<16384xi32, #tpu.memory_space<vmem>>, vector<16xi32>,
      %add3A_313 = arith.constant 112 : i32
      %add3A_314 = arith.addi %add3A_285, %add3A_313 : i32
      %get3A_315 = arith.index_cast %add3A_314 : i32 to index
      %get3A_316 = tpu.vector_load %arg6[%get3A_315] {strides = array<i32>} : memref<16384xi32, #tpu.memory_space<vmem>>, vector<16xi32>,
      %gather3A = tpu.vector_load_idx %arg5[%get3A_288] : memref<100000xf32, #tpu.memory_space<vmem>>[vector<16xi32>], vector<16xf32>,
      %gather3A_317 = tpu.vector_load_idx %arg5[%get3A_292] : memref<100000xf32, #tpu.memory_space<vmem>>[vector<16xi32>], vector<16xf32>,
      %gather3A_318 = tpu.vector_load_idx %arg5[%get3A_296] : memref<100000xf32, #tpu.memory_space<vmem>>[vector<16xi32>], vector<16xf32>,
      %gather3A_319 = tpu.vector_load_idx %arg5[%get3A_300] : memref<100000xf32, #tpu.memory_space<vmem>>[vector<16xi32>], vector<16xf32>,
      %gather3A_320 = tpu.vector_load_idx %arg5[%get3A_304] : memref<100000xf32, #tpu.memory_space<vmem>>[vector<16xi32>], vector<16xf32>,
      %gather3A_321 = tpu.vector_load_idx %arg5[%get3A_308] : memref<100000xf32, #tpu.memory_space<vmem>>[vector<16xi32>], vector<16xf32>,
      %gather3A_322 = tpu.vector_load_idx %arg5[%get3A_312] : memref<100000xf32, #tpu.memory_space<vmem>>[vector<16xi32>], vector<16xf32>,
      %gather3A_323 = tpu.vector_load_idx %arg5[%get3A_316] : memref<100000xf32, #tpu.memory_space<vmem>>[vector<16xi32>], vector<16xf32>,
      %mul3A_324 = arith.constant 128 : i32
      %mul3A_325 = arith.muli %scan3A_280, %mul3A_324 : i32
      %add3A_326 = arith.constant 0 : i32
      %add3A_327 = arith.addi %mul3A_325, %add3A_326 : i32
      %swap3A = arith.constant 1 : i32
      %swap3A_328 = arith.index_cast %swap3A : i32 to index
      %swap3A_329 = arith.index_cast %add3A_327 : i32 to index
      %swap3A_330 = tpu.vector_load %arg7[%swap3A_328, %swap3A_329] {strides = array<i32>} : memref<2x4096xf32, #tpu.memory_space<vmem>>, vector<16xf32>,
      tpu.vector_store %arg7[%swap3A_328, %swap3A_329], %gather3A {strides = array<i32>} : memref<2x4096xf32, #tpu.memory_space<vmem>>, vector<16xf32>,
      %mul3A_331 = arith.constant 128 : i32
      %mul3A_332 = arith.muli %scan3A_280, %mul3A_331 : i32
      %add3A_333 = arith.constant 16 : i32
      %add3A_334 = arith.addi %mul3A_332, %add3A_333 : i32
      %swap3A_335 = arith.constant 1 : i32
      %swap3A_336 = arith.index_cast %swap3A_335 : i32 to index
      %swap3A_337 = arith.index_cast %add3A_334 : i32 to index
      %swap3A_338 = tpu.vector_load %arg7[%swap3A_336, %swap3A_337] {strides = array<i32>} : memref<2x4096xf32, #tpu.memory_space<vmem>>, vector<16xf32>,
      tpu.vector_store %arg7[%swap3A_336, %swap3A_337], %gather3A_317 {strides = array<i32>} : memref<2x4096xf32, #tpu.memory_space<vmem>>, vector<16xf32>,
      %mul3A_339 = arith.constant 128 : i32
      %mul3A_340 = arith.muli %scan3A_280, %mul3A_339 : i32
      %add3A_341 = arith.constant 32 : i32
      %add3A_342 = arith.addi %mul3A_340, %add3A_341 : i32
      %swap3A_343 = arith.constant 1 : i32
      %swap3A_344 = arith.index_cast %swap3A_343 : i32 to index
      %swap3A_345 = arith.index_cast %add3A_342 : i32 to index
      %swap3A_346 = tpu.vector_load %arg7[%swap3A_344, %swap3A_345] {strides = array<i32>} : memref<2x4096xf32, #tpu.memory_space<vmem>>, vector<16xf32>,
      tpu.vector_store %arg7[%swap3A_344, %swap3A_345], %gather3A_318 {strides = array<i32>} : memref<2x4096xf32, #tpu.memory_space<vmem>>, vector<16xf32>,
      %mul3A_347 = arith.constant 128 : i32
      %mul3A_348 = arith.muli %scan3A_280, %mul3A_347 : i32
      %add3A_349 = arith.constant 48 : i32
      %add3A_350 = arith.addi %mul3A_348, %add3A_349 : i32
      %swap3A_351 = arith.constant 1 : i32
      %swap3A_352 = arith.index_cast %swap3A_351 : i32 to index
      %swap3A_353 = arith.index_cast %add3A_350 : i32 to index
      %swap3A_354 = tpu.vector_load %arg7[%swap3A_352, %swap3A_353] {strides = array<i32>} : memref<2x4096xf32, #tpu.memory_space<vmem>>, vector<16xf32>,
      tpu.vector_store %arg7[%swap3A_352, %swap3A_353], %gather3A_319 {strides = array<i32>} : memref<2x4096xf32, #tpu.memory_space<vmem>>, vector<16xf32>,
      %mul3A_355 = arith.constant 128 : i32
      %mul3A_356 = arith.muli %scan3A_280, %mul3A_355 : i32
      %add3A_357 = arith.constant 64 : i32
      %add3A_358 = arith.addi %mul3A_356, %add3A_357 : i32
      %swap3A_359 = arith.constant 1 : i32
      %swap3A_360 = arith.index_cast %swap3A_359 : i32 to index
      %swap3A_361 = arith.index_cast %add3A_358 : i32 to index
      %swap3A_362 = tpu.vector_load %arg7[%swap3A_360, %swap3A_361] {strides = array<i32>} : memref<2x4096xf32, #tpu.memory_space<vmem>>, vector<16xf32>,
      tpu.vector_store %arg7[%swap3A_360, %swap3A_361], %gather3A_320 {strides = array<i32>} : memref<2x4096xf32, #tpu.memory_space<vmem>>, vector<16xf32>,
      %mul3A_363 = arith.constant 128 : i32
      %mul3A_364 = arith.muli %scan3A_280, %mul3A_363 : i32
      %add3A_365 = arith.constant 80 : i32
      %add3A_366 = arith.addi %mul3A_364, %add3A_365 : i32
      %swap3A_367 = arith.constant 1 : i32
      %swap3A_368 = arith.index_cast %swap3A_367 : i32 to index
      %swap3A_369 = arith.index_cast %add3A_366 : i32 to index
      %swap3A_370 = tpu.vector_load %arg7[%swap3A_368, %swap3A_369] {strides = array<i32>} : memref<2x4096xf32, #tpu.memory_space<vmem>>, vector<16xf32>,
      tpu.vector_store %arg7[%swap3A_368, %swap3A_369], %gather3A_321 {strides = array<i32>} : memref<2x4096xf32, #tpu.memory_space<vmem>>, vector<16xf32>,
      %mul3A_371 = arith.constant 128 : i32
      %mul3A_372 = arith.muli %scan3A_280, %mul3A_371 : i32
      %add3A_373 = arith.constant 96 : i32
      %add3A_374 = arith.addi %mul3A_372, %add3A_373 : i32
      %swap3A_375 = arith.constant 1 : i32
      %swap3A_376 = arith.index_cast %swap3A_375 : i32 to index
      %swap3A_377 = arith.index_cast %add3A_374 : i32 to index
      %swap3A_378 = tpu.vector_load %arg7[%swap3A_376, %swap3A_377] {strides = array<i32>} : memref<2x4096xf32, #tpu.memory_space<vmem>>, vector<16xf32>,
      tpu.vector_store %arg7[%swap3A_376, %swap3A_377], %gather3A_322 {strides = array<i32>} : memref<2x4096xf32, #tpu.memory_space<vmem>>, vector<16xf32>,
      %mul3A_379 = arith.constant 128 : i32
      %mul3A_380 = arith.muli %scan3A_280, %mul3A_379 : i32
      %add3A_381 = arith.constant 112 : i32
      %add3A_382 = arith.addi %mul3A_380, %add3A_381 : i32
      %swap3A_383 = arith.constant 1 : i32
      %swap3A_384 = arith.index_cast %swap3A_383 : i32 to index
      %swap3A_385 = arith.index_cast %add3A_382 : i32 to index
      %swap3A_386 = tpu.vector_load %arg7[%swap3A_384, %swap3A_385] {strides = array<i32>} : memref<2x4096xf32, #tpu.memory_space<vmem>>, vector<16xf32>,
      tpu.vector_store %arg7[%swap3A_384, %swap3A_385], %gather3A_323 {strides = array<i32>} : memref<2x4096xf32, #tpu.memory_space<vmem>>, vector<16xf32>,
      %scan3A_387 = arith.constant 0 : i32
      %scan3A_388 = arith.constant 1 : i32
      %scan3A_389 = arith.addi %scan3A_280, %scan3A_388 : i32
      %mul3A_390 = arith.constant 128 : i32
      %mul3A_391 = arith.muli %scan3A_389, %mul3A_390 : i32
      %add3A_392 = arith.constant 4096 : i32
      %add3A_393 = arith.addi %add3A_392, %mul3A_391 : i32
      %add3A_394 = arith.constant 0 : i32
      %add3A_395 = arith.addi %add3A_393, %add3A_394 : i32
      %get3A_396 = arith.index_cast %add3A_395 : i32 to index
      %get3A_397 = tpu.vector_load %arg6[%get3A_396] {strides = array<i32>} : memref<16384xi32, #tpu.memory_space<vmem>>, vector<16xi32>,
      %add3A_398 = arith.constant 16 : i32
      %add3A_399 = arith.addi %add3A_393, %add3A_398 : i32
      %get3A_400 = arith.index_cast %add3A_399 : i32 to index
      %get3A_401 = tpu.vector_load %arg6[%get3A_400] {strides = array<i32>} : memref<16384xi32, #tpu.memory_space<vmem>>, vector<16xi32>,
      %add3A_402 = arith.constant 32 : i32
      %add3A_403 = arith.addi %add3A_393, %add3A_402 : i32
      %get3A_404 = arith.index_cast %add3A_403 : i32 to index
      %get3A_405 = tpu.vector_load %arg6[%get3A_404] {strides = array<i32>} : memref<16384xi32, #tpu.memory_space<vmem>>, vector<16xi32>,
      %add3A_406 = arith.constant 48 : i32
      %add3A_407 = arith.addi %add3A_393, %add3A_406 : i32
      %get3A_408 = arith.index_cast %add3A_407 : i32 to index
      %get3A_409 = tpu.vector_load %arg6[%get3A_408] {strides = array<i32>} : memref<16384xi32, #tpu.memory_space<vmem>>, vector<16xi32>,
      %add3A_410 = arith.constant 64 : i32
      %add3A_411 = arith.addi %add3A_393, %add3A_410 : i32
      %get3A_412 = arith.index_cast %add3A_411 : i32 to index
      %get3A_413 = tpu.vector_load %arg6[%get3A_412] {strides = array<i32>} : memref<16384xi32, #tpu.memory_space<vmem>>, vector<16xi32>,
      %add3A_414 = arith.constant 80 : i32
      %add3A_415 = arith.addi %add3A_393, %add3A_414 : i32
      %get3A_416 = arith.index_cast %add3A_415 : i32 to index
      %get3A_417 = tpu.vector_load %arg6[%get3A_416] {strides = array<i32>} : memref<16384xi32, #tpu.memory_space<vmem>>, vector<16xi32>,
      %add3A_418 = arith.constant 96 : i32
      %add3A_419 = arith.addi %add3A_393, %add3A_418 : i32
      %get3A_420 = arith.index_cast %add3A_419 : i32 to index
      %get3A_421 = tpu.vector_load %arg6[%get3A_420] {strides = array<i32>} : memref<16384xi32, #tpu.memory_space<vmem>>, vector<16xi32>,
      %add3A_422 = arith.constant 112 : i32
      %add3A_423 = arith.addi %add3A_393, %add3A_422 : i32
      %get3A_424 = arith.index_cast %add3A_423 : i32 to index
      %get3A_425 = tpu.vector_load %arg6[%get3A_424] {strides = array<i32>} : memref<16384xi32, #tpu.memory_space<vmem>>, vector<16xi32>,
      %gather3A_426 = tpu.vector_load_idx %arg5[%get3A_397] : memref<100000xf32, #tpu.memory_space<vmem>>[vector<16xi32>], vector<16xf32>,
      %gather3A_427 = tpu.vector_load_idx %arg5[%get3A_401] : memref<100000xf32, #tpu.memory_space<vmem>>[vector<16xi32>], vector<16xf32>,
      %gather3A_428 = tpu.vector_load_idx %arg5[%get3A_405] : memref<100000xf32, #tpu.memory_space<vmem>>[vector<16xi32>], vector<16xf32>,
      %gather3A_429 = tpu.vector_load_idx %arg5[%get3A_409] : memref<100000xf32, #tpu.memory_space<vmem>>[vector<16xi32>], vector<16xf32>,
      %gather3A_430 = tpu.vector_load_idx %arg5[%get3A_413] : memref<100000xf32, #tpu.memory_space<vmem>>[vector<16xi32>], vector<16xf32>,
      %gather3A_431 = tpu.vector_load_idx %arg5[%get3A_417] : memref<100000xf32, #tpu.memory_space<vmem>>[vector<16xi32>], vector<16xf32>,
      %gather3A_432 = tpu.vector_load_idx %arg5[%get3A_421] : memref<100000xf32, #tpu.memory_space<vmem>>[vector<16xi32>], vector<16xf32>,
      %gather3A_433 = tpu.vector_load_idx %arg5[%get3A_425] : memref<100000xf32, #tpu.memory_space<vmem>>[vector<16xi32>], vector<16xf32>,
      %mul3A_434 = arith.constant 128 : i32
      %mul3A_435 = arith.muli %scan3A_389, %mul3A_434 : i32
      %add3A_436 = arith.constant 0 : i32
      %add3A_437 = arith.addi %mul3A_435, %add3A_436 : i32
      %swap3A_438 = arith.constant 1 : i32
      %swap3A_439 = arith.index_cast %swap3A_438 : i32 to index
      %swap3A_440 = arith.index_cast %add3A_437 : i32 to index
      %swap3A_441 = tpu.vector_load %arg7[%swap3A_439, %swap3A_440] {strides = array<i32>} : memref<2x4096xf32, #tpu.memory_space<vmem>>, vector<16xf32>,
      tpu.vector_store %arg7[%swap3A_439, %swap3A_440], %gather3A_426 {strides = array<i32>} : memref<2x4096xf32, #tpu.memory_space<vmem>>, vector<16xf32>,
      %mul3A_442 = arith.constant 128 : i32
      %mul3A_443 = arith.muli %scan3A_389, %mul3A_442 : i32
      %add3A_444 = arith.constant 16 : i32
      %add3A_445 = arith.addi %mul3A_443, %add3A_444 : i32
      %swap3A_446 = arith.constant 1 : i32
      %swap3A_447 = arith.index_cast %swap3A_446 : i32 to index
      %swap3A_448 = arith.index_cast %add3A_445 : i32 to index
      %swap3A_449 = tpu.vector_load %arg7[%swap3A_447, %swap3A_448] {strides = array<i32>} : memref<2x4096xf32, #tpu.memory_space<vmem>>, vector<16xf32>,
      tpu.vector_store %arg7[%swap3A_447, %swap3A_448], %gather3A_427 {strides = array<i32>} : memref<2x4096xf32, #tpu.memory_space<vmem>>, vector<16xf32>,
      %mul3A_450 = arith.constant 128 : i32
      %mul3A_451 = arith.muli %scan3A_389, %mul3A_450 : i32
      %add3A_452 = arith.constant 32 : i32
      %add3A_453 = arith.addi %mul3A_451, %add3A_452 : i32
      %swap3A_454 = arith.constant 1 : i32
      %swap3A_455 = arith.index_cast %swap3A_454 : i32 to index
      %swap3A_456 = arith.index_cast %add3A_453 : i32 to index
      %swap3A_457 = tpu.vector_load %arg7[%swap3A_455, %swap3A_456] {strides = array<i32>} : memref<2x4096xf32, #tpu.memory_space<vmem>>, vector<16xf32>,
      tpu.vector_store %arg7[%swap3A_455, %swap3A_456], %gather3A_428 {strides = array<i32>} : memref<2x4096xf32, #tpu.memory_space<vmem>>, vector<16xf32>,
      %mul3A_458 = arith.constant 128 : i32
      %mul3A_459 = arith.muli %scan3A_389, %mul3A_458 : i32
      %add3A_460 = arith.constant 48 : i32
      %add3A_461 = arith.addi %mul3A_459, %add3A_460 : i32
      %swap3A_462 = arith.constant 1 : i32
      %swap3A_463 = arith.index_cast %swap3A_462 : i32 to index
      %swap3A_464 = arith.index_cast %add3A_461 : i32 to index
      %swap3A_465 = tpu.vector_load %arg7[%swap3A_463, %swap3A_464] {strides = array<i32>} : memref<2x4096xf32, #tpu.memory_space<vmem>>, vector<16xf32>,
      tpu.vector_store %arg7[%swap3A_463, %swap3A_464], %gather3A_429 {strides = array<i32>} : memref<2x4096xf32, #tpu.memory_space<vmem>>, vector<16xf32>,
      %mul3A_466 = arith.constant 128 : i32
      %mul3A_467 = arith.muli %scan3A_389, %mul3A_466 : i32
      %add3A_468 = arith.constant 64 : i32
      %add3A_469 = arith.addi %mul3A_467, %add3A_468 : i32
      %swap3A_470 = arith.constant 1 : i32
      %swap3A_471 = arith.index_cast %swap3A_470 : i32 to index
      %swap3A_472 = arith.index_cast %add3A_469 : i32 to index
      %swap3A_473 = tpu.vector_load %arg7[%swap3A_471, %swap3A_472] {strides = array<i32>} : memref<2x4096xf32, #tpu.memory_space<vmem>>, vector<16xf32>,
      tpu.vector_store %arg7[%swap3A_471, %swap3A_472], %gather3A_430 {strides = array<i32>} : memref<2x4096xf32, #tpu.memory_space<vmem>>, vector<16xf32>,
      %mul3A_474 = arith.constant 128 : i32
      %mul3A_475 = arith.muli %scan3A_389, %mul3A_474 : i32
      %add3A_476 = arith.constant 80 : i32
      %add3A_477 = arith.addi %mul3A_475, %add3A_476 : i32
      %swap3A_478 = arith.constant 1 : i32
      %swap3A_479 = arith.index_cast %swap3A_478 : i32 to index
      %swap3A_480 = arith.index_cast %add3A_477 : i32 to index
      %swap3A_481 = tpu.vector_load %arg7[%swap3A_479, %swap3A_480] {strides = array<i32>} : memref<2x4096xf32, #tpu.memory_space<vmem>>, vector<16xf32>,
      tpu.vector_store %arg7[%swap3A_479, %swap3A_480], %gather3A_431 {strides = array<i32>} : memref<2x4096xf32, #tpu.memory_space<vmem>>, vector<16xf32>,
      %mul3A_482 = arith.constant 128 : i32
      %mul3A_483 = arith.muli %scan3A_389, %mul3A_482 : i32
      %add3A_484 = arith.constant 96 : i32
      %add3A_485 = arith.addi %mul3A_483, %add3A_484 : i32
      %swap3A_486 = arith.constant 1 : i32
      %swap3A_487 = arith.index_cast %swap3A_486 : i32 to index
      %swap3A_488 = arith.index_cast %add3A_485 : i32 to index
      %swap3A_489 = tpu.vector_load %arg7[%swap3A_487, %swap3A_488] {strides = array<i32>} : memref<2x4096xf32, #tpu.memory_space<vmem>>, vector<16xf32>,
      tpu.vector_store %arg7[%swap3A_487, %swap3A_488], %gather3A_432 {strides = array<i32>} : memref<2x4096xf32, #tpu.memory_space<vmem>>, vector<16xf32>,
      %mul3A_490 = arith.constant 128 : i32
      %mul3A_491 = arith.muli %scan3A_389, %mul3A_490 : i32
      %add3A_492 = arith.constant 112 : i32
      %add3A_493 = arith.addi %mul3A_491, %add3A_492 : i32
      %swap3A_494 = arith.constant 1 : i32
      %swap3A_495 = arith.index_cast %swap3A_494 : i32 to index
      %swap3A_496 = arith.index_cast %add3A_493 : i32 to index
      %swap3A_497 = tpu.vector_load %arg7[%swap3A_495, %swap3A_496] {strides = array<i32>} : memref<2x4096xf32, #tpu.memory_space<vmem>>, vector<16xf32>,
      tpu.vector_store %arg7[%swap3A_495, %swap3A_496], %gather3A_433 {strides = array<i32>} : memref<2x4096xf32, #tpu.memory_space<vmem>>, vector<16xf32>,
      %scan3A_498 = arith.constant 0 : i32
      scf.yield %scan3A_498 : i32
    }
    %scan3A_40 = arith.constant 32 : i32
    %dma_start3A_41 = arith.constant 1 : i32
    %dma_start3A_42 = arith.constant 0 : i32
    %dma_start3A_43 = tpu.memref_slice %arg7[%dma_start3A_41, %dma_start3A_42] : memref<2x4096xf32, #tpu.memory_space<vmem>> -> memref<1x4096xf32, #tpu.memory_space<vmem>>
    %dma_start3A_44 = tpu.memref_squeeze %dma_start3A_43 : memref<1x4096xf32, #tpu.memory_space<vmem>> -> memref<4096xf32, #tpu.memory_space<vmem>>
    %dma_start3A_45 = arith.constant 4096 : i32
    %dma_start3A_46 = tpu.memref_slice %arg4[%add3A_14, %dma_start3A_45] : memref<64x16384xf32, #tpu.memory_space<hbm>> -> memref<1x4096xf32, #tpu.memory_space<hbm>>
    %dma_start3A_47 = tpu.memref_squeeze %dma_start3A_46 : memref<1x4096xf32, #tpu.memory_space<hbm>> -> memref<4096xf32, #tpu.memory_space<hbm>>
    %dma_start3A_48 = arith.constant 4096 : i32
    %dma_start3A_49 = tpu.memref_slice %arg4[%add3A_14, %dma_start3A_48] : memref<64x16384xf32, #tpu.memory_space<hbm>> -> memref<1x4096xf32, #tpu.memory_space<hbm>>
    %dma_start3A_50 = tpu.memref_squeeze %dma_start3A_49 : memref<1x4096xf32, #tpu.memory_space<hbm>> -> memref<4096xf32, #tpu.memory_space<hbm>>
    %dma_start3A_51 = arith.constant 0 : i32
    %dma_start3A_52 = tpu.memref_slice %arg7[%dma_start3A_41, %dma_start3A_51] : memref<2x4096xf32, #tpu.memory_space<vmem>> -> memref<1x4096xf32, #tpu.memory_space<vmem>>
    %dma_start3A_53 = tpu.memref_squeeze %dma_start3A_52 : memref<1x4096xf32, #tpu.memory_space<vmem>> -> memref<4096xf32, #tpu.memory_space<vmem>>
    tpu.enqueue_dma source(%dma_start3A_53 : memref<4096xf32, #tpu.memory_space<vmem>>) target(%dma_start3A_50 : memref<4096xf32, #tpu.memory_space<hbm>>) target_semaphore(%arg8 : memref<!tpu.dma_semaphore, #tpu.memory_space<semaphore_mem>>)
    %dma_wait3A_54 = arith.constant 0 : i32
    %dma_wait3A_55 = arith.constant 0 : i32
    %dma_wait3A_56 = tpu.memref_slice %arg7[%dma_wait3A_54, %dma_wait3A_55] : memref<2x4096xf32, #tpu.memory_space<vmem>> -> memref<1x4096xf32, #tpu.memory_space<vmem>>
    %dma_wait3A_57 = tpu.memref_squeeze %dma_wait3A_56 : memref<1x4096xf32, #tpu.memory_space<vmem>> -> memref<4096xf32, #tpu.memory_space<vmem>>
    %dma_wait3A_58 = arith.constant 0 : i32
    %dma_wait3A_59 = tpu.memref_slice %arg4[%add3A_14, %dma_wait3A_58] : memref<64x16384xf32, #tpu.memory_space<hbm>> -> memref<1x4096xf32, #tpu.memory_space<hbm>>
    %dma_wait3A_60 = tpu.memref_squeeze %dma_wait3A_59 : memref<1x4096xf32, #tpu.memory_space<hbm>> -> memref<4096xf32, #tpu.memory_space<hbm>>
    %dma_wait3A_61 = arith.constant 0 : i32
    %dma_wait3A_62 = tpu.memref_slice %arg4[%add3A_14, %dma_wait3A_61] : memref<64x16384xf32, #tpu.memory_space<hbm>> -> memref<1x4096xf32, #tpu.memory_space<hbm>>
    %dma_wait3A_63 = tpu.memref_squeeze %dma_wait3A_62 : memref<1x4096xf32, #tpu.memory_space<hbm>> -> memref<4096xf32, #tpu.memory_space<hbm>>
    %dma_wait3A_64 = arith.constant 0 : i32
    %dma_wait3A_65 = tpu.memref_slice %arg7[%dma_wait3A_54, %dma_wait3A_64] : memref<2x4096xf32, #tpu.memory_space<vmem>> -> memref<1x4096xf32, #tpu.memory_space<vmem>>
    %dma_wait3A_66 = tpu.memref_squeeze %dma_wait3A_65 : memref<1x4096xf32, #tpu.memory_space<vmem>> -> memref<4096xf32, #tpu.memory_space<vmem>>
    tpu.wait_dma2 semaphore(%arg8 : memref<!tpu.dma_semaphore, #tpu.memory_space<semaphore_mem>>) src(%dma_wait3A_66 : memref<4096xf32, #tpu.memory_space<vmem>>) dst(%dma_wait3A_63 : memref<4096xf32, #tpu.memory_space<hbm>>)
    %scan3A_67 = arith.constant 0 : i32
    %scan3A_68 = arith.constant 0 : i32
    %scan3A_69 = arith.constant 32 : i32
    %scan3A_70 = arith.addi %scan3A_68, %scan3A_69 : i32
    %scan3A_71 = arith.constant 2 : i32
    %scan3A_72 = scf.for %scan3A_280 = %scan3A_68 to %scan3A_70 step %scan3A_71 iter_args(%scan3A_281 = %scan3A_67) -> (i32)  : i32 {
      %mul3A_282 = arith.constant 128 : i32
      %mul3A_283 = arith.muli %scan3A_280, %mul3A_282 : i32
      %add3A_284 = arith.constant 8192 : i32
      %add3A_285 = arith.addi %add3A_284, %mul3A_283 : i32
      %add3A_286 = arith.constant 0 : i32
      %add3A_287 = arith.addi %add3A_285, %add3A_286 : i32
      %get3A = arith.index_cast %add3A_287 : i32 to index
      %get3A_288 = tpu.vector_load %arg6[%get3A] {strides = array<i32>} : memref<16384xi32, #tpu.memory_space<vmem>>, vector<16xi32>,
      %add3A_289 = arith.constant 16 : i32
      %add3A_290 = arith.addi %add3A_285, %add3A_289 : i32
      %get3A_291 = arith.index_cast %add3A_290 : i32 to index
      %get3A_292 = tpu.vector_load %arg6[%get3A_291] {strides = array<i32>} : memref<16384xi32, #tpu.memory_space<vmem>>, vector<16xi32>,
      %add3A_293 = arith.constant 32 : i32
      %add3A_294 = arith.addi %add3A_285, %add3A_293 : i32
      %get3A_295 = arith.index_cast %add3A_294 : i32 to index
      %get3A_296 = tpu.vector_load %arg6[%get3A_295] {strides = array<i32>} : memref<16384xi32, #tpu.memory_space<vmem>>, vector<16xi32>,
      %add3A_297 = arith.constant 48 : i32
      %add3A_298 = arith.addi %add3A_285, %add3A_297 : i32
      %get3A_299 = arith.index_cast %add3A_298 : i32 to index
      %get3A_300 = tpu.vector_load %arg6[%get3A_299] {strides = array<i32>} : memref<16384xi32, #tpu.memory_space<vmem>>, vector<16xi32>,
      %add3A_301 = arith.constant 64 : i32
      %add3A_302 = arith.addi %add3A_285, %add3A_301 : i32
      %get3A_303 = arith.index_cast %add3A_302 : i32 to index
      %get3A_304 = tpu.vector_load %arg6[%get3A_303] {strides = array<i32>} : memref<16384xi32, #tpu.memory_space<vmem>>, vector<16xi32>,
      %add3A_305 = arith.constant 80 : i32
      %add3A_306 = arith.addi %add3A_285, %add3A_305 : i32
      %get3A_307 = arith.index_cast %add3A_306 : i32 to index
      %get3A_308 = tpu.vector_load %arg6[%get3A_307] {strides = array<i32>} : memref<16384xi32, #tpu.memory_space<vmem>>, vector<16xi32>,
      %add3A_309 = arith.constant 96 : i32
      %add3A_310 = arith.addi %add3A_285, %add3A_309 : i32
      %get3A_311 = arith.index_cast %add3A_310 : i32 to index
      %get3A_312 = tpu.vector_load %arg6[%get3A_311] {strides = array<i32>} : memref<16384xi32, #tpu.memory_space<vmem>>, vector<16xi32>,
      %add3A_313 = arith.constant 112 : i32
      %add3A_314 = arith.addi %add3A_285, %add3A_313 : i32
      %get3A_315 = arith.index_cast %add3A_314 : i32 to index
      %get3A_316 = tpu.vector_load %arg6[%get3A_315] {strides = array<i32>} : memref<16384xi32, #tpu.memory_space<vmem>>, vector<16xi32>,
      %gather3A = tpu.vector_load_idx %arg5[%get3A_288] : memref<100000xf32, #tpu.memory_space<vmem>>[vector<16xi32>], vector<16xf32>,
      %gather3A_317 = tpu.vector_load_idx %arg5[%get3A_292] : memref<100000xf32, #tpu.memory_space<vmem>>[vector<16xi32>], vector<16xf32>,
      %gather3A_318 = tpu.vector_load_idx %arg5[%get3A_296] : memref<100000xf32, #tpu.memory_space<vmem>>[vector<16xi32>], vector<16xf32>,
      %gather3A_319 = tpu.vector_load_idx %arg5[%get3A_300] : memref<100000xf32, #tpu.memory_space<vmem>>[vector<16xi32>], vector<16xf32>,
      %gather3A_320 = tpu.vector_load_idx %arg5[%get3A_304] : memref<100000xf32, #tpu.memory_space<vmem>>[vector<16xi32>], vector<16xf32>,
      %gather3A_321 = tpu.vector_load_idx %arg5[%get3A_308] : memref<100000xf32, #tpu.memory_space<vmem>>[vector<16xi32>], vector<16xf32>,
      %gather3A_322 = tpu.vector_load_idx %arg5[%get3A_312] : memref<100000xf32, #tpu.memory_space<vmem>>[vector<16xi32>], vector<16xf32>,
      %gather3A_323 = tpu.vector_load_idx %arg5[%get3A_316] : memref<100000xf32, #tpu.memory_space<vmem>>[vector<16xi32>], vector<16xf32>,
      %mul3A_324 = arith.constant 128 : i32
      %mul3A_325 = arith.muli %scan3A_280, %mul3A_324 : i32
      %add3A_326 = arith.constant 0 : i32
      %add3A_327 = arith.addi %mul3A_325, %add3A_326 : i32
      %swap3A = arith.constant 0 : i32
      %swap3A_328 = arith.index_cast %swap3A : i32 to index
      %swap3A_329 = arith.index_cast %add3A_327 : i32 to index
      %swap3A_330 = tpu.vector_load %arg7[%swap3A_328, %swap3A_329] {strides = array<i32>} : memref<2x4096xf32, #tpu.memory_space<vmem>>, vector<16xf32>,
      tpu.vector_store %arg7[%swap3A_328, %swap3A_329], %gather3A {strides = array<i32>} : memref<2x4096xf32, #tpu.memory_space<vmem>>, vector<16xf32>,
      %mul3A_331 = arith.constant 128 : i32
      %mul3A_332 = arith.muli %scan3A_280, %mul3A_331 : i32
      %add3A_333 = arith.constant 16 : i32
      %add3A_334 = arith.addi %mul3A_332, %add3A_333 : i32
      %swap3A_335 = arith.constant 0 : i32
      %swap3A_336 = arith.index_cast %swap3A_335 : i32 to index
      %swap3A_337 = arith.index_cast %add3A_334 : i32 to index
      %swap3A_338 = tpu.vector_load %arg7[%swap3A_336, %swap3A_337] {strides = array<i32>} : memref<2x4096xf32, #tpu.memory_space<vmem>>, vector<16xf32>,
      tpu.vector_store %arg7[%swap3A_336, %swap3A_337], %gather3A_317 {strides = array<i32>} : memref<2x4096xf32, #tpu.memory_space<vmem>>, vector<16xf32>,
      %mul3A_339 = arith.constant 128 : i32
      %mul3A_340 = arith.muli %scan3A_280, %mul3A_339 : i32
      %add3A_341 = arith.constant 32 : i32
      %add3A_342 = arith.addi %mul3A_340, %add3A_341 : i32
      %swap3A_343 = arith.constant 0 : i32
      %swap3A_344 = arith.index_cast %swap3A_343 : i32 to index
      %swap3A_345 = arith.index_cast %add3A_342 : i32 to index
      %swap3A_346 = tpu.vector_load %arg7[%swap3A_344, %swap3A_345] {strides = array<i32>} : memref<2x4096xf32, #tpu.memory_space<vmem>>, vector<16xf32>,
      tpu.vector_store %arg7[%swap3A_344, %swap3A_345], %gather3A_318 {strides = array<i32>} : memref<2x4096xf32, #tpu.memory_space<vmem>>, vector<16xf32>,
      %mul3A_347 = arith.constant 128 : i32
      %mul3A_348 = arith.muli %scan3A_280, %mul3A_347 : i32
      %add3A_349 = arith.constant 48 : i32
      %add3A_350 = arith.addi %mul3A_348, %add3A_349 : i32
      %swap3A_351 = arith.constant 0 : i32
      %swap3A_352 = arith.index_cast %swap3A_351 : i32 to index
      %swap3A_353 = arith.index_cast %add3A_350 : i32 to index
      %swap3A_354 = tpu.vector_load %arg7[%swap3A_352, %swap3A_353] {strides = array<i32>} : memref<2x4096xf32, #tpu.memory_space<vmem>>, vector<16xf32>,
      tpu.vector_store %arg7[%swap3A_352, %swap3A_353], %gather3A_319 {strides = array<i32>} : memref<2x4096xf32, #tpu.memory_space<vmem>>, vector<16xf32>,
      %mul3A_355 = arith.constant 128 : i32
      %mul3A_356 = arith.muli %scan3A_280, %mul3A_355 : i32
      %add3A_357 = arith.constant 64 : i32
      %add3A_358 = arith.addi %mul3A_356, %add3A_357 : i32
      %swap3A_359 = arith.constant 0 : i32
      %swap3A_360 = arith.index_cast %swap3A_359 : i32 to index
      %swap3A_361 = arith.index_cast %add3A_358 : i32 to index
      %swap3A_362 = tpu.vector_load %arg7[%swap3A_360, %swap3A_361] {strides = array<i32>} : memref<2x4096xf32, #tpu.memory_space<vmem>>, vector<16xf32>,
      tpu.vector_store %arg7[%swap3A_360, %swap3A_361], %gather3A_320 {strides = array<i32>} : memref<2x4096xf32, #tpu.memory_space<vmem>>, vector<16xf32>,
      %mul3A_363 = arith.constant 128 : i32
      %mul3A_364 = arith.muli %scan3A_280, %mul3A_363 : i32
      %add3A_365 = arith.constant 80 : i32
      %add3A_366 = arith.addi %mul3A_364, %add3A_365 : i32
      %swap3A_367 = arith.constant 0 : i32
      %swap3A_368 = arith.index_cast %swap3A_367 : i32 to index
      %swap3A_369 = arith.index_cast %add3A_366 : i32 to index
      %swap3A_370 = tpu.vector_load %arg7[%swap3A_368, %swap3A_369] {strides = array<i32>} : memref<2x4096xf32, #tpu.memory_space<vmem>>, vector<16xf32>,
      tpu.vector_store %arg7[%swap3A_368, %swap3A_369], %gather3A_321 {strides = array<i32>} : memref<2x4096xf32, #tpu.memory_space<vmem>>, vector<16xf32>,
      %mul3A_371 = arith.constant 128 : i32
      %mul3A_372 = arith.muli %scan3A_280, %mul3A_371 : i32
      %add3A_373 = arith.constant 96 : i32
      %add3A_374 = arith.addi %mul3A_372, %add3A_373 : i32
      %swap3A_375 = arith.constant 0 : i32
      %swap3A_376 = arith.index_cast %swap3A_375 : i32 to index
      %swap3A_377 = arith.index_cast %add3A_374 : i32 to index
      %swap3A_378 = tpu.vector_load %arg7[%swap3A_376, %swap3A_377] {strides = array<i32>} : memref<2x4096xf32, #tpu.memory_space<vmem>>, vector<16xf32>,
      tpu.vector_store %arg7[%swap3A_376, %swap3A_377], %gather3A_322 {strides = array<i32>} : memref<2x4096xf32, #tpu.memory_space<vmem>>, vector<16xf32>,
      %mul3A_379 = arith.constant 128 : i32
      %mul3A_380 = arith.muli %scan3A_280, %mul3A_379 : i32
      %add3A_381 = arith.constant 112 : i32
      %add3A_382 = arith.addi %mul3A_380, %add3A_381 : i32
      %swap3A_383 = arith.constant 0 : i32
      %swap3A_384 = arith.index_cast %swap3A_383 : i32 to index
      %swap3A_385 = arith.index_cast %add3A_382 : i32 to index
      %swap3A_386 = tpu.vector_load %arg7[%swap3A_384, %swap3A_385] {strides = array<i32>} : memref<2x4096xf32, #tpu.memory_space<vmem>>, vector<16xf32>,
      tpu.vector_store %arg7[%swap3A_384, %swap3A_385], %gather3A_323 {strides = array<i32>} : memref<2x4096xf32, #tpu.memory_space<vmem>>, vector<16xf32>,
      %scan3A_387 = arith.constant 0 : i32
      %scan3A_388 = arith.constant 1 : i32
      %scan3A_389 = arith.addi %scan3A_280, %scan3A_388 : i32
      %mul3A_390 = arith.constant 128 : i32
      %mul3A_391 = arith.muli %scan3A_389, %mul3A_390 : i32
      %add3A_392 = arith.constant 8192 : i32
      %add3A_393 = arith.addi %add3A_392, %mul3A_391 : i32
      %add3A_394 = arith.constant 0 : i32
      %add3A_395 = arith.addi %add3A_393, %add3A_394 : i32
      %get3A_396 = arith.index_cast %add3A_395 : i32 to index
      %get3A_397 = tpu.vector_load %arg6[%get3A_396] {strides = array<i32>} : memref<16384xi32, #tpu.memory_space<vmem>>, vector<16xi32>,
      %add3A_398 = arith.constant 16 : i32
      %add3A_399 = arith.addi %add3A_393, %add3A_398 : i32
      %get3A_400 = arith.index_cast %add3A_399 : i32 to index
      %get3A_401 = tpu.vector_load %arg6[%get3A_400] {strides = array<i32>} : memref<16384xi32, #tpu.memory_space<vmem>>, vector<16xi32>,
      %add3A_402 = arith.constant 32 : i32
      %add3A_403 = arith.addi %add3A_393, %add3A_402 : i32
      %get3A_404 = arith.index_cast %add3A_403 : i32 to index
      %get3A_405 = tpu.vector_load %arg6[%get3A_404] {strides = array<i32>} : memref<16384xi32, #tpu.memory_space<vmem>>, vector<16xi32>,
      %add3A_406 = arith.constant 48 : i32
      %add3A_407 = arith.addi %add3A_393, %add3A_406 : i32
      %get3A_408 = arith.index_cast %add3A_407 : i32 to index
      %get3A_409 = tpu.vector_load %arg6[%get3A_408] {strides = array<i32>} : memref<16384xi32, #tpu.memory_space<vmem>>, vector<16xi32>,
      %add3A_410 = arith.constant 64 : i32
      %add3A_411 = arith.addi %add3A_393, %add3A_410 : i32
      %get3A_412 = arith.index_cast %add3A_411 : i32 to index
      %get3A_413 = tpu.vector_load %arg6[%get3A_412] {strides = array<i32>} : memref<16384xi32, #tpu.memory_space<vmem>>, vector<16xi32>,
      %add3A_414 = arith.constant 80 : i32
      %add3A_415 = arith.addi %add3A_393, %add3A_414 : i32
      %get3A_416 = arith.index_cast %add3A_415 : i32 to index
      %get3A_417 = tpu.vector_load %arg6[%get3A_416] {strides = array<i32>} : memref<16384xi32, #tpu.memory_space<vmem>>, vector<16xi32>,
      %add3A_418 = arith.constant 96 : i32
      %add3A_419 = arith.addi %add3A_393, %add3A_418 : i32
      %get3A_420 = arith.index_cast %add3A_419 : i32 to index
      %get3A_421 = tpu.vector_load %arg6[%get3A_420] {strides = array<i32>} : memref<16384xi32, #tpu.memory_space<vmem>>, vector<16xi32>,
      %add3A_422 = arith.constant 112 : i32
      %add3A_423 = arith.addi %add3A_393, %add3A_422 : i32
      %get3A_424 = arith.index_cast %add3A_423 : i32 to index
      %get3A_425 = tpu.vector_load %arg6[%get3A_424] {strides = array<i32>} : memref<16384xi32, #tpu.memory_space<vmem>>, vector<16xi32>,
      %gather3A_426 = tpu.vector_load_idx %arg5[%get3A_397] : memref<100000xf32, #tpu.memory_space<vmem>>[vector<16xi32>], vector<16xf32>,
      %gather3A_427 = tpu.vector_load_idx %arg5[%get3A_401] : memref<100000xf32, #tpu.memory_space<vmem>>[vector<16xi32>], vector<16xf32>,
      %gather3A_428 = tpu.vector_load_idx %arg5[%get3A_405] : memref<100000xf32, #tpu.memory_space<vmem>>[vector<16xi32>], vector<16xf32>,
      %gather3A_429 = tpu.vector_load_idx %arg5[%get3A_409] : memref<100000xf32, #tpu.memory_space<vmem>>[vector<16xi32>], vector<16xf32>,
      %gather3A_430 = tpu.vector_load_idx %arg5[%get3A_413] : memref<100000xf32, #tpu.memory_space<vmem>>[vector<16xi32>], vector<16xf32>,
      %gather3A_431 = tpu.vector_load_idx %arg5[%get3A_417] : memref<100000xf32, #tpu.memory_space<vmem>>[vector<16xi32>], vector<16xf32>,
      %gather3A_432 = tpu.vector_load_idx %arg5[%get3A_421] : memref<100000xf32, #tpu.memory_space<vmem>>[vector<16xi32>], vector<16xf32>,
      %gather3A_433 = tpu.vector_load_idx %arg5[%get3A_425] : memref<100000xf32, #tpu.memory_space<vmem>>[vector<16xi32>], vector<16xf32>,
      %mul3A_434 = arith.constant 128 : i32
      %mul3A_435 = arith.muli %scan3A_389, %mul3A_434 : i32
      %add3A_436 = arith.constant 0 : i32
      %add3A_437 = arith.addi %mul3A_435, %add3A_436 : i32
      %swap3A_438 = arith.constant 0 : i32
      %swap3A_439 = arith.index_cast %swap3A_438 : i32 to index
      %swap3A_440 = arith.index_cast %add3A_437 : i32 to index
      %swap3A_441 = tpu.vector_load %arg7[%swap3A_439, %swap3A_440] {strides = array<i32>} : memref<2x4096xf32, #tpu.memory_space<vmem>>, vector<16xf32>,
      tpu.vector_store %arg7[%swap3A_439, %swap3A_440], %gather3A_426 {strides = array<i32>} : memref<2x4096xf32, #tpu.memory_space<vmem>>, vector<16xf32>,
      %mul3A_442 = arith.constant 128 : i32
      %mul3A_443 = arith.muli %scan3A_389, %mul3A_442 : i32
      %add3A_444 = arith.constant 16 : i32
      %add3A_445 = arith.addi %mul3A_443, %add3A_444 : i32
      %swap3A_446 = arith.constant 0 : i32
      %swap3A_447 = arith.index_cast %swap3A_446 : i32 to index
      %swap3A_448 = arith.index_cast %add3A_445 : i32 to index
      %swap3A_449 = tpu.vector_load %arg7[%swap3A_447, %swap3A_448] {strides = array<i32>} : memref<2x4096xf32, #tpu.memory_space<vmem>>, vector<16xf32>,
      tpu.vector_store %arg7[%swap3A_447, %swap3A_448], %gather3A_427 {strides = array<i32>} : memref<2x4096xf32, #tpu.memory_space<vmem>>, vector<16xf32>,
      %mul3A_450 = arith.constant 128 : i32
      %mul3A_451 = arith.muli %scan3A_389, %mul3A_450 : i32
      %add3A_452 = arith.constant 32 : i32
      %add3A_453 = arith.addi %mul3A_451, %add3A_452 : i32
      %swap3A_454 = arith.constant 0 : i32
      %swap3A_455 = arith.index_cast %swap3A_454 : i32 to index
      %swap3A_456 = arith.index_cast %add3A_453 : i32 to index
      %swap3A_457 = tpu.vector_load %arg7[%swap3A_455, %swap3A_456] {strides = array<i32>} : memref<2x4096xf32, #tpu.memory_space<vmem>>, vector<16xf32>,
      tpu.vector_store %arg7[%swap3A_455, %swap3A_456], %gather3A_428 {strides = array<i32>} : memref<2x4096xf32, #tpu.memory_space<vmem>>, vector<16xf32>,
      %mul3A_458 = arith.constant 128 : i32
      %mul3A_459 = arith.muli %scan3A_389, %mul3A_458 : i32
      %add3A_460 = arith.constant 48 : i32
      %add3A_461 = arith.addi %mul3A_459, %add3A_460 : i32
      %swap3A_462 = arith.constant 0 : i32
      %swap3A_463 = arith.index_cast %swap3A_462 : i32 to index
      %swap3A_464 = arith.index_cast %add3A_461 : i32 to index
      %swap3A_465 = tpu.vector_load %arg7[%swap3A_463, %swap3A_464] {strides = array<i32>} : memref<2x4096xf32, #tpu.memory_space<vmem>>, vector<16xf32>,
      tpu.vector_store %arg7[%swap3A_463, %swap3A_464], %gather3A_429 {strides = array<i32>} : memref<2x4096xf32, #tpu.memory_space<vmem>>, vector<16xf32>,
      %mul3A_466 = arith.constant 128 : i32
      %mul3A_467 = arith.muli %scan3A_389, %mul3A_466 : i32
      %add3A_468 = arith.constant 64 : i32
      %add3A_469 = arith.addi %mul3A_467, %add3A_468 : i32
      %swap3A_470 = arith.constant 0 : i32
      %swap3A_471 = arith.index_cast %swap3A_470 : i32 to index
      %swap3A_472 = arith.index_cast %add3A_469 : i32 to index
      %swap3A_473 = tpu.vector_load %arg7[%swap3A_471, %swap3A_472] {strides = array<i32>} : memref<2x4096xf32, #tpu.memory_space<vmem>>, vector<16xf32>,
      tpu.vector_store %arg7[%swap3A_471, %swap3A_472], %gather3A_430 {strides = array<i32>} : memref<2x4096xf32, #tpu.memory_space<vmem>>, vector<16xf32>,
      %mul3A_474 = arith.constant 128 : i32
      %mul3A_475 = arith.muli %scan3A_389, %mul3A_474 : i32
      %add3A_476 = arith.constant 80 : i32
      %add3A_477 = arith.addi %mul3A_475, %add3A_476 : i32
      %swap3A_478 = arith.constant 0 : i32
      %swap3A_479 = arith.index_cast %swap3A_478 : i32 to index
      %swap3A_480 = arith.index_cast %add3A_477 : i32 to index
      %swap3A_481 = tpu.vector_load %arg7[%swap3A_479, %swap3A_480] {strides = array<i32>} : memref<2x4096xf32, #tpu.memory_space<vmem>>, vector<16xf32>,
      tpu.vector_store %arg7[%swap3A_479, %swap3A_480], %gather3A_431 {strides = array<i32>} : memref<2x4096xf32, #tpu.memory_space<vmem>>, vector<16xf32>,
      %mul3A_482 = arith.constant 128 : i32
      %mul3A_483 = arith.muli %scan3A_389, %mul3A_482 : i32
      %add3A_484 = arith.constant 96 : i32
      %add3A_485 = arith.addi %mul3A_483, %add3A_484 : i32
      %swap3A_486 = arith.constant 0 : i32
      %swap3A_487 = arith.index_cast %swap3A_486 : i32 to index
      %swap3A_488 = arith.index_cast %add3A_485 : i32 to index
      %swap3A_489 = tpu.vector_load %arg7[%swap3A_487, %swap3A_488] {strides = array<i32>} : memref<2x4096xf32, #tpu.memory_space<vmem>>, vector<16xf32>,
      tpu.vector_store %arg7[%swap3A_487, %swap3A_488], %gather3A_432 {strides = array<i32>} : memref<2x4096xf32, #tpu.memory_space<vmem>>, vector<16xf32>,
      %mul3A_490 = arith.constant 128 : i32
      %mul3A_491 = arith.muli %scan3A_389, %mul3A_490 : i32
      %add3A_492 = arith.constant 112 : i32
      %add3A_493 = arith.addi %mul3A_491, %add3A_492 : i32
      %swap3A_494 = arith.constant 0 : i32
      %swap3A_495 = arith.index_cast %swap3A_494 : i32 to index
      %swap3A_496 = arith.index_cast %add3A_493 : i32 to index
      %swap3A_497 = tpu.vector_load %arg7[%swap3A_495, %swap3A_496] {strides = array<i32>} : memref<2x4096xf32, #tpu.memory_space<vmem>>, vector<16xf32>,
      tpu.vector_store %arg7[%swap3A_495, %swap3A_496], %gather3A_433 {strides = array<i32>} : memref<2x4096xf32, #tpu.memory_space<vmem>>, vector<16xf32>,
      %scan3A_498 = arith.constant 0 : i32
      scf.yield %scan3A_498 : i32
    }
    %scan3A_73 = arith.constant 32 : i32
    %dma_start3A_74 = arith.constant 0 : i32
    %dma_start3A_75 = arith.constant 0 : i32
    %dma_start3A_76 = tpu.memref_slice %arg7[%dma_start3A_74, %dma_start3A_75] : memref<2x4096xf32, #tpu.memory_space<vmem>> -> memref<1x4096xf32, #tpu.memory_space<vmem>>
    %dma_start3A_77 = tpu.memref_squeeze %dma_start3A_76 : memref<1x4096xf32, #tpu.memory_space<vmem>> -> memref<4096xf32, #tpu.memory_space<vmem>>
    %dma_start3A_78 = arith.constant 8192 : i32
    %dma_start3A_79 = tpu.memref_slice %arg4[%add3A_14, %dma_start3A_78] : memref<64x16384xf32, #tpu.memory_space<hbm>> -> memref<1x4096xf32, #tpu.memory_space<hbm>>
    %dma_start3A_80 = tpu.memref_squeeze %dma_start3A_79 : memref<1x4096xf32, #tpu.memory_space<hbm>> -> memref<4096xf32, #tpu.memory_space<hbm>>
    %dma_start3A_81 = arith.constant 8192 : i32
    %dma_start3A_82 = tpu.memref_slice %arg4[%add3A_14, %dma_start3A_81] : memref<64x16384xf32, #tpu.memory_space<hbm>> -> memref<1x4096xf32, #tpu.memory_space<hbm>>
    %dma_start3A_83 = tpu.memref_squeeze %dma_start3A_82 : memref<1x4096xf32, #tpu.memory_space<hbm>> -> memref<4096xf32, #tpu.memory_space<hbm>>
    %dma_start3A_84 = arith.constant 0 : i32
    %dma_start3A_85 = tpu.memref_slice %arg7[%dma_start3A_74, %dma_start3A_84] : memref<2x4096xf32, #tpu.memory_space<vmem>> -> memref<1x4096xf32, #tpu.memory_space<vmem>>
    %dma_start3A_86 = tpu.memref_squeeze %dma_start3A_85 : memref<1x4096xf32, #tpu.memory_space<vmem>> -> memref<4096xf32, #tpu.memory_space<vmem>>
    tpu.enqueue_dma source(%dma_start3A_86 : memref<4096xf32, #tpu.memory_space<vmem>>) target(%dma_start3A_83 : memref<4096xf32, #tpu.memory_space<hbm>>) target_semaphore(%arg8 : memref<!tpu.dma_semaphore, #tpu.memory_space<semaphore_mem>>)
    %dma_wait3A_87 = arith.constant 1 : i32
    %dma_wait3A_88 = arith.constant 0 : i32
    %dma_wait3A_89 = tpu.memref_slice %arg7[%dma_wait3A_87, %dma_wait3A_88] : memref<2x4096xf32, #tpu.memory_space<vmem>> -> memref<1x4096xf32, #tpu.memory_space<vmem>>
    %dma_wait3A_90 = tpu.memref_squeeze %dma_wait3A_89 : memref<1x4096xf32, #tpu.memory_space<vmem>> -> memref<4096xf32, #tpu.memory_space<vmem>>
    %dma_wait3A_91 = arith.constant 4096 : i32
    %dma_wait3A_92 = tpu.memref_slice %arg4[%add3A_14, %dma_wait3A_91] : memref<64x16384xf32, #tpu.memory_space<hbm>> -> memref<1x4096xf32, #tpu.memory_space<hbm>>
    %dma_wait3A_93 = tpu.memref_squeeze %dma_wait3A_92 : memref<1x4096xf32, #tpu.memory_space<hbm>> -> memref<4096xf32, #tpu.memory_space<hbm>>
    %dma_wait3A_94 = arith.constant 4096 : i32
    %dma_wait3A_95 = tpu.memref_slice %arg4[%add3A_14, %dma_wait3A_94] : memref<64x16384xf32, #tpu.memory_space<hbm>> -> memref<1x4096xf32, #tpu.memory_space<hbm>>
    %dma_wait3A_96 = tpu.memref_squeeze %dma_wait3A_95 : memref<1x4096xf32, #tpu.memory_space<hbm>> -> memref<4096xf32, #tpu.memory_space<hbm>>
    %dma_wait3A_97 = arith.constant 0 : i32
    %dma_wait3A_98 = tpu.memref_slice %arg7[%dma_wait3A_87, %dma_wait3A_97] : memref<2x4096xf32, #tpu.memory_space<vmem>> -> memref<1x4096xf32, #tpu.memory_space<vmem>>
    %dma_wait3A_99 = tpu.memref_squeeze %dma_wait3A_98 : memref<1x4096xf32, #tpu.memory_space<vmem>> -> memref<4096xf32, #tpu.memory_space<vmem>>
    tpu.wait_dma2 semaphore(%arg8 : memref<!tpu.dma_semaphore, #tpu.memory_space<semaphore_mem>>) src(%dma_wait3A_99 : memref<4096xf32, #tpu.memory_space<vmem>>) dst(%dma_wait3A_96 : memref<4096xf32, #tpu.memory_space<hbm>>)
    %scan3A_100 = arith.constant 0 : i32
    %scan3A_101 = arith.constant 0 : i32
    %scan3A_102 = arith.constant 32 : i32
    %scan3A_103 = arith.addi %scan3A_101, %scan3A_102 : i32
    %scan3A_104 = arith.constant 2 : i32
    %scan3A_105 = scf.for %scan3A_280 = %scan3A_101 to %scan3A_103 step %scan3A_104 iter_args(%scan3A_281 = %scan3A_100) -> (i32)  : i32 {
      %mul3A_282 = arith.constant 128 : i32
      %mul3A_283 = arith.muli %scan3A_280, %mul3A_282 : i32
      %add3A_284 = arith.constant 12288 : i32
      %add3A_285 = arith.addi %add3A_284, %mul3A_283 : i32
      %add3A_286 = arith.constant 0 : i32
      %add3A_287 = arith.addi %add3A_285, %add3A_286 : i32
      %get3A = arith.index_cast %add3A_287 : i32 to index
      %get3A_288 = tpu.vector_load %arg6[%get3A] {strides = array<i32>} : memref<16384xi32, #tpu.memory_space<vmem>>, vector<16xi32>,
      %add3A_289 = arith.constant 16 : i32
      %add3A_290 = arith.addi %add3A_285, %add3A_289 : i32
      %get3A_291 = arith.index_cast %add3A_290 : i32 to index
      %get3A_292 = tpu.vector_load %arg6[%get3A_291] {strides = array<i32>} : memref<16384xi32, #tpu.memory_space<vmem>>, vector<16xi32>,
      %add3A_293 = arith.constant 32 : i32
      %add3A_294 = arith.addi %add3A_285, %add3A_293 : i32
      %get3A_295 = arith.index_cast %add3A_294 : i32 to index
      %get3A_296 = tpu.vector_load %arg6[%get3A_295] {strides = array<i32>} : memref<16384xi32, #tpu.memory_space<vmem>>, vector<16xi32>,
      %add3A_297 = arith.constant 48 : i32
      %add3A_298 = arith.addi %add3A_285, %add3A_297 : i32
      %get3A_299 = arith.index_cast %add3A_298 : i32 to index
      %get3A_300 = tpu.vector_load %arg6[%get3A_299] {strides = array<i32>} : memref<16384xi32, #tpu.memory_space<vmem>>, vector<16xi32>,
      %add3A_301 = arith.constant 64 : i32
      %add3A_302 = arith.addi %add3A_285, %add3A_301 : i32
      %get3A_303 = arith.index_cast %add3A_302 : i32 to index
      %get3A_304 = tpu.vector_load %arg6[%get3A_303] {strides = array<i32>} : memref<16384xi32, #tpu.memory_space<vmem>>, vector<16xi32>,
      %add3A_305 = arith.constant 80 : i32
      %add3A_306 = arith.addi %add3A_285, %add3A_305 : i32
      %get3A_307 = arith.index_cast %add3A_306 : i32 to index
      %get3A_308 = tpu.vector_load %arg6[%get3A_307] {strides = array<i32>} : memref<16384xi32, #tpu.memory_space<vmem>>, vector<16xi32>,
      %add3A_309 = arith.constant 96 : i32
      %add3A_310 = arith.addi %add3A_285, %add3A_309 : i32
      %get3A_311 = arith.index_cast %add3A_310 : i32 to index
      %get3A_312 = tpu.vector_load %arg6[%get3A_311] {strides = array<i32>} : memref<16384xi32, #tpu.memory_space<vmem>>, vector<16xi32>,
      %add3A_313 = arith.constant 112 : i32
      %add3A_314 = arith.addi %add3A_285, %add3A_313 : i32
      %get3A_315 = arith.index_cast %add3A_314 : i32 to index
      %get3A_316 = tpu.vector_load %arg6[%get3A_315] {strides = array<i32>} : memref<16384xi32, #tpu.memory_space<vmem>>, vector<16xi32>,
      %gather3A = tpu.vector_load_idx %arg5[%get3A_288] : memref<100000xf32, #tpu.memory_space<vmem>>[vector<16xi32>], vector<16xf32>,
      %gather3A_317 = tpu.vector_load_idx %arg5[%get3A_292] : memref<100000xf32, #tpu.memory_space<vmem>>[vector<16xi32>], vector<16xf32>,
      %gather3A_318 = tpu.vector_load_idx %arg5[%get3A_296] : memref<100000xf32, #tpu.memory_space<vmem>>[vector<16xi32>], vector<16xf32>,
      %gather3A_319 = tpu.vector_load_idx %arg5[%get3A_300] : memref<100000xf32, #tpu.memory_space<vmem>>[vector<16xi32>], vector<16xf32>,
      %gather3A_320 = tpu.vector_load_idx %arg5[%get3A_304] : memref<100000xf32, #tpu.memory_space<vmem>>[vector<16xi32>], vector<16xf32>,
      %gather3A_321 = tpu.vector_load_idx %arg5[%get3A_308] : memref<100000xf32, #tpu.memory_space<vmem>>[vector<16xi32>], vector<16xf32>,
      %gather3A_322 = tpu.vector_load_idx %arg5[%get3A_312] : memref<100000xf32, #tpu.memory_space<vmem>>[vector<16xi32>], vector<16xf32>,
      %gather3A_323 = tpu.vector_load_idx %arg5[%get3A_316] : memref<100000xf32, #tpu.memory_space<vmem>>[vector<16xi32>], vector<16xf32>,
      %mul3A_324 = arith.constant 128 : i32
      %mul3A_325 = arith.muli %scan3A_280, %mul3A_324 : i32
      %add3A_326 = arith.constant 0 : i32
      %add3A_327 = arith.addi %mul3A_325, %add3A_326 : i32
      %swap3A = arith.constant 1 : i32
      %swap3A_328 = arith.index_cast %swap3A : i32 to index
      %swap3A_329 = arith.index_cast %add3A_327 : i32 to index
      %swap3A_330 = tpu.vector_load %arg7[%swap3A_328, %swap3A_329] {strides = array<i32>} : memref<2x4096xf32, #tpu.memory_space<vmem>>, vector<16xf32>,
      tpu.vector_store %arg7[%swap3A_328, %swap3A_329], %gather3A {strides = array<i32>} : memref<2x4096xf32, #tpu.memory_space<vmem>>, vector<16xf32>,
      %mul3A_331 = arith.constant 128 : i32
      %mul3A_332 = arith.muli %scan3A_280, %mul3A_331 : i32
      %add3A_333 = arith.constant 16 : i32
      %add3A_334 = arith.addi %mul3A_332, %add3A_333 : i32
      %swap3A_335 = arith.constant 1 : i32
      %swap3A_336 = arith.index_cast %swap3A_335 : i32 to index
      %swap3A_337 = arith.index_cast %add3A_334 : i32 to index
      %swap3A_338 = tpu.vector_load %arg7[%swap3A_336, %swap3A_337] {strides = array<i32>} : memref<2x4096xf32, #tpu.memory_space<vmem>>, vector<16xf32>,
      tpu.vector_store %arg7[%swap3A_336, %swap3A_337], %gather3A_317 {strides = array<i32>} : memref<2x4096xf32, #tpu.memory_space<vmem>>, vector<16xf32>,
      %mul3A_339 = arith.constant 128 : i32
      %mul3A_340 = arith.muli %scan3A_280, %mul3A_339 : i32
      %add3A_341 = arith.constant 32 : i32
      %add3A_342 = arith.addi %mul3A_340, %add3A_341 : i32
      %swap3A_343 = arith.constant 1 : i32
      %swap3A_344 = arith.index_cast %swap3A_343 : i32 to index
      %swap3A_345 = arith.index_cast %add3A_342 : i32 to index
      %swap3A_346 = tpu.vector_load %arg7[%swap3A_344, %swap3A_345] {strides = array<i32>} : memref<2x4096xf32, #tpu.memory_space<vmem>>, vector<16xf32>,
      tpu.vector_store %arg7[%swap3A_344, %swap3A_345], %gather3A_318 {strides = array<i32>} : memref<2x4096xf32, #tpu.memory_space<vmem>>, vector<16xf32>,
      %mul3A_347 = arith.constant 128 : i32
      %mul3A_348 = arith.muli %scan3A_280, %mul3A_347 : i32
      %add3A_349 = arith.constant 48 : i32
      %add3A_350 = arith.addi %mul3A_348, %add3A_349 : i32
      %swap3A_351 = arith.constant 1 : i32
      %swap3A_352 = arith.index_cast %swap3A_351 : i32 to index
      %swap3A_353 = arith.index_cast %add3A_350 : i32 to index
      %swap3A_354 = tpu.vector_load %arg7[%swap3A_352, %swap3A_353] {strides = array<i32>} : memref<2x4096xf32, #tpu.memory_space<vmem>>, vector<16xf32>,
      tpu.vector_store %arg7[%swap3A_352, %swap3A_353], %gather3A_319 {strides = array<i32>} : memref<2x4096xf32, #tpu.memory_space<vmem>>, vector<16xf32>,
      %mul3A_355 = arith.constant 128 : i32
      %mul3A_356 = arith.muli %scan3A_280, %mul3A_355 : i32
      %add3A_357 = arith.constant 64 : i32
      %add3A_358 = arith.addi %mul3A_356, %add3A_357 : i32
      %swap3A_359 = arith.constant 1 : i32
      %swap3A_360 = arith.index_cast %swap3A_359 : i32 to index
      %swap3A_361 = arith.index_cast %add3A_358 : i32 to index
      %swap3A_362 = tpu.vector_load %arg7[%swap3A_360, %swap3A_361] {strides = array<i32>} : memref<2x4096xf32, #tpu.memory_space<vmem>>, vector<16xf32>,
      tpu.vector_store %arg7[%swap3A_360, %swap3A_361], %gather3A_320 {strides = array<i32>} : memref<2x4096xf32, #tpu.memory_space<vmem>>, vector<16xf32>,
      %mul3A_363 = arith.constant 128 : i32
      %mul3A_364 = arith.muli %scan3A_280, %mul3A_363 : i32
      %add3A_365 = arith.constant 80 : i32
      %add3A_366 = arith.addi %mul3A_364, %add3A_365 : i32
      %swap3A_367 = arith.constant 1 : i32
      %swap3A_368 = arith.index_cast %swap3A_367 : i32 to index
      %swap3A_369 = arith.index_cast %add3A_366 : i32 to index
      %swap3A_370 = tpu.vector_load %arg7[%swap3A_368, %swap3A_369] {strides = array<i32>} : memref<2x4096xf32, #tpu.memory_space<vmem>>, vector<16xf32>,
      tpu.vector_store %arg7[%swap3A_368, %swap3A_369], %gather3A_321 {strides = array<i32>} : memref<2x4096xf32, #tpu.memory_space<vmem>>, vector<16xf32>,
      %mul3A_371 = arith.constant 128 : i32
      %mul3A_372 = arith.muli %scan3A_280, %mul3A_371 : i32
      %add3A_373 = arith.constant 96 : i32
      %add3A_374 = arith.addi %mul3A_372, %add3A_373 : i32
      %swap3A_375 = arith.constant 1 : i32
      %swap3A_376 = arith.index_cast %swap3A_375 : i32 to index
      %swap3A_377 = arith.index_cast %add3A_374 : i32 to index
      %swap3A_378 = tpu.vector_load %arg7[%swap3A_376, %swap3A_377] {strides = array<i32>} : memref<2x4096xf32, #tpu.memory_space<vmem>>, vector<16xf32>,
      tpu.vector_store %arg7[%swap3A_376, %swap3A_377], %gather3A_322 {strides = array<i32>} : memref<2x4096xf32, #tpu.memory_space<vmem>>, vector<16xf32>,
      %mul3A_379 = arith.constant 128 : i32
      %mul3A_380 = arith.muli %scan3A_280, %mul3A_379 : i32
      %add3A_381 = arith.constant 112 : i32
      %add3A_382 = arith.addi %mul3A_380, %add3A_381 : i32
      %swap3A_383 = arith.constant 1 : i32
      %swap3A_384 = arith.index_cast %swap3A_383 : i32 to index
      %swap3A_385 = arith.index_cast %add3A_382 : i32 to index
      %swap3A_386 = tpu.vector_load %arg7[%swap3A_384, %swap3A_385] {strides = array<i32>} : memref<2x4096xf32, #tpu.memory_space<vmem>>, vector<16xf32>,
      tpu.vector_store %arg7[%swap3A_384, %swap3A_385], %gather3A_323 {strides = array<i32>} : memref<2x4096xf32, #tpu.memory_space<vmem>>, vector<16xf32>,
      %scan3A_387 = arith.constant 0 : i32
      %scan3A_388 = arith.constant 1 : i32
      %scan3A_389 = arith.addi %scan3A_280, %scan3A_388 : i32
      %mul3A_390 = arith.constant 128 : i32
      %mul3A_391 = arith.muli %scan3A_389, %mul3A_390 : i32
      %add3A_392 = arith.constant 12288 : i32
      %add3A_393 = arith.addi %add3A_392, %mul3A_391 : i32
      %add3A_394 = arith.constant 0 : i32
      %add3A_395 = arith.addi %add3A_393, %add3A_394 : i32
      %get3A_396 = arith.index_cast %add3A_395 : i32 to index
      %get3A_397 = tpu.vector_load %arg6[%get3A_396] {strides = array<i32>} : memref<16384xi32, #tpu.memory_space<vmem>>, vector<16xi32>,
      %add3A_398 = arith.constant 16 : i32
      %add3A_399 = arith.addi %add3A_393, %add3A_398 : i32
      %get3A_400 = arith.index_cast %add3A_399 : i32 to index
      %get3A_401 = tpu.vector_load %arg6[%get3A_400] {strides = array<i32>} : memref<16384xi32, #tpu.memory_space<vmem>>, vector<16xi32>,
      %add3A_402 = arith.constant 32 : i32
      %add3A_403 = arith.addi %add3A_393, %add3A_402 : i32
      %get3A_404 = arith.index_cast %add3A_403 : i32 to index
      %get3A_405 = tpu.vector_load %arg6[%get3A_404] {strides = array<i32>} : memref<16384xi32, #tpu.memory_space<vmem>>, vector<16xi32>,
      %add3A_406 = arith.constant 48 : i32
      %add3A_407 = arith.addi %add3A_393, %add3A_406 : i32
      %get3A_408 = arith.index_cast %add3A_407 : i32 to index
      %get3A_409 = tpu.vector_load %arg6[%get3A_408] {strides = array<i32>} : memref<16384xi32, #tpu.memory_space<vmem>>, vector<16xi32>,
      %add3A_410 = arith.constant 64 : i32
      %add3A_411 = arith.addi %add3A_393, %add3A_410 : i32
      %get3A_412 = arith.index_cast %add3A_411 : i32 to index
      %get3A_413 = tpu.vector_load %arg6[%get3A_412] {strides = array<i32>} : memref<16384xi32, #tpu.memory_space<vmem>>, vector<16xi32>,
      %add3A_414 = arith.constant 80 : i32
      %add3A_415 = arith.addi %add3A_393, %add3A_414 : i32
      %get3A_416 = arith.index_cast %add3A_415 : i32 to index
      %get3A_417 = tpu.vector_load %arg6[%get3A_416] {strides = array<i32>} : memref<16384xi32, #tpu.memory_space<vmem>>, vector<16xi32>,
      %add3A_418 = arith.constant 96 : i32
      %add3A_419 = arith.addi %add3A_393, %add3A_418 : i32
      %get3A_420 = arith.index_cast %add3A_419 : i32 to index
      %get3A_421 = tpu.vector_load %arg6[%get3A_420] {strides = array<i32>} : memref<16384xi32, #tpu.memory_space<vmem>>, vector<16xi32>,
      %add3A_422 = arith.constant 112 : i32
      %add3A_423 = arith.addi %add3A_393, %add3A_422 : i32
      %get3A_424 = arith.index_cast %add3A_423 : i32 to index
      %get3A_425 = tpu.vector_load %arg6[%get3A_424] {strides = array<i32>} : memref<16384xi32, #tpu.memory_space<vmem>>, vector<16xi32>,
      %gather3A_426 = tpu.vector_load_idx %arg5[%get3A_397] : memref<100000xf32, #tpu.memory_space<vmem>>[vector<16xi32>], vector<16xf32>,
      %gather3A_427 = tpu.vector_load_idx %arg5[%get3A_401] : memref<100000xf32, #tpu.memory_space<vmem>>[vector<16xi32>], vector<16xf32>,
      %gather3A_428 = tpu.vector_load_idx %arg5[%get3A_405] : memref<100000xf32, #tpu.memory_space<vmem>>[vector<16xi32>], vector<16xf32>,
      %gather3A_429 = tpu.vector_load_idx %arg5[%get3A_409] : memref<100000xf32, #tpu.memory_space<vmem>>[vector<16xi32>], vector<16xf32>,
      %gather3A_430 = tpu.vector_load_idx %arg5[%get3A_413] : memref<100000xf32, #tpu.memory_space<vmem>>[vector<16xi32>], vector<16xf32>,
      %gather3A_431 = tpu.vector_load_idx %arg5[%get3A_417] : memref<100000xf32, #tpu.memory_space<vmem>>[vector<16xi32>], vector<16xf32>,
      %gather3A_432 = tpu.vector_load_idx %arg5[%get3A_421] : memref<100000xf32, #tpu.memory_space<vmem>>[vector<16xi32>], vector<16xf32>,
      %gather3A_433 = tpu.vector_load_idx %arg5[%get3A_425] : memref<100000xf32, #tpu.memory_space<vmem>>[vector<16xi32>], vector<16xf32>,
      %mul3A_434 = arith.constant 128 : i32
      %mul3A_435 = arith.muli %scan3A_389, %mul3A_434 : i32
      %add3A_436 = arith.constant 0 : i32
      %add3A_437 = arith.addi %mul3A_435, %add3A_436 : i32
      %swap3A_438 = arith.constant 1 : i32
      %swap3A_439 = arith.index_cast %swap3A_438 : i32 to index
      %swap3A_440 = arith.index_cast %add3A_437 : i32 to index
      %swap3A_441 = tpu.vector_load %arg7[%swap3A_439, %swap3A_440] {strides = array<i32>} : memref<2x4096xf32, #tpu.memory_space<vmem>>, vector<16xf32>,
      tpu.vector_store %arg7[%swap3A_439, %swap3A_440], %gather3A_426 {strides = array<i32>} : memref<2x4096xf32, #tpu.memory_space<vmem>>, vector<16xf32>,
      %mul3A_442 = arith.constant 128 : i32
      %mul3A_443 = arith.muli %scan3A_389, %mul3A_442 : i32
      %add3A_444 = arith.constant 16 : i32
      %add3A_445 = arith.addi %mul3A_443, %add3A_444 : i32
      %swap3A_446 = arith.constant 1 : i32
      %swap3A_447 = arith.index_cast %swap3A_446 : i32 to index
      %swap3A_448 = arith.index_cast %add3A_445 : i32 to index
      %swap3A_449 = tpu.vector_load %arg7[%swap3A_447, %swap3A_448] {strides = array<i32>} : memref<2x4096xf32, #tpu.memory_space<vmem>>, vector<16xf32>,
      tpu.vector_store %arg7[%swap3A_447, %swap3A_448], %gather3A_427 {strides = array<i32>} : memref<2x4096xf32, #tpu.memory_space<vmem>>, vector<16xf32>,
      %mul3A_450 = arith.constant 128 : i32
      %mul3A_451 = arith.muli %scan3A_389, %mul3A_450 : i32
      %add3A_452 = arith.constant 32 : i32
      %add3A_453 = arith.addi %mul3A_451, %add3A_452 : i32
      %swap3A_454 = arith.constant 1 : i32
      %swap3A_455 = arith.index_cast %swap3A_454 : i32 to index
      %swap3A_456 = arith.index_cast %add3A_453 : i32 to index
      %swap3A_457 = tpu.vector_load %arg7[%swap3A_455, %swap3A_456] {strides = array<i32>} : memref<2x4096xf32, #tpu.memory_space<vmem>>, vector<16xf32>,
      tpu.vector_store %arg7[%swap3A_455, %swap3A_456], %gather3A_428 {strides = array<i32>} : memref<2x4096xf32, #tpu.memory_space<vmem>>, vector<16xf32>,
      %mul3A_458 = arith.constant 128 : i32
      %mul3A_459 = arith.muli %scan3A_389, %mul3A_458 : i32
      %add3A_460 = arith.constant 48 : i32
      %add3A_461 = arith.addi %mul3A_459, %add3A_460 : i32
      %swap3A_462 = arith.constant 1 : i32
      %swap3A_463 = arith.index_cast %swap3A_462 : i32 to index
      %swap3A_464 = arith.index_cast %add3A_461 : i32 to index
      %swap3A_465 = tpu.vector_load %arg7[%swap3A_463, %swap3A_464] {strides = array<i32>} : memref<2x4096xf32, #tpu.memory_space<vmem>>, vector<16xf32>,
      tpu.vector_store %arg7[%swap3A_463, %swap3A_464], %gather3A_429 {strides = array<i32>} : memref<2x4096xf32, #tpu.memory_space<vmem>>, vector<16xf32>,
      %mul3A_466 = arith.constant 128 : i32
      %mul3A_467 = arith.muli %scan3A_389, %mul3A_466 : i32
      %add3A_468 = arith.constant 64 : i32
      %add3A_469 = arith.addi %mul3A_467, %add3A_468 : i32
      %swap3A_470 = arith.constant 1 : i32
      %swap3A_471 = arith.index_cast %swap3A_470 : i32 to index
      %swap3A_472 = arith.index_cast %add3A_469 : i32 to index
      %swap3A_473 = tpu.vector_load %arg7[%swap3A_471, %swap3A_472] {strides = array<i32>} : memref<2x4096xf32, #tpu.memory_space<vmem>>, vector<16xf32>,
      tpu.vector_store %arg7[%swap3A_471, %swap3A_472], %gather3A_430 {strides = array<i32>} : memref<2x4096xf32, #tpu.memory_space<vmem>>, vector<16xf32>,
      %mul3A_474 = arith.constant 128 : i32
      %mul3A_475 = arith.muli %scan3A_389, %mul3A_474 : i32
      %add3A_476 = arith.constant 80 : i32
      %add3A_477 = arith.addi %mul3A_475, %add3A_476 : i32
      %swap3A_478 = arith.constant 1 : i32
      %swap3A_479 = arith.index_cast %swap3A_478 : i32 to index
      %swap3A_480 = arith.index_cast %add3A_477 : i32 to index
      %swap3A_481 = tpu.vector_load %arg7[%swap3A_479, %swap3A_480] {strides = array<i32>} : memref<2x4096xf32, #tpu.memory_space<vmem>>, vector<16xf32>,
      tpu.vector_store %arg7[%swap3A_479, %swap3A_480], %gather3A_431 {strides = array<i32>} : memref<2x4096xf32, #tpu.memory_space<vmem>>, vector<16xf32>,
      %mul3A_482 = arith.constant 128 : i32
      %mul3A_483 = arith.muli %scan3A_389, %mul3A_482 : i32
      %add3A_484 = arith.constant 96 : i32
      %add3A_485 = arith.addi %mul3A_483, %add3A_484 : i32
      %swap3A_486 = arith.constant 1 : i32
      %swap3A_487 = arith.index_cast %swap3A_486 : i32 to index
      %swap3A_488 = arith.index_cast %add3A_485 : i32 to index
      %swap3A_489 = tpu.vector_load %arg7[%swap3A_487, %swap3A_488] {strides = array<i32>} : memref<2x4096xf32, #tpu.memory_space<vmem>>, vector<16xf32>,
      tpu.vector_store %arg7[%swap3A_487, %swap3A_488], %gather3A_432 {strides = array<i32>} : memref<2x4096xf32, #tpu.memory_space<vmem>>, vector<16xf32>,
      %mul3A_490 = arith.constant 128 : i32
      %mul3A_491 = arith.muli %scan3A_389, %mul3A_490 : i32
      %add3A_492 = arith.constant 112 : i32
      %add3A_493 = arith.addi %mul3A_491, %add3A_492 : i32
      %swap3A_494 = arith.constant 1 : i32
      %swap3A_495 = arith.index_cast %swap3A_494 : i32 to index
      %swap3A_496 = arith.index_cast %add3A_493 : i32 to index
      %swap3A_497 = tpu.vector_load %arg7[%swap3A_495, %swap3A_496] {strides = array<i32>} : memref<2x4096xf32, #tpu.memory_space<vmem>>, vector<16xf32>,
      tpu.vector_store %arg7[%swap3A_495, %swap3A_496], %gather3A_433 {strides = array<i32>} : memref<2x4096xf32, #tpu.memory_space<vmem>>, vector<16xf32>,
      %scan3A_498 = arith.constant 0 : i32
      scf.yield %scan3A_498 : i32
    }
    %scan3A_106 = arith.constant 32 : i32
    %dma_start3A_107 = arith.constant 1 : i32
    %dma_start3A_108 = arith.constant 0 : i32
    %dma_start3A_109 = tpu.memref_slice %arg7[%dma_start3A_107, %dma_start3A_108] : memref<2x4096xf32, #tpu.memory_space<vmem>> -> memref<1x4096xf32, #tpu.memory_space<vmem>>
    %dma_start3A_110 = tpu.memref_squeeze %dma_start3A_109 : memref<1x4096xf32, #tpu.memory_space<vmem>> -> memref<4096xf32, #tpu.memory_space<vmem>>
    %dma_start3A_111 = arith.constant 12288 : i32
    %dma_start3A_112 = tpu.memref_slice %arg4[%add3A_14, %dma_start3A_111] : memref<64x16384xf32, #tpu.memory_space<hbm>> -> memref<1x4096xf32, #tpu.memory_space<hbm>>
    %dma_start3A_113 = tpu.memref_squeeze %dma_start3A_112 : memref<1x4096xf32, #tpu.memory_space<hbm>> -> memref<4096xf32, #tpu.memory_space<hbm>>
    %dma_start3A_114 = arith.constant 12288 : i32
    %dma_start3A_115 = tpu.memref_slice %arg4[%add3A_14, %dma_start3A_114] : memref<64x16384xf32, #tpu.memory_space<hbm>> -> memref<1x4096xf32, #tpu.memory_space<hbm>>
    %dma_start3A_116 = tpu.memref_squeeze %dma_start3A_115 : memref<1x4096xf32, #tpu.memory_space<hbm>> -> memref<4096xf32, #tpu.memory_space<hbm>>
    %dma_start3A_117 = arith.constant 0 : i32
    %dma_start3A_118 = tpu.memref_slice %arg7[%dma_start3A_107, %dma_start3A_117] : memref<2x4096xf32, #tpu.memory_space<vmem>> -> memref<1x4096xf32, #tpu.memory_space<vmem>>
    %dma_start3A_119 = tpu.memref_squeeze %dma_start3A_118 : memref<1x4096xf32, #tpu.memory_space<vmem>> -> memref<4096xf32, #tpu.memory_space<vmem>>
    tpu.enqueue_dma source(%dma_start3A_119 : memref<4096xf32, #tpu.memory_space<vmem>>) target(%dma_start3A_116 : memref<4096xf32, #tpu.memory_space<hbm>>) target_semaphore(%arg8 : memref<!tpu.dma_semaphore, #tpu.memory_space<semaphore_mem>>)
    %add3A_120 = arith.constant 1 : i32
    %add3A_121 = arith.addi %mul3A_2, %add3A_120 : i32
    "tpu.region"() ({
      %run_scoped3A = tpu.sem_alloc : memref<!tpu.dma_semaphore, #tpu.memory_space<semaphore_mem>>
      %dma_start3A_280 = arith.constant 0 : i32
      %dma_start3A_281 = tpu.memref_slice %arg2[%add3A_121, %dma_start3A_280] : memref<64x100000xf32, #tpu.memory_space<hbm>> -> memref<1x100000xf32, #tpu.memory_space<hbm>>
      %dma_start3A_282 = tpu.memref_squeeze %dma_start3A_281 : memref<1x100000xf32, #tpu.memory_space<hbm>> -> memref<100000xf32, #tpu.memory_space<hbm>>
      %dma_start3A_283 = arith.constant 0 : i32
      %dma_start3A_284 = tpu.memref_slice %arg2[%add3A_121, %dma_start3A_283] : memref<64x100000xf32, #tpu.memory_space<hbm>> -> memref<1x100000xf32, #tpu.memory_space<hbm>>
      %dma_start3A_285 = tpu.memref_squeeze %dma_start3A_284 : memref<1x100000xf32, #tpu.memory_space<hbm>> -> memref<100000xf32, #tpu.memory_space<hbm>>
      tpu.enqueue_dma source(%dma_start3A_285 : memref<100000xf32, #tpu.memory_space<hbm>>) target(%arg5 : memref<100000xf32, #tpu.memory_space<vmem>>) target_semaphore(%run_scoped3A : memref<!tpu.dma_semaphore, #tpu.memory_space<semaphore_mem>>)
      %dma_wait3A_286 = arith.constant 0 : i32
      %dma_wait3A_287 = tpu.memref_slice %arg2[%add3A_121, %dma_wait3A_286] : memref<64x100000xf32, #tpu.memory_space<hbm>> -> memref<1x100000xf32, #tpu.memory_space<hbm>>
      %dma_wait3A_288 = tpu.memref_squeeze %dma_wait3A_287 : memref<1x100000xf32, #tpu.memory_space<hbm>> -> memref<100000xf32, #tpu.memory_space<hbm>>
      %dma_wait3A_289 = arith.constant 0 : i32
      %dma_wait3A_290 = tpu.memref_slice %arg2[%add3A_121, %dma_wait3A_289] : memref<64x100000xf32, #tpu.memory_space<hbm>> -> memref<1x100000xf32, #tpu.memory_space<hbm>>
      %dma_wait3A_291 = tpu.memref_squeeze %dma_wait3A_290 : memref<1x100000xf32, #tpu.memory_space<hbm>> -> memref<100000xf32, #tpu.memory_space<hbm>>
      tpu.wait_dma2 semaphore(%run_scoped3A : memref<!tpu.dma_semaphore, #tpu.memory_space<semaphore_mem>>) src(%dma_wait3A_291 : memref<100000xf32, #tpu.memory_space<hbm>>) dst(%arg5 : memref<100000xf32, #tpu.memory_space<vmem>>)
      tpu.yield
    }) : () -> ()
    %dma_wait3A_122 = arith.constant 0 : i32
    %dma_wait3A_123 = arith.constant 0 : i32
    %dma_wait3A_124 = tpu.memref_slice %arg7[%dma_wait3A_122, %dma_wait3A_123] : memref<2x4096xf32, #tpu.memory_space<vmem>> -> memref<1x4096xf32, #tpu.memory_space<vmem>>
    %dma_wait3A_125 = tpu.memref_squeeze %dma_wait3A_124 : memref<1x4096xf32, #tpu.memory_space<vmem>> -> memref<4096xf32, #tpu.memory_space<vmem>>
    %dma_wait3A_126 = arith.constant 8192 : i32
    %dma_wait3A_127 = tpu.memref_slice %arg4[%add3A_14, %dma_wait3A_126] : memref<64x16384xf32, #tpu.memory_space<hbm>> -> memref<1x4096xf32, #tpu.memory_space<hbm>>
    %dma_wait3A_128 = tpu.memref_squeeze %dma_wait3A_127 : memref<1x4096xf32, #tpu.memory_space<hbm>> -> memref<4096xf32, #tpu.memory_space<hbm>>
    %dma_wait3A_129 = arith.constant 8192 : i32
    %dma_wait3A_130 = tpu.memref_slice %arg4[%add3A_14, %dma_wait3A_129] : memref<64x16384xf32, #tpu.memory_space<hbm>> -> memref<1x4096xf32, #tpu.memory_space<hbm>>
    %dma_wait3A_131 = tpu.memref_squeeze %dma_wait3A_130 : memref<1x4096xf32, #tpu.memory_space<hbm>> -> memref<4096xf32, #tpu.memory_space<hbm>>
    %dma_wait3A_132 = arith.constant 0 : i32
    %dma_wait3A_133 = tpu.memref_slice %arg7[%dma_wait3A_122, %dma_wait3A_132] : memref<2x4096xf32, #tpu.memory_space<vmem>> -> memref<1x4096xf32, #tpu.memory_space<vmem>>
    %dma_wait3A_134 = tpu.memref_squeeze %dma_wait3A_133 : memref<1x4096xf32, #tpu.memory_space<vmem>> -> memref<4096xf32, #tpu.memory_space<vmem>>
    tpu.wait_dma2 semaphore(%arg8 : memref<!tpu.dma_semaphore, #tpu.memory_space<semaphore_mem>>) src(%dma_wait3A_134 : memref<4096xf32, #tpu.memory_space<vmem>>) dst(%dma_wait3A_131 : memref<4096xf32, #tpu.memory_space<hbm>>)
    %scan3A_135 = arith.constant 0 : i32
    %scan3A_136 = arith.constant 0 : i32
    %scan3A_137 = arith.constant 32 : i32
    %scan3A_138 = arith.addi %scan3A_136, %scan3A_137 : i32
    %scan3A_139 = arith.constant 2 : i32
    %scan3A_140 = scf.for %scan3A_280 = %scan3A_136 to %scan3A_138 step %scan3A_139 iter_args(%scan3A_281 = %scan3A_135) -> (i32)  : i32 {
      %mul3A_282 = arith.constant 128 : i32
      %mul3A_283 = arith.muli %scan3A_280, %mul3A_282 : i32
      %add3A_284 = arith.constant 0 : i32
      %add3A_285 = arith.addi %add3A_284, %mul3A_283 : i32
      %add3A_286 = arith.constant 0 : i32
      %add3A_287 = arith.addi %add3A_285, %add3A_286 : i32
      %get3A = arith.index_cast %add3A_287 : i32 to index
      %get3A_288 = tpu.vector_load %arg6[%get3A] {strides = array<i32>} : memref<16384xi32, #tpu.memory_space<vmem>>, vector<16xi32>,
      %add3A_289 = arith.constant 16 : i32
      %add3A_290 = arith.addi %add3A_285, %add3A_289 : i32
      %get3A_291 = arith.index_cast %add3A_290 : i32 to index
      %get3A_292 = tpu.vector_load %arg6[%get3A_291] {strides = array<i32>} : memref<16384xi32, #tpu.memory_space<vmem>>, vector<16xi32>,
      %add3A_293 = arith.constant 32 : i32
      %add3A_294 = arith.addi %add3A_285, %add3A_293 : i32
      %get3A_295 = arith.index_cast %add3A_294 : i32 to index
      %get3A_296 = tpu.vector_load %arg6[%get3A_295] {strides = array<i32>} : memref<16384xi32, #tpu.memory_space<vmem>>, vector<16xi32>,
      %add3A_297 = arith.constant 48 : i32
      %add3A_298 = arith.addi %add3A_285, %add3A_297 : i32
      %get3A_299 = arith.index_cast %add3A_298 : i32 to index
      %get3A_300 = tpu.vector_load %arg6[%get3A_299] {strides = array<i32>} : memref<16384xi32, #tpu.memory_space<vmem>>, vector<16xi32>,
      %add3A_301 = arith.constant 64 : i32
      %add3A_302 = arith.addi %add3A_285, %add3A_301 : i32
      %get3A_303 = arith.index_cast %add3A_302 : i32 to index
      %get3A_304 = tpu.vector_load %arg6[%get3A_303] {strides = array<i32>} : memref<16384xi32, #tpu.memory_space<vmem>>, vector<16xi32>,
      %add3A_305 = arith.constant 80 : i32
      %add3A_306 = arith.addi %add3A_285, %add3A_305 : i32
      %get3A_307 = arith.index_cast %add3A_306 : i32 to index
      %get3A_308 = tpu.vector_load %arg6[%get3A_307] {strides = array<i32>} : memref<16384xi32, #tpu.memory_space<vmem>>, vector<16xi32>,
      %add3A_309 = arith.constant 96 : i32
      %add3A_310 = arith.addi %add3A_285, %add3A_309 : i32
      %get3A_311 = arith.index_cast %add3A_310 : i32 to index
      %get3A_312 = tpu.vector_load %arg6[%get3A_311] {strides = array<i32>} : memref<16384xi32, #tpu.memory_space<vmem>>, vector<16xi32>,
      %add3A_313 = arith.constant 112 : i32
      %add3A_314 = arith.addi %add3A_285, %add3A_313 : i32
      %get3A_315 = arith.index_cast %add3A_314 : i32 to index
      %get3A_316 = tpu.vector_load %arg6[%get3A_315] {strides = array<i32>} : memref<16384xi32, #tpu.memory_space<vmem>>, vector<16xi32>,
      %gather3A = tpu.vector_load_idx %arg5[%get3A_288] : memref<100000xf32, #tpu.memory_space<vmem>>[vector<16xi32>], vector<16xf32>,
      %gather3A_317 = tpu.vector_load_idx %arg5[%get3A_292] : memref<100000xf32, #tpu.memory_space<vmem>>[vector<16xi32>], vector<16xf32>,
      %gather3A_318 = tpu.vector_load_idx %arg5[%get3A_296] : memref<100000xf32, #tpu.memory_space<vmem>>[vector<16xi32>], vector<16xf32>,
      %gather3A_319 = tpu.vector_load_idx %arg5[%get3A_300] : memref<100000xf32, #tpu.memory_space<vmem>>[vector<16xi32>], vector<16xf32>,
      %gather3A_320 = tpu.vector_load_idx %arg5[%get3A_304] : memref<100000xf32, #tpu.memory_space<vmem>>[vector<16xi32>], vector<16xf32>,
      %gather3A_321 = tpu.vector_load_idx %arg5[%get3A_308] : memref<100000xf32, #tpu.memory_space<vmem>>[vector<16xi32>], vector<16xf32>,
      %gather3A_322 = tpu.vector_load_idx %arg5[%get3A_312] : memref<100000xf32, #tpu.memory_space<vmem>>[vector<16xi32>], vector<16xf32>,
      %gather3A_323 = tpu.vector_load_idx %arg5[%get3A_316] : memref<100000xf32, #tpu.memory_space<vmem>>[vector<16xi32>], vector<16xf32>,
      %mul3A_324 = arith.constant 128 : i32
      %mul3A_325 = arith.muli %scan3A_280, %mul3A_324 : i32
      %add3A_326 = arith.constant 0 : i32
      %add3A_327 = arith.addi %mul3A_325, %add3A_326 : i32
      %swap3A = arith.constant 0 : i32
      %swap3A_328 = arith.index_cast %swap3A : i32 to index
      %swap3A_329 = arith.index_cast %add3A_327 : i32 to index
      %swap3A_330 = tpu.vector_load %arg7[%swap3A_328, %swap3A_329] {strides = array<i32>} : memref<2x4096xf32, #tpu.memory_space<vmem>>, vector<16xf32>,
      tpu.vector_store %arg7[%swap3A_328, %swap3A_329], %gather3A {strides = array<i32>} : memref<2x4096xf32, #tpu.memory_space<vmem>>, vector<16xf32>,
      %mul3A_331 = arith.constant 128 : i32
      %mul3A_332 = arith.muli %scan3A_280, %mul3A_331 : i32
      %add3A_333 = arith.constant 16 : i32
      %add3A_334 = arith.addi %mul3A_332, %add3A_333 : i32
      %swap3A_335 = arith.constant 0 : i32
      %swap3A_336 = arith.index_cast %swap3A_335 : i32 to index
      %swap3A_337 = arith.index_cast %add3A_334 : i32 to index
      %swap3A_338 = tpu.vector_load %arg7[%swap3A_336, %swap3A_337] {strides = array<i32>} : memref<2x4096xf32, #tpu.memory_space<vmem>>, vector<16xf32>,
      tpu.vector_store %arg7[%swap3A_336, %swap3A_337], %gather3A_317 {strides = array<i32>} : memref<2x4096xf32, #tpu.memory_space<vmem>>, vector<16xf32>,
      %mul3A_339 = arith.constant 128 : i32
      %mul3A_340 = arith.muli %scan3A_280, %mul3A_339 : i32
      %add3A_341 = arith.constant 32 : i32
      %add3A_342 = arith.addi %mul3A_340, %add3A_341 : i32
      %swap3A_343 = arith.constant 0 : i32
      %swap3A_344 = arith.index_cast %swap3A_343 : i32 to index
      %swap3A_345 = arith.index_cast %add3A_342 : i32 to index
      %swap3A_346 = tpu.vector_load %arg7[%swap3A_344, %swap3A_345] {strides = array<i32>} : memref<2x4096xf32, #tpu.memory_space<vmem>>, vector<16xf32>,
      tpu.vector_store %arg7[%swap3A_344, %swap3A_345], %gather3A_318 {strides = array<i32>} : memref<2x4096xf32, #tpu.memory_space<vmem>>, vector<16xf32>,
      %mul3A_347 = arith.constant 128 : i32
      %mul3A_348 = arith.muli %scan3A_280, %mul3A_347 : i32
      %add3A_349 = arith.constant 48 : i32
      %add3A_350 = arith.addi %mul3A_348, %add3A_349 : i32
      %swap3A_351 = arith.constant 0 : i32
      %swap3A_352 = arith.index_cast %swap3A_351 : i32 to index
      %swap3A_353 = arith.index_cast %add3A_350 : i32 to index
      %swap3A_354 = tpu.vector_load %arg7[%swap3A_352, %swap3A_353] {strides = array<i32>} : memref<2x4096xf32, #tpu.memory_space<vmem>>, vector<16xf32>,
      tpu.vector_store %arg7[%swap3A_352, %swap3A_353], %gather3A_319 {strides = array<i32>} : memref<2x4096xf32, #tpu.memory_space<vmem>>, vector<16xf32>,
      %mul3A_355 = arith.constant 128 : i32
      %mul3A_356 = arith.muli %scan3A_280, %mul3A_355 : i32
      %add3A_357 = arith.constant 64 : i32
      %add3A_358 = arith.addi %mul3A_356, %add3A_357 : i32
      %swap3A_359 = arith.constant 0 : i32
      %swap3A_360 = arith.index_cast %swap3A_359 : i32 to index
      %swap3A_361 = arith.index_cast %add3A_358 : i32 to index
      %swap3A_362 = tpu.vector_load %arg7[%swap3A_360, %swap3A_361] {strides = array<i32>} : memref<2x4096xf32, #tpu.memory_space<vmem>>, vector<16xf32>,
      tpu.vector_store %arg7[%swap3A_360, %swap3A_361], %gather3A_320 {strides = array<i32>} : memref<2x4096xf32, #tpu.memory_space<vmem>>, vector<16xf32>,
      %mul3A_363 = arith.constant 128 : i32
      %mul3A_364 = arith.muli %scan3A_280, %mul3A_363 : i32
      %add3A_365 = arith.constant 80 : i32
      %add3A_366 = arith.addi %mul3A_364, %add3A_365 : i32
      %swap3A_367 = arith.constant 0 : i32
      %swap3A_368 = arith.index_cast %swap3A_367 : i32 to index
      %swap3A_369 = arith.index_cast %add3A_366 : i32 to index
      %swap3A_370 = tpu.vector_load %arg7[%swap3A_368, %swap3A_369] {strides = array<i32>} : memref<2x4096xf32, #tpu.memory_space<vmem>>, vector<16xf32>,
      tpu.vector_store %arg7[%swap3A_368, %swap3A_369], %gather3A_321 {strides = array<i32>} : memref<2x4096xf32, #tpu.memory_space<vmem>>, vector<16xf32>,
      %mul3A_371 = arith.constant 128 : i32
      %mul3A_372 = arith.muli %scan3A_280, %mul3A_371 : i32
      %add3A_373 = arith.constant 96 : i32
      %add3A_374 = arith.addi %mul3A_372, %add3A_373 : i32
      %swap3A_375 = arith.constant 0 : i32
      %swap3A_376 = arith.index_cast %swap3A_375 : i32 to index
      %swap3A_377 = arith.index_cast %add3A_374 : i32 to index
      %swap3A_378 = tpu.vector_load %arg7[%swap3A_376, %swap3A_377] {strides = array<i32>} : memref<2x4096xf32, #tpu.memory_space<vmem>>, vector<16xf32>,
      tpu.vector_store %arg7[%swap3A_376, %swap3A_377], %gather3A_322 {strides = array<i32>} : memref<2x4096xf32, #tpu.memory_space<vmem>>, vector<16xf32>,
      %mul3A_379 = arith.constant 128 : i32
      %mul3A_380 = arith.muli %scan3A_280, %mul3A_379 : i32
      %add3A_381 = arith.constant 112 : i32
      %add3A_382 = arith.addi %mul3A_380, %add3A_381 : i32
      %swap3A_383 = arith.constant 0 : i32
      %swap3A_384 = arith.index_cast %swap3A_383 : i32 to index
      %swap3A_385 = arith.index_cast %add3A_382 : i32 to index
      %swap3A_386 = tpu.vector_load %arg7[%swap3A_384, %swap3A_385] {strides = array<i32>} : memref<2x4096xf32, #tpu.memory_space<vmem>>, vector<16xf32>,
      tpu.vector_store %arg7[%swap3A_384, %swap3A_385], %gather3A_323 {strides = array<i32>} : memref<2x4096xf32, #tpu.memory_space<vmem>>, vector<16xf32>,
      %scan3A_387 = arith.constant 0 : i32
      %scan3A_388 = arith.constant 1 : i32
      %scan3A_389 = arith.addi %scan3A_280, %scan3A_388 : i32
      %mul3A_390 = arith.constant 128 : i32
      %mul3A_391 = arith.muli %scan3A_389, %mul3A_390 : i32
      %add3A_392 = arith.constant 0 : i32
      %add3A_393 = arith.addi %add3A_392, %mul3A_391 : i32
      %add3A_394 = arith.constant 0 : i32
      %add3A_395 = arith.addi %add3A_393, %add3A_394 : i32
      %get3A_396 = arith.index_cast %add3A_395 : i32 to index
      %get3A_397 = tpu.vector_load %arg6[%get3A_396] {strides = array<i32>} : memref<16384xi32, #tpu.memory_space<vmem>>, vector<16xi32>,
      %add3A_398 = arith.constant 16 : i32
      %add3A_399 = arith.addi %add3A_393, %add3A_398 : i32
      %get3A_400 = arith.index_cast %add3A_399 : i32 to index
      %get3A_401 = tpu.vector_load %arg6[%get3A_400] {strides = array<i32>} : memref<16384xi32, #tpu.memory_space<vmem>>, vector<16xi32>,
      %add3A_402 = arith.constant 32 : i32
      %add3A_403 = arith.addi %add3A_393, %add3A_402 : i32
      %get3A_404 = arith.index_cast %add3A_403 : i32 to index
      %get3A_405 = tpu.vector_load %arg6[%get3A_404] {strides = array<i32>} : memref<16384xi32, #tpu.memory_space<vmem>>, vector<16xi32>,
      %add3A_406 = arith.constant 48 : i32
      %add3A_407 = arith.addi %add3A_393, %add3A_406 : i32
      %get3A_408 = arith.index_cast %add3A_407 : i32 to index
      %get3A_409 = tpu.vector_load %arg6[%get3A_408] {strides = array<i32>} : memref<16384xi32, #tpu.memory_space<vmem>>, vector<16xi32>,
      %add3A_410 = arith.constant 64 : i32
      %add3A_411 = arith.addi %add3A_393, %add3A_410 : i32
      %get3A_412 = arith.index_cast %add3A_411 : i32 to index
      %get3A_413 = tpu.vector_load %arg6[%get3A_412] {strides = array<i32>} : memref<16384xi32, #tpu.memory_space<vmem>>, vector<16xi32>,
      %add3A_414 = arith.constant 80 : i32
      %add3A_415 = arith.addi %add3A_393, %add3A_414 : i32
      %get3A_416 = arith.index_cast %add3A_415 : i32 to index
      %get3A_417 = tpu.vector_load %arg6[%get3A_416] {strides = array<i32>} : memref<16384xi32, #tpu.memory_space<vmem>>, vector<16xi32>,
      %add3A_418 = arith.constant 96 : i32
      %add3A_419 = arith.addi %add3A_393, %add3A_418 : i32
      %get3A_420 = arith.index_cast %add3A_419 : i32 to index
      %get3A_421 = tpu.vector_load %arg6[%get3A_420] {strides = array<i32>} : memref<16384xi32, #tpu.memory_space<vmem>>, vector<16xi32>,
      %add3A_422 = arith.constant 112 : i32
      %add3A_423 = arith.addi %add3A_393, %add3A_422 : i32
      %get3A_424 = arith.index_cast %add3A_423 : i32 to index
      %get3A_425 = tpu.vector_load %arg6[%get3A_424] {strides = array<i32>} : memref<16384xi32, #tpu.memory_space<vmem>>, vector<16xi32>,
      %gather3A_426 = tpu.vector_load_idx %arg5[%get3A_397] : memref<100000xf32, #tpu.memory_space<vmem>>[vector<16xi32>], vector<16xf32>,
      %gather3A_427 = tpu.vector_load_idx %arg5[%get3A_401] : memref<100000xf32, #tpu.memory_space<vmem>>[vector<16xi32>], vector<16xf32>,
      %gather3A_428 = tpu.vector_load_idx %arg5[%get3A_405] : memref<100000xf32, #tpu.memory_space<vmem>>[vector<16xi32>], vector<16xf32>,
      %gather3A_429 = tpu.vector_load_idx %arg5[%get3A_409] : memref<100000xf32, #tpu.memory_space<vmem>>[vector<16xi32>], vector<16xf32>,
      %gather3A_430 = tpu.vector_load_idx %arg5[%get3A_413] : memref<100000xf32, #tpu.memory_space<vmem>>[vector<16xi32>], vector<16xf32>,
      %gather3A_431 = tpu.vector_load_idx %arg5[%get3A_417] : memref<100000xf32, #tpu.memory_space<vmem>>[vector<16xi32>], vector<16xf32>,
      %gather3A_432 = tpu.vector_load_idx %arg5[%get3A_421] : memref<100000xf32, #tpu.memory_space<vmem>>[vector<16xi32>], vector<16xf32>,
      %gather3A_433 = tpu.vector_load_idx %arg5[%get3A_425] : memref<100000xf32, #tpu.memory_space<vmem>>[vector<16xi32>], vector<16xf32>,
      %mul3A_434 = arith.constant 128 : i32
      %mul3A_435 = arith.muli %scan3A_389, %mul3A_434 : i32
      %add3A_436 = arith.constant 0 : i32
      %add3A_437 = arith.addi %mul3A_435, %add3A_436 : i32
      %swap3A_438 = arith.constant 0 : i32
      %swap3A_439 = arith.index_cast %swap3A_438 : i32 to index
      %swap3A_440 = arith.index_cast %add3A_437 : i32 to index
      %swap3A_441 = tpu.vector_load %arg7[%swap3A_439, %swap3A_440] {strides = array<i32>} : memref<2x4096xf32, #tpu.memory_space<vmem>>, vector<16xf32>,
      tpu.vector_store %arg7[%swap3A_439, %swap3A_440], %gather3A_426 {strides = array<i32>} : memref<2x4096xf32, #tpu.memory_space<vmem>>, vector<16xf32>,
      %mul3A_442 = arith.constant 128 : i32
      %mul3A_443 = arith.muli %scan3A_389, %mul3A_442 : i32
      %add3A_444 = arith.constant 16 : i32
      %add3A_445 = arith.addi %mul3A_443, %add3A_444 : i32
      %swap3A_446 = arith.constant 0 : i32
      %swap3A_447 = arith.index_cast %swap3A_446 : i32 to index
      %swap3A_448 = arith.index_cast %add3A_445 : i32 to index
      %swap3A_449 = tpu.vector_load %arg7[%swap3A_447, %swap3A_448] {strides = array<i32>} : memref<2x4096xf32, #tpu.memory_space<vmem>>, vector<16xf32>,
      tpu.vector_store %arg7[%swap3A_447, %swap3A_448], %gather3A_427 {strides = array<i32>} : memref<2x4096xf32, #tpu.memory_space<vmem>>, vector<16xf32>,
      %mul3A_450 = arith.constant 128 : i32
      %mul3A_451 = arith.muli %scan3A_389, %mul3A_450 : i32
      %add3A_452 = arith.constant 32 : i32
      %add3A_453 = arith.addi %mul3A_451, %add3A_452 : i32
      %swap3A_454 = arith.constant 0 : i32
      %swap3A_455 = arith.index_cast %swap3A_454 : i32 to index
      %swap3A_456 = arith.index_cast %add3A_453 : i32 to index
      %swap3A_457 = tpu.vector_load %arg7[%swap3A_455, %swap3A_456] {strides = array<i32>} : memref<2x4096xf32, #tpu.memory_space<vmem>>, vector<16xf32>,
      tpu.vector_store %arg7[%swap3A_455, %swap3A_456], %gather3A_428 {strides = array<i32>} : memref<2x4096xf32, #tpu.memory_space<vmem>>, vector<16xf32>,
      %mul3A_458 = arith.constant 128 : i32
      %mul3A_459 = arith.muli %scan3A_389, %mul3A_458 : i32
      %add3A_460 = arith.constant 48 : i32
      %add3A_461 = arith.addi %mul3A_459, %add3A_460 : i32
      %swap3A_462 = arith.constant 0 : i32
      %swap3A_463 = arith.index_cast %swap3A_462 : i32 to index
      %swap3A_464 = arith.index_cast %add3A_461 : i32 to index
      %swap3A_465 = tpu.vector_load %arg7[%swap3A_463, %swap3A_464] {strides = array<i32>} : memref<2x4096xf32, #tpu.memory_space<vmem>>, vector<16xf32>,
      tpu.vector_store %arg7[%swap3A_463, %swap3A_464], %gather3A_429 {strides = array<i32>} : memref<2x4096xf32, #tpu.memory_space<vmem>>, vector<16xf32>,
      %mul3A_466 = arith.constant 128 : i32
      %mul3A_467 = arith.muli %scan3A_389, %mul3A_466 : i32
      %add3A_468 = arith.constant 64 : i32
      %add3A_469 = arith.addi %mul3A_467, %add3A_468 : i32
      %swap3A_470 = arith.constant 0 : i32
      %swap3A_471 = arith.index_cast %swap3A_470 : i32 to index
      %swap3A_472 = arith.index_cast %add3A_469 : i32 to index
      %swap3A_473 = tpu.vector_load %arg7[%swap3A_471, %swap3A_472] {strides = array<i32>} : memref<2x4096xf32, #tpu.memory_space<vmem>>, vector<16xf32>,
      tpu.vector_store %arg7[%swap3A_471, %swap3A_472], %gather3A_430 {strides = array<i32>} : memref<2x4096xf32, #tpu.memory_space<vmem>>, vector<16xf32>,
      %mul3A_474 = arith.constant 128 : i32
      %mul3A_475 = arith.muli %scan3A_389, %mul3A_474 : i32
      %add3A_476 = arith.constant 80 : i32
      %add3A_477 = arith.addi %mul3A_475, %add3A_476 : i32
      %swap3A_478 = arith.constant 0 : i32
      %swap3A_479 = arith.index_cast %swap3A_478 : i32 to index
      %swap3A_480 = arith.index_cast %add3A_477 : i32 to index
      %swap3A_481 = tpu.vector_load %arg7[%swap3A_479, %swap3A_480] {strides = array<i32>} : memref<2x4096xf32, #tpu.memory_space<vmem>>, vector<16xf32>,
      tpu.vector_store %arg7[%swap3A_479, %swap3A_480], %gather3A_431 {strides = array<i32>} : memref<2x4096xf32, #tpu.memory_space<vmem>>, vector<16xf32>,
      %mul3A_482 = arith.constant 128 : i32
      %mul3A_483 = arith.muli %scan3A_389, %mul3A_482 : i32
      %add3A_484 = arith.constant 96 : i32
      %add3A_485 = arith.addi %mul3A_483, %add3A_484 : i32
      %swap3A_486 = arith.constant 0 : i32
      %swap3A_487 = arith.index_cast %swap3A_486 : i32 to index
      %swap3A_488 = arith.index_cast %add3A_485 : i32 to index
      %swap3A_489 = tpu.vector_load %arg7[%swap3A_487, %swap3A_488] {strides = array<i32>} : memref<2x4096xf32, #tpu.memory_space<vmem>>, vector<16xf32>,
      tpu.vector_store %arg7[%swap3A_487, %swap3A_488], %gather3A_432 {strides = array<i32>} : memref<2x4096xf32, #tpu.memory_space<vmem>>, vector<16xf32>,
      %mul3A_490 = arith.constant 128 : i32
      %mul3A_491 = arith.muli %scan3A_389, %mul3A_490 : i32
      %add3A_492 = arith.constant 112 : i32
      %add3A_493 = arith.addi %mul3A_491, %add3A_492 : i32
      %swap3A_494 = arith.constant 0 : i32
      %swap3A_495 = arith.index_cast %swap3A_494 : i32 to index
      %swap3A_496 = arith.index_cast %add3A_493 : i32 to index
      %swap3A_497 = tpu.vector_load %arg7[%swap3A_495, %swap3A_496] {strides = array<i32>} : memref<2x4096xf32, #tpu.memory_space<vmem>>, vector<16xf32>,
      tpu.vector_store %arg7[%swap3A_495, %swap3A_496], %gather3A_433 {strides = array<i32>} : memref<2x4096xf32, #tpu.memory_space<vmem>>, vector<16xf32>,
      %scan3A_498 = arith.constant 0 : i32
      scf.yield %scan3A_498 : i32
    }
    %scan3A_141 = arith.constant 32 : i32
    %dma_start3A_142 = arith.constant 0 : i32
    %dma_start3A_143 = arith.constant 0 : i32
    %dma_start3A_144 = tpu.memref_slice %arg7[%dma_start3A_142, %dma_start3A_143] : memref<2x4096xf32, #tpu.memory_space<vmem>> -> memref<1x4096xf32, #tpu.memory_space<vmem>>
    %dma_start3A_145 = tpu.memref_squeeze %dma_start3A_144 : memref<1x4096xf32, #tpu.memory_space<vmem>> -> memref<4096xf32, #tpu.memory_space<vmem>>
    %dma_start3A_146 = arith.constant 0 : i32
    %dma_start3A_147 = tpu.memref_slice %arg4[%add3A_121, %dma_start3A_146] : memref<64x16384xf32, #tpu.memory_space<hbm>> -> memref<1x4096xf32, #tpu.memory_space<hbm>>
    %dma_start3A_148 = tpu.memref_squeeze %dma_start3A_147 : memref<1x4096xf32, #tpu.memory_space<hbm>> -> memref<4096xf32, #tpu.memory_space<hbm>>
    %dma_start3A_149 = arith.constant 0 : i32
    %dma_start3A_150 = tpu.memref_slice %arg4[%add3A_121, %dma_start3A_149] : memref<64x16384xf32, #tpu.memory_space<hbm>> -> memref<1x4096xf32, #tpu.memory_space<hbm>>
    %dma_start3A_151 = tpu.memref_squeeze %dma_start3A_150 : memref<1x4096xf32, #tpu.memory_space<hbm>> -> memref<4096xf32, #tpu.memory_space<hbm>>
    %dma_start3A_152 = arith.constant 0 : i32
    %dma_start3A_153 = tpu.memref_slice %arg7[%dma_start3A_142, %dma_start3A_152] : memref<2x4096xf32, #tpu.memory_space<vmem>> -> memref<1x4096xf32, #tpu.memory_space<vmem>>
    %dma_start3A_154 = tpu.memref_squeeze %dma_start3A_153 : memref<1x4096xf32, #tpu.memory_space<vmem>> -> memref<4096xf32, #tpu.memory_space<vmem>>
    tpu.enqueue_dma source(%dma_start3A_154 : memref<4096xf32, #tpu.memory_space<vmem>>) target(%dma_start3A_151 : memref<4096xf32, #tpu.memory_space<hbm>>) target_semaphore(%arg8 : memref<!tpu.dma_semaphore, #tpu.memory_space<semaphore_mem>>)
    %dma_wait3A_155 = arith.constant 1 : i32
    %dma_wait3A_156 = arith.constant 0 : i32
    %dma_wait3A_157 = tpu.memref_slice %arg7[%dma_wait3A_155, %dma_wait3A_156] : memref<2x4096xf32, #tpu.memory_space<vmem>> -> memref<1x4096xf32, #tpu.memory_space<vmem>>
    %dma_wait3A_158 = tpu.memref_squeeze %dma_wait3A_157 : memref<1x4096xf32, #tpu.memory_space<vmem>> -> memref<4096xf32, #tpu.memory_space<vmem>>
    %dma_wait3A_159 = arith.constant 12288 : i32
    %dma_wait3A_160 = tpu.memref_slice %arg4[%add3A_14, %dma_wait3A_159] : memref<64x16384xf32, #tpu.memory_space<hbm>> -> memref<1x4096xf32, #tpu.memory_space<hbm>>
    %dma_wait3A_161 = tpu.memref_squeeze %dma_wait3A_160 : memref<1x4096xf32, #tpu.memory_space<hbm>> -> memref<4096xf32, #tpu.memory_space<hbm>>
    %dma_wait3A_162 = arith.constant 12288 : i32
    %dma_wait3A_163 = tpu.memref_slice %arg4[%add3A_14, %dma_wait3A_162] : memref<64x16384xf32, #tpu.memory_space<hbm>> -> memref<1x4096xf32, #tpu.memory_space<hbm>>
    %dma_wait3A_164 = tpu.memref_squeeze %dma_wait3A_163 : memref<1x4096xf32, #tpu.memory_space<hbm>> -> memref<4096xf32, #tpu.memory_space<hbm>>
    %dma_wait3A_165 = arith.constant 0 : i32
    %dma_wait3A_166 = tpu.memref_slice %arg7[%dma_wait3A_155, %dma_wait3A_165] : memref<2x4096xf32, #tpu.memory_space<vmem>> -> memref<1x4096xf32, #tpu.memory_space<vmem>>
    %dma_wait3A_167 = tpu.memref_squeeze %dma_wait3A_166 : memref<1x4096xf32, #tpu.memory_space<vmem>> -> memref<4096xf32, #tpu.memory_space<vmem>>
    tpu.wait_dma2 semaphore(%arg8 : memref<!tpu.dma_semaphore, #tpu.memory_space<semaphore_mem>>) src(%dma_wait3A_167 : memref<4096xf32, #tpu.memory_space<vmem>>) dst(%dma_wait3A_164 : memref<4096xf32, #tpu.memory_space<hbm>>)
    %scan3A_168 = arith.constant 0 : i32
    %scan3A_169 = arith.constant 0 : i32
    %scan3A_170 = arith.constant 32 : i32
    %scan3A_171 = arith.addi %scan3A_169, %scan3A_170 : i32
    %scan3A_172 = arith.constant 2 : i32
    %scan3A_173 = scf.for %scan3A_280 = %scan3A_169 to %scan3A_171 step %scan3A_172 iter_args(%scan3A_281 = %scan3A_168) -> (i32)  : i32 {
      %mul3A_282 = arith.constant 128 : i32
      %mul3A_283 = arith.muli %scan3A_280, %mul3A_282 : i32
      %add3A_284 = arith.constant 4096 : i32
      %add3A_285 = arith.addi %add3A_284, %mul3A_283 : i32
      %add3A_286 = arith.constant 0 : i32
      %add3A_287 = arith.addi %add3A_285, %add3A_286 : i32
      %get3A = arith.index_cast %add3A_287 : i32 to index
      %get3A_288 = tpu.vector_load %arg6[%get3A] {strides = array<i32>} : memref<16384xi32, #tpu.memory_space<vmem>>, vector<16xi32>,
      %add3A_289 = arith.constant 16 : i32
      %add3A_290 = arith.addi %add3A_285, %add3A_289 : i32
      %get3A_291 = arith.index_cast %add3A_290 : i32 to index
      %get3A_292 = tpu.vector_load %arg6[%get3A_291] {strides = array<i32>} : memref<16384xi32, #tpu.memory_space<vmem>>, vector<16xi32>,
      %add3A_293 = arith.constant 32 : i32
      %add3A_294 = arith.addi %add3A_285, %add3A_293 : i32
      %get3A_295 = arith.index_cast %add3A_294 : i32 to index
      %get3A_296 = tpu.vector_load %arg6[%get3A_295] {strides = array<i32>} : memref<16384xi32, #tpu.memory_space<vmem>>, vector<16xi32>,
      %add3A_297 = arith.constant 48 : i32
      %add3A_298 = arith.addi %add3A_285, %add3A_297 : i32
      %get3A_299 = arith.index_cast %add3A_298 : i32 to index
      %get3A_300 = tpu.vector_load %arg6[%get3A_299] {strides = array<i32>} : memref<16384xi32, #tpu.memory_space<vmem>>, vector<16xi32>,
      %add3A_301 = arith.constant 64 : i32
      %add3A_302 = arith.addi %add3A_285, %add3A_301 : i32
      %get3A_303 = arith.index_cast %add3A_302 : i32 to index
      %get3A_304 = tpu.vector_load %arg6[%get3A_303] {strides = array<i32>} : memref<16384xi32, #tpu.memory_space<vmem>>, vector<16xi32>,
      %add3A_305 = arith.constant 80 : i32
      %add3A_306 = arith.addi %add3A_285, %add3A_305 : i32
      %get3A_307 = arith.index_cast %add3A_306 : i32 to index
      %get3A_308 = tpu.vector_load %arg6[%get3A_307] {strides = array<i32>} : memref<16384xi32, #tpu.memory_space<vmem>>, vector<16xi32>,
      %add3A_309 = arith.constant 96 : i32
      %add3A_310 = arith.addi %add3A_285, %add3A_309 : i32
      %get3A_311 = arith.index_cast %add3A_310 : i32 to index
      %get3A_312 = tpu.vector_load %arg6[%get3A_311] {strides = array<i32>} : memref<16384xi32, #tpu.memory_space<vmem>>, vector<16xi32>,
      %add3A_313 = arith.constant 112 : i32
      %add3A_314 = arith.addi %add3A_285, %add3A_313 : i32
      %get3A_315 = arith.index_cast %add3A_314 : i32 to index
      %get3A_316 = tpu.vector_load %arg6[%get3A_315] {strides = array<i32>} : memref<16384xi32, #tpu.memory_space<vmem>>, vector<16xi32>,
      %gather3A = tpu.vector_load_idx %arg5[%get3A_288] : memref<100000xf32, #tpu.memory_space<vmem>>[vector<16xi32>], vector<16xf32>,
      %gather3A_317 = tpu.vector_load_idx %arg5[%get3A_292] : memref<100000xf32, #tpu.memory_space<vmem>>[vector<16xi32>], vector<16xf32>,
      %gather3A_318 = tpu.vector_load_idx %arg5[%get3A_296] : memref<100000xf32, #tpu.memory_space<vmem>>[vector<16xi32>], vector<16xf32>,
      %gather3A_319 = tpu.vector_load_idx %arg5[%get3A_300] : memref<100000xf32, #tpu.memory_space<vmem>>[vector<16xi32>], vector<16xf32>,
      %gather3A_320 = tpu.vector_load_idx %arg5[%get3A_304] : memref<100000xf32, #tpu.memory_space<vmem>>[vector<16xi32>], vector<16xf32>,
      %gather3A_321 = tpu.vector_load_idx %arg5[%get3A_308] : memref<100000xf32, #tpu.memory_space<vmem>>[vector<16xi32>], vector<16xf32>,
      %gather3A_322 = tpu.vector_load_idx %arg5[%get3A_312] : memref<100000xf32, #tpu.memory_space<vmem>>[vector<16xi32>], vector<16xf32>,
      %gather3A_323 = tpu.vector_load_idx %arg5[%get3A_316] : memref<100000xf32, #tpu.memory_space<vmem>>[vector<16xi32>], vector<16xf32>,
      %mul3A_324 = arith.constant 128 : i32
      %mul3A_325 = arith.muli %scan3A_280, %mul3A_324 : i32
      %add3A_326 = arith.constant 0 : i32
      %add3A_327 = arith.addi %mul3A_325, %add3A_326 : i32
      %swap3A = arith.constant 1 : i32
      %swap3A_328 = arith.index_cast %swap3A : i32 to index
      %swap3A_329 = arith.index_cast %add3A_327 : i32 to index
      %swap3A_330 = tpu.vector_load %arg7[%swap3A_328, %swap3A_329] {strides = array<i32>} : memref<2x4096xf32, #tpu.memory_space<vmem>>, vector<16xf32>,
      tpu.vector_store %arg7[%swap3A_328, %swap3A_329], %gather3A {strides = array<i32>} : memref<2x4096xf32, #tpu.memory_space<vmem>>, vector<16xf32>,
      %mul3A_331 = arith.constant 128 : i32
      %mul3A_332 = arith.muli %scan3A_280, %mul3A_331 : i32
      %add3A_333 = arith.constant 16 : i32
      %add3A_334 = arith.addi %mul3A_332, %add3A_333 : i32
      %swap3A_335 = arith.constant 1 : i32
      %swap3A_336 = arith.index_cast %swap3A_335 : i32 to index
      %swap3A_337 = arith.index_cast %add3A_334 : i32 to index
      %swap3A_338 = tpu.vector_load %arg7[%swap3A_336, %swap3A_337] {strides = array<i32>} : memref<2x4096xf32, #tpu.memory_space<vmem>>, vector<16xf32>,
      tpu.vector_store %arg7[%swap3A_336, %swap3A_337], %gather3A_317 {strides = array<i32>} : memref<2x4096xf32, #tpu.memory_space<vmem>>, vector<16xf32>,
      %mul3A_339 = arith.constant 128 : i32
      %mul3A_340 = arith.muli %scan3A_280, %mul3A_339 : i32
      %add3A_341 = arith.constant 32 : i32
      %add3A_342 = arith.addi %mul3A_340, %add3A_341 : i32
      %swap3A_343 = arith.constant 1 : i32
      %swap3A_344 = arith.index_cast %swap3A_343 : i32 to index
      %swap3A_345 = arith.index_cast %add3A_342 : i32 to index
      %swap3A_346 = tpu.vector_load %arg7[%swap3A_344, %swap3A_345] {strides = array<i32>} : memref<2x4096xf32, #tpu.memory_space<vmem>>, vector<16xf32>,
      tpu.vector_store %arg7[%swap3A_344, %swap3A_345], %gather3A_318 {strides = array<i32>} : memref<2x4096xf32, #tpu.memory_space<vmem>>, vector<16xf32>,
      %mul3A_347 = arith.constant 128 : i32
      %mul3A_348 = arith.muli %scan3A_280, %mul3A_347 : i32
      %add3A_349 = arith.constant 48 : i32
      %add3A_350 = arith.addi %mul3A_348, %add3A_349 : i32
      %swap3A_351 = arith.constant 1 : i32
      %swap3A_352 = arith.index_cast %swap3A_351 : i32 to index
      %swap3A_353 = arith.index_cast %add3A_350 : i32 to index
      %swap3A_354 = tpu.vector_load %arg7[%swap3A_352, %swap3A_353] {strides = array<i32>} : memref<2x4096xf32, #tpu.memory_space<vmem>>, vector<16xf32>,
      tpu.vector_store %arg7[%swap3A_352, %swap3A_353], %gather3A_319 {strides = array<i32>} : memref<2x4096xf32, #tpu.memory_space<vmem>>, vector<16xf32>,
      %mul3A_355 = arith.constant 128 : i32
      %mul3A_356 = arith.muli %scan3A_280, %mul3A_355 : i32
      %add3A_357 = arith.constant 64 : i32
      %add3A_358 = arith.addi %mul3A_356, %add3A_357 : i32
      %swap3A_359 = arith.constant 1 : i32
      %swap3A_360 = arith.index_cast %swap3A_359 : i32 to index
      %swap3A_361 = arith.index_cast %add3A_358 : i32 to index
      %swap3A_362 = tpu.vector_load %arg7[%swap3A_360, %swap3A_361] {strides = array<i32>} : memref<2x4096xf32, #tpu.memory_space<vmem>>, vector<16xf32>,
      tpu.vector_store %arg7[%swap3A_360, %swap3A_361], %gather3A_320 {strides = array<i32>} : memref<2x4096xf32, #tpu.memory_space<vmem>>, vector<16xf32>,
      %mul3A_363 = arith.constant 128 : i32
      %mul3A_364 = arith.muli %scan3A_280, %mul3A_363 : i32
      %add3A_365 = arith.constant 80 : i32
      %add3A_366 = arith.addi %mul3A_364, %add3A_365 : i32
      %swap3A_367 = arith.constant 1 : i32
      %swap3A_368 = arith.index_cast %swap3A_367 : i32 to index
      %swap3A_369 = arith.index_cast %add3A_366 : i32 to index
      %swap3A_370 = tpu.vector_load %arg7[%swap3A_368, %swap3A_369] {strides = array<i32>} : memref<2x4096xf32, #tpu.memory_space<vmem>>, vector<16xf32>,
      tpu.vector_store %arg7[%swap3A_368, %swap3A_369], %gather3A_321 {strides = array<i32>} : memref<2x4096xf32, #tpu.memory_space<vmem>>, vector<16xf32>,
      %mul3A_371 = arith.constant 128 : i32
      %mul3A_372 = arith.muli %scan3A_280, %mul3A_371 : i32
      %add3A_373 = arith.constant 96 : i32
      %add3A_374 = arith.addi %mul3A_372, %add3A_373 : i32
      %swap3A_375 = arith.constant 1 : i32
      %swap3A_376 = arith.index_cast %swap3A_375 : i32 to index
      %swap3A_377 = arith.index_cast %add3A_374 : i32 to index
      %swap3A_378 = tpu.vector_load %arg7[%swap3A_376, %swap3A_377] {strides = array<i32>} : memref<2x4096xf32, #tpu.memory_space<vmem>>, vector<16xf32>,
      tpu.vector_store %arg7[%swap3A_376, %swap3A_377], %gather3A_322 {strides = array<i32>} : memref<2x4096xf32, #tpu.memory_space<vmem>>, vector<16xf32>,
      %mul3A_379 = arith.constant 128 : i32
      %mul3A_380 = arith.muli %scan3A_280, %mul3A_379 : i32
      %add3A_381 = arith.constant 112 : i32
      %add3A_382 = arith.addi %mul3A_380, %add3A_381 : i32
      %swap3A_383 = arith.constant 1 : i32
      %swap3A_384 = arith.index_cast %swap3A_383 : i32 to index
      %swap3A_385 = arith.index_cast %add3A_382 : i32 to index
      %swap3A_386 = tpu.vector_load %arg7[%swap3A_384, %swap3A_385] {strides = array<i32>} : memref<2x4096xf32, #tpu.memory_space<vmem>>, vector<16xf32>,
      tpu.vector_store %arg7[%swap3A_384, %swap3A_385], %gather3A_323 {strides = array<i32>} : memref<2x4096xf32, #tpu.memory_space<vmem>>, vector<16xf32>,
      %scan3A_387 = arith.constant 0 : i32
      %scan3A_388 = arith.constant 1 : i32
      %scan3A_389 = arith.addi %scan3A_280, %scan3A_388 : i32
      %mul3A_390 = arith.constant 128 : i32
      %mul3A_391 = arith.muli %scan3A_389, %mul3A_390 : i32
      %add3A_392 = arith.constant 4096 : i32
      %add3A_393 = arith.addi %add3A_392, %mul3A_391 : i32
      %add3A_394 = arith.constant 0 : i32
      %add3A_395 = arith.addi %add3A_393, %add3A_394 : i32
      %get3A_396 = arith.index_cast %add3A_395 : i32 to index
      %get3A_397 = tpu.vector_load %arg6[%get3A_396] {strides = array<i32>} : memref<16384xi32, #tpu.memory_space<vmem>>, vector<16xi32>,
      %add3A_398 = arith.constant 16 : i32
      %add3A_399 = arith.addi %add3A_393, %add3A_398 : i32
      %get3A_400 = arith.index_cast %add3A_399 : i32 to index
      %get3A_401 = tpu.vector_load %arg6[%get3A_400] {strides = array<i32>} : memref<16384xi32, #tpu.memory_space<vmem>>, vector<16xi32>,
      %add3A_402 = arith.constant 32 : i32
      %add3A_403 = arith.addi %add3A_393, %add3A_402 : i32
      %get3A_404 = arith.index_cast %add3A_403 : i32 to index
      %get3A_405 = tpu.vector_load %arg6[%get3A_404] {strides = array<i32>} : memref<16384xi32, #tpu.memory_space<vmem>>, vector<16xi32>,
      %add3A_406 = arith.constant 48 : i32
      %add3A_407 = arith.addi %add3A_393, %add3A_406 : i32
      %get3A_408 = arith.index_cast %add3A_407 : i32 to index
      %get3A_409 = tpu.vector_load %arg6[%get3A_408] {strides = array<i32>} : memref<16384xi32, #tpu.memory_space<vmem>>, vector<16xi32>,
      %add3A_410 = arith.constant 64 : i32
      %add3A_411 = arith.addi %add3A_393, %add3A_410 : i32
      %get3A_412 = arith.index_cast %add3A_411 : i32 to index
      %get3A_413 = tpu.vector_load %arg6[%get3A_412] {strides = array<i32>} : memref<16384xi32, #tpu.memory_space<vmem>>, vector<16xi32>,
      %add3A_414 = arith.constant 80 : i32
      %add3A_415 = arith.addi %add3A_393, %add3A_414 : i32
      %get3A_416 = arith.index_cast %add3A_415 : i32 to index
      %get3A_417 = tpu.vector_load %arg6[%get3A_416] {strides = array<i32>} : memref<16384xi32, #tpu.memory_space<vmem>>, vector<16xi32>,
      %add3A_418 = arith.constant 96 : i32
      %add3A_419 = arith.addi %add3A_393, %add3A_418 : i32
      %get3A_420 = arith.index_cast %add3A_419 : i32 to index
      %get3A_421 = tpu.vector_load %arg6[%get3A_420] {strides = array<i32>} : memref<16384xi32, #tpu.memory_space<vmem>>, vector<16xi32>,
      %add3A_422 = arith.constant 112 : i32
      %add3A_423 = arith.addi %add3A_393, %add3A_422 : i32
      %get3A_424 = arith.index_cast %add3A_423 : i32 to index
      %get3A_425 = tpu.vector_load %arg6[%get3A_424] {strides = array<i32>} : memref<16384xi32, #tpu.memory_space<vmem>>, vector<16xi32>,
      %gather3A_426 = tpu.vector_load_idx %arg5[%get3A_397] : memref<100000xf32, #tpu.memory_space<vmem>>[vector<16xi32>], vector<16xf32>,
      %gather3A_427 = tpu.vector_load_idx %arg5[%get3A_401] : memref<100000xf32, #tpu.memory_space<vmem>>[vector<16xi32>], vector<16xf32>,
      %gather3A_428 = tpu.vector_load_idx %arg5[%get3A_405] : memref<100000xf32, #tpu.memory_space<vmem>>[vector<16xi32>], vector<16xf32>,
      %gather3A_429 = tpu.vector_load_idx %arg5[%get3A_409] : memref<100000xf32, #tpu.memory_space<vmem>>[vector<16xi32>], vector<16xf32>,
      %gather3A_430 = tpu.vector_load_idx %arg5[%get3A_413] : memref<100000xf32, #tpu.memory_space<vmem>>[vector<16xi32>], vector<16xf32>,
      %gather3A_431 = tpu.vector_load_idx %arg5[%get3A_417] : memref<100000xf32, #tpu.memory_space<vmem>>[vector<16xi32>], vector<16xf32>,
      %gather3A_432 = tpu.vector_load_idx %arg5[%get3A_421] : memref<100000xf32, #tpu.memory_space<vmem>>[vector<16xi32>], vector<16xf32>,
      %gather3A_433 = tpu.vector_load_idx %arg5[%get3A_425] : memref<100000xf32, #tpu.memory_space<vmem>>[vector<16xi32>], vector<16xf32>,
      %mul3A_434 = arith.constant 128 : i32
      %mul3A_435 = arith.muli %scan3A_389, %mul3A_434 : i32
      %add3A_436 = arith.constant 0 : i32
      %add3A_437 = arith.addi %mul3A_435, %add3A_436 : i32
      %swap3A_438 = arith.constant 1 : i32
      %swap3A_439 = arith.index_cast %swap3A_438 : i32 to index
      %swap3A_440 = arith.index_cast %add3A_437 : i32 to index
      %swap3A_441 = tpu.vector_load %arg7[%swap3A_439, %swap3A_440] {strides = array<i32>} : memref<2x4096xf32, #tpu.memory_space<vmem>>, vector<16xf32>,
      tpu.vector_store %arg7[%swap3A_439, %swap3A_440], %gather3A_426 {strides = array<i32>} : memref<2x4096xf32, #tpu.memory_space<vmem>>, vector<16xf32>,
      %mul3A_442 = arith.constant 128 : i32
      %mul3A_443 = arith.muli %scan3A_389, %mul3A_442 : i32
      %add3A_444 = arith.constant 16 : i32
      %add3A_445 = arith.addi %mul3A_443, %add3A_444 : i32
      %swap3A_446 = arith.constant 1 : i32
      %swap3A_447 = arith.index_cast %swap3A_446 : i32 to index
      %swap3A_448 = arith.index_cast %add3A_445 : i32 to index
      %swap3A_449 = tpu.vector_load %arg7[%swap3A_447, %swap3A_448] {strides = array<i32>} : memref<2x4096xf32, #tpu.memory_space<vmem>>, vector<16xf32>,
      tpu.vector_store %arg7[%swap3A_447, %swap3A_448], %gather3A_427 {strides = array<i32>} : memref<2x4096xf32, #tpu.memory_space<vmem>>, vector<16xf32>,
      %mul3A_450 = arith.constant 128 : i32
      %mul3A_451 = arith.muli %scan3A_389, %mul3A_450 : i32
      %add3A_452 = arith.constant 32 : i32
      %add3A_453 = arith.addi %mul3A_451, %add3A_452 : i32
      %swap3A_454 = arith.constant 1 : i32
      %swap3A_455 = arith.index_cast %swap3A_454 : i32 to index
      %swap3A_456 = arith.index_cast %add3A_453 : i32 to index
      %swap3A_457 = tpu.vector_load %arg7[%swap3A_455, %swap3A_456] {strides = array<i32>} : memref<2x4096xf32, #tpu.memory_space<vmem>>, vector<16xf32>,
      tpu.vector_store %arg7[%swap3A_455, %swap3A_456], %gather3A_428 {strides = array<i32>} : memref<2x4096xf32, #tpu.memory_space<vmem>>, vector<16xf32>,
      %mul3A_458 = arith.constant 128 : i32
      %mul3A_459 = arith.muli %scan3A_389, %mul3A_458 : i32
      %add3A_460 = arith.constant 48 : i32
      %add3A_461 = arith.addi %mul3A_459, %add3A_460 : i32
      %swap3A_462 = arith.constant 1 : i32
      %swap3A_463 = arith.index_cast %swap3A_462 : i32 to index
      %swap3A_464 = arith.index_cast %add3A_461 : i32 to index
      %swap3A_465 = tpu.vector_load %arg7[%swap3A_463, %swap3A_464] {strides = array<i32>} : memref<2x4096xf32, #tpu.memory_space<vmem>>, vector<16xf32>,
      tpu.vector_store %arg7[%swap3A_463, %swap3A_464], %gather3A_429 {strides = array<i32>} : memref<2x4096xf32, #tpu.memory_space<vmem>>, vector<16xf32>,
      %mul3A_466 = arith.constant 128 : i32
      %mul3A_467 = arith.muli %scan3A_389, %mul3A_466 : i32
      %add3A_468 = arith.constant 64 : i32
      %add3A_469 = arith.addi %mul3A_467, %add3A_468 : i32
      %swap3A_470 = arith.constant 1 : i32
      %swap3A_471 = arith.index_cast %swap3A_470 : i32 to index
      %swap3A_472 = arith.index_cast %add3A_469 : i32 to index
      %swap3A_473 = tpu.vector_load %arg7[%swap3A_471, %swap3A_472] {strides = array<i32>} : memref<2x4096xf32, #tpu.memory_space<vmem>>, vector<16xf32>,
      tpu.vector_store %arg7[%swap3A_471, %swap3A_472], %gather3A_430 {strides = array<i32>} : memref<2x4096xf32, #tpu.memory_space<vmem>>, vector<16xf32>,
      %mul3A_474 = arith.constant 128 : i32
      %mul3A_475 = arith.muli %scan3A_389, %mul3A_474 : i32
      %add3A_476 = arith.constant 80 : i32
      %add3A_477 = arith.addi %mul3A_475, %add3A_476 : i32
      %swap3A_478 = arith.constant 1 : i32
      %swap3A_479 = arith.index_cast %swap3A_478 : i32 to index
      %swap3A_480 = arith.index_cast %add3A_477 : i32 to index
      %swap3A_481 = tpu.vector_load %arg7[%swap3A_479, %swap3A_480] {strides = array<i32>} : memref<2x4096xf32, #tpu.memory_space<vmem>>, vector<16xf32>,
      tpu.vector_store %arg7[%swap3A_479, %swap3A_480], %gather3A_431 {strides = array<i32>} : memref<2x4096xf32, #tpu.memory_space<vmem>>, vector<16xf32>,
      %mul3A_482 = arith.constant 128 : i32
      %mul3A_483 = arith.muli %scan3A_389, %mul3A_482 : i32
      %add3A_484 = arith.constant 96 : i32
      %add3A_485 = arith.addi %mul3A_483, %add3A_484 : i32
      %swap3A_486 = arith.constant 1 : i32
      %swap3A_487 = arith.index_cast %swap3A_486 : i32 to index
      %swap3A_488 = arith.index_cast %add3A_485 : i32 to index
      %swap3A_489 = tpu.vector_load %arg7[%swap3A_487, %swap3A_488] {strides = array<i32>} : memref<2x4096xf32, #tpu.memory_space<vmem>>, vector<16xf32>,
      tpu.vector_store %arg7[%swap3A_487, %swap3A_488], %gather3A_432 {strides = array<i32>} : memref<2x4096xf32, #tpu.memory_space<vmem>>, vector<16xf32>,
      %mul3A_490 = arith.constant 128 : i32
      %mul3A_491 = arith.muli %scan3A_389, %mul3A_490 : i32
      %add3A_492 = arith.constant 112 : i32
      %add3A_493 = arith.addi %mul3A_491, %add3A_492 : i32
      %swap3A_494 = arith.constant 1 : i32
      %swap3A_495 = arith.index_cast %swap3A_494 : i32 to index
      %swap3A_496 = arith.index_cast %add3A_493 : i32 to index
      %swap3A_497 = tpu.vector_load %arg7[%swap3A_495, %swap3A_496] {strides = array<i32>} : memref<2x4096xf32, #tpu.memory_space<vmem>>, vector<16xf32>,
      tpu.vector_store %arg7[%swap3A_495, %swap3A_496], %gather3A_433 {strides = array<i32>} : memref<2x4096xf32, #tpu.memory_space<vmem>>, vector<16xf32>,
      %scan3A_498 = arith.constant 0 : i32
      scf.yield %scan3A_498 : i32
    }
    %scan3A_174 = arith.constant 32 : i32
    %dma_start3A_175 = arith.constant 1 : i32
    %dma_start3A_176 = arith.constant 0 : i32
    %dma_start3A_177 = tpu.memref_slice %arg7[%dma_start3A_175, %dma_start3A_176] : memref<2x4096xf32, #tpu.memory_space<vmem>> -> memref<1x4096xf32, #tpu.memory_space<vmem>>
    %dma_start3A_178 = tpu.memref_squeeze %dma_start3A_177 : memref<1x4096xf32, #tpu.memory_space<vmem>> -> memref<4096xf32, #tpu.memory_space<vmem>>
    %dma_start3A_179 = arith.constant 4096 : i32
    %dma_start3A_180 = tpu.memref_slice %arg4[%add3A_121, %dma_start3A_179] : memref<64x16384xf32, #tpu.memory_space<hbm>> -> memref<1x4096xf32, #tpu.memory_space<hbm>>
    %dma_start3A_181 = tpu.memref_squeeze %dma_start3A_180 : memref<1x4096xf32, #tpu.memory_space<hbm>> -> memref<4096xf32, #tpu.memory_space<hbm>>
    %dma_start3A_182 = arith.constant 4096 : i32
    %dma_start3A_183 = tpu.memref_slice %arg4[%add3A_121, %dma_start3A_182] : memref<64x16384xf32, #tpu.memory_space<hbm>> -> memref<1x4096xf32, #tpu.memory_space<hbm>>
    %dma_start3A_184 = tpu.memref_squeeze %dma_start3A_183 : memref<1x4096xf32, #tpu.memory_space<hbm>> -> memref<4096xf32, #tpu.memory_space<hbm>>
    %dma_start3A_185 = arith.constant 0 : i32
    %dma_start3A_186 = tpu.memref_slice %arg7[%dma_start3A_175, %dma_start3A_185] : memref<2x4096xf32, #tpu.memory_space<vmem>> -> memref<1x4096xf32, #tpu.memory_space<vmem>>
    %dma_start3A_187 = tpu.memref_squeeze %dma_start3A_186 : memref<1x4096xf32, #tpu.memory_space<vmem>> -> memref<4096xf32, #tpu.memory_space<vmem>>
    tpu.enqueue_dma source(%dma_start3A_187 : memref<4096xf32, #tpu.memory_space<vmem>>) target(%dma_start3A_184 : memref<4096xf32, #tpu.memory_space<hbm>>) target_semaphore(%arg8 : memref<!tpu.dma_semaphore, #tpu.memory_space<semaphore_mem>>)
    %dma_wait3A_188 = arith.constant 0 : i32
    %dma_wait3A_189 = arith.constant 0 : i32
    %dma_wait3A_190 = tpu.memref_slice %arg7[%dma_wait3A_188, %dma_wait3A_189] : memref<2x4096xf32, #tpu.memory_space<vmem>> -> memref<1x4096xf32, #tpu.memory_space<vmem>>
    %dma_wait3A_191 = tpu.memref_squeeze %dma_wait3A_190 : memref<1x4096xf32, #tpu.memory_space<vmem>> -> memref<4096xf32, #tpu.memory_space<vmem>>
    %dma_wait3A_192 = arith.constant 0 : i32
    %dma_wait3A_193 = tpu.memref_slice %arg4[%add3A_121, %dma_wait3A_192] : memref<64x16384xf32, #tpu.memory_space<hbm>> -> memref<1x4096xf32, #tpu.memory_space<hbm>>
    %dma_wait3A_194 = tpu.memref_squeeze %dma_wait3A_193 : memref<1x4096xf32, #tpu.memory_space<hbm>> -> memref<4096xf32, #tpu.memory_space<hbm>>
    %dma_wait3A_195 = arith.constant 0 : i32
    %dma_wait3A_196 = tpu.memref_slice %arg4[%add3A_121, %dma_wait3A_195] : memref<64x16384xf32, #tpu.memory_space<hbm>> -> memref<1x4096xf32, #tpu.memory_space<hbm>>
    %dma_wait3A_197 = tpu.memref_squeeze %dma_wait3A_196 : memref<1x4096xf32, #tpu.memory_space<hbm>> -> memref<4096xf32, #tpu.memory_space<hbm>>
    %dma_wait3A_198 = arith.constant 0 : i32
    %dma_wait3A_199 = tpu.memref_slice %arg7[%dma_wait3A_188, %dma_wait3A_198] : memref<2x4096xf32, #tpu.memory_space<vmem>> -> memref<1x4096xf32, #tpu.memory_space<vmem>>
    %dma_wait3A_200 = tpu.memref_squeeze %dma_wait3A_199 : memref<1x4096xf32, #tpu.memory_space<vmem>> -> memref<4096xf32, #tpu.memory_space<vmem>>
    tpu.wait_dma2 semaphore(%arg8 : memref<!tpu.dma_semaphore, #tpu.memory_space<semaphore_mem>>) src(%dma_wait3A_200 : memref<4096xf32, #tpu.memory_space<vmem>>) dst(%dma_wait3A_197 : memref<4096xf32, #tpu.memory_space<hbm>>)
    %scan3A_201 = arith.constant 0 : i32
    %scan3A_202 = arith.constant 0 : i32
    %scan3A_203 = arith.constant 32 : i32
    %scan3A_204 = arith.addi %scan3A_202, %scan3A_203 : i32
    %scan3A_205 = arith.constant 2 : i32
    %scan3A_206 = scf.for %scan3A_280 = %scan3A_202 to %scan3A_204 step %scan3A_205 iter_args(%scan3A_281 = %scan3A_201) -> (i32)  : i32 {
      %mul3A_282 = arith.constant 128 : i32
      %mul3A_283 = arith.muli %scan3A_280, %mul3A_282 : i32
      %add3A_284 = arith.constant 8192 : i32
      %add3A_285 = arith.addi %add3A_284, %mul3A_283 : i32
      %add3A_286 = arith.constant 0 : i32
      %add3A_287 = arith.addi %add3A_285, %add3A_286 : i32
      %get3A = arith.index_cast %add3A_287 : i32 to index
      %get3A_288 = tpu.vector_load %arg6[%get3A] {strides = array<i32>} : memref<16384xi32, #tpu.memory_space<vmem>>, vector<16xi32>,
      %add3A_289 = arith.constant 16 : i32
      %add3A_290 = arith.addi %add3A_285, %add3A_289 : i32
      %get3A_291 = arith.index_cast %add3A_290 : i32 to index
      %get3A_292 = tpu.vector_load %arg6[%get3A_291] {strides = array<i32>} : memref<16384xi32, #tpu.memory_space<vmem>>, vector<16xi32>,
      %add3A_293 = arith.constant 32 : i32
      %add3A_294 = arith.addi %add3A_285, %add3A_293 : i32
      %get3A_295 = arith.index_cast %add3A_294 : i32 to index
      %get3A_296 = tpu.vector_load %arg6[%get3A_295] {strides = array<i32>} : memref<16384xi32, #tpu.memory_space<vmem>>, vector<16xi32>,
      %add3A_297 = arith.constant 48 : i32
      %add3A_298 = arith.addi %add3A_285, %add3A_297 : i32
      %get3A_299 = arith.index_cast %add3A_298 : i32 to index
      %get3A_300 = tpu.vector_load %arg6[%get3A_299] {strides = array<i32>} : memref<16384xi32, #tpu.memory_space<vmem>>, vector<16xi32>,
      %add3A_301 = arith.constant 64 : i32
      %add3A_302 = arith.addi %add3A_285, %add3A_301 : i32
      %get3A_303 = arith.index_cast %add3A_302 : i32 to index
      %get3A_304 = tpu.vector_load %arg6[%get3A_303] {strides = array<i32>} : memref<16384xi32, #tpu.memory_space<vmem>>, vector<16xi32>,
      %add3A_305 = arith.constant 80 : i32
      %add3A_306 = arith.addi %add3A_285, %add3A_305 : i32
      %get3A_307 = arith.index_cast %add3A_306 : i32 to index
      %get3A_308 = tpu.vector_load %arg6[%get3A_307] {strides = array<i32>} : memref<16384xi32, #tpu.memory_space<vmem>>, vector<16xi32>,
      %add3A_309 = arith.constant 96 : i32
      %add3A_310 = arith.addi %add3A_285, %add3A_309 : i32
      %get3A_311 = arith.index_cast %add3A_310 : i32 to index
      %get3A_312 = tpu.vector_load %arg6[%get3A_311] {strides = array<i32>} : memref<16384xi32, #tpu.memory_space<vmem>>, vector<16xi32>,
      %add3A_313 = arith.constant 112 : i32
      %add3A_314 = arith.addi %add3A_285, %add3A_313 : i32
      %get3A_315 = arith.index_cast %add3A_314 : i32 to index
      %get3A_316 = tpu.vector_load %arg6[%get3A_315] {strides = array<i32>} : memref<16384xi32, #tpu.memory_space<vmem>>, vector<16xi32>,
      %gather3A = tpu.vector_load_idx %arg5[%get3A_288] : memref<100000xf32, #tpu.memory_space<vmem>>[vector<16xi32>], vector<16xf32>,
      %gather3A_317 = tpu.vector_load_idx %arg5[%get3A_292] : memref<100000xf32, #tpu.memory_space<vmem>>[vector<16xi32>], vector<16xf32>,
      %gather3A_318 = tpu.vector_load_idx %arg5[%get3A_296] : memref<100000xf32, #tpu.memory_space<vmem>>[vector<16xi32>], vector<16xf32>,
      %gather3A_319 = tpu.vector_load_idx %arg5[%get3A_300] : memref<100000xf32, #tpu.memory_space<vmem>>[vector<16xi32>], vector<16xf32>,
      %gather3A_320 = tpu.vector_load_idx %arg5[%get3A_304] : memref<100000xf32, #tpu.memory_space<vmem>>[vector<16xi32>], vector<16xf32>,
      %gather3A_321 = tpu.vector_load_idx %arg5[%get3A_308] : memref<100000xf32, #tpu.memory_space<vmem>>[vector<16xi32>], vector<16xf32>,
      %gather3A_322 = tpu.vector_load_idx %arg5[%get3A_312] : memref<100000xf32, #tpu.memory_space<vmem>>[vector<16xi32>], vector<16xf32>,
      %gather3A_323 = tpu.vector_load_idx %arg5[%get3A_316] : memref<100000xf32, #tpu.memory_space<vmem>>[vector<16xi32>], vector<16xf32>,
      %mul3A_324 = arith.constant 128 : i32
      %mul3A_325 = arith.muli %scan3A_280, %mul3A_324 : i32
      %add3A_326 = arith.constant 0 : i32
      %add3A_327 = arith.addi %mul3A_325, %add3A_326 : i32
      %swap3A = arith.constant 0 : i32
      %swap3A_328 = arith.index_cast %swap3A : i32 to index
      %swap3A_329 = arith.index_cast %add3A_327 : i32 to index
      %swap3A_330 = tpu.vector_load %arg7[%swap3A_328, %swap3A_329] {strides = array<i32>} : memref<2x4096xf32, #tpu.memory_space<vmem>>, vector<16xf32>,
      tpu.vector_store %arg7[%swap3A_328, %swap3A_329], %gather3A {strides = array<i32>} : memref<2x4096xf32, #tpu.memory_space<vmem>>, vector<16xf32>,
      %mul3A_331 = arith.constant 128 : i32
      %mul3A_332 = arith.muli %scan3A_280, %mul3A_331 : i32
      %add3A_333 = arith.constant 16 : i32
      %add3A_334 = arith.addi %mul3A_332, %add3A_333 : i32
      %swap3A_335 = arith.constant 0 : i32
      %swap3A_336 = arith.index_cast %swap3A_335 : i32 to index
      %swap3A_337 = arith.index_cast %add3A_334 : i32 to index
      %swap3A_338 = tpu.vector_load %arg7[%swap3A_336, %swap3A_337] {strides = array<i32>} : memref<2x4096xf32, #tpu.memory_space<vmem>>, vector<16xf32>,
      tpu.vector_store %arg7[%swap3A_336, %swap3A_337], %gather3A_317 {strides = array<i32>} : memref<2x4096xf32, #tpu.memory_space<vmem>>, vector<16xf32>,
      %mul3A_339 = arith.constant 128 : i32
      %mul3A_340 = arith.muli %scan3A_280, %mul3A_339 : i32
      %add3A_341 = arith.constant 32 : i32
      %add3A_342 = arith.addi %mul3A_340, %add3A_341 : i32
      %swap3A_343 = arith.constant 0 : i32
      %swap3A_344 = arith.index_cast %swap3A_343 : i32 to index
      %swap3A_345 = arith.index_cast %add3A_342 : i32 to index
      %swap3A_346 = tpu.vector_load %arg7[%swap3A_344, %swap3A_345] {strides = array<i32>} : memref<2x4096xf32, #tpu.memory_space<vmem>>, vector<16xf32>,
      tpu.vector_store %arg7[%swap3A_344, %swap3A_345], %gather3A_318 {strides = array<i32>} : memref<2x4096xf32, #tpu.memory_space<vmem>>, vector<16xf32>,
      %mul3A_347 = arith.constant 128 : i32
      %mul3A_348 = arith.muli %scan3A_280, %mul3A_347 : i32
      %add3A_349 = arith.constant 48 : i32
      %add3A_350 = arith.addi %mul3A_348, %add3A_349 : i32
      %swap3A_351 = arith.constant 0 : i32
      %swap3A_352 = arith.index_cast %swap3A_351 : i32 to index
      %swap3A_353 = arith.index_cast %add3A_350 : i32 to index
      %swap3A_354 = tpu.vector_load %arg7[%swap3A_352, %swap3A_353] {strides = array<i32>} : memref<2x4096xf32, #tpu.memory_space<vmem>>, vector<16xf32>,
      tpu.vector_store %arg7[%swap3A_352, %swap3A_353], %gather3A_319 {strides = array<i32>} : memref<2x4096xf32, #tpu.memory_space<vmem>>, vector<16xf32>,
      %mul3A_355 = arith.constant 128 : i32
      %mul3A_356 = arith.muli %scan3A_280, %mul3A_355 : i32
      %add3A_357 = arith.constant 64 : i32
      %add3A_358 = arith.addi %mul3A_356, %add3A_357 : i32
      %swap3A_359 = arith.constant 0 : i32
      %swap3A_360 = arith.index_cast %swap3A_359 : i32 to index
      %swap3A_361 = arith.index_cast %add3A_358 : i32 to index
      %swap3A_362 = tpu.vector_load %arg7[%swap3A_360, %swap3A_361] {strides = array<i32>} : memref<2x4096xf32, #tpu.memory_space<vmem>>, vector<16xf32>,
      tpu.vector_store %arg7[%swap3A_360, %swap3A_361], %gather3A_320 {strides = array<i32>} : memref<2x4096xf32, #tpu.memory_space<vmem>>, vector<16xf32>,
      %mul3A_363 = arith.constant 128 : i32
      %mul3A_364 = arith.muli %scan3A_280, %mul3A_363 : i32
      %add3A_365 = arith.constant 80 : i32
      %add3A_366 = arith.addi %mul3A_364, %add3A_365 : i32
      %swap3A_367 = arith.constant 0 : i32
      %swap3A_368 = arith.index_cast %swap3A_367 : i32 to index
      %swap3A_369 = arith.index_cast %add3A_366 : i32 to index
      %swap3A_370 = tpu.vector_load %arg7[%swap3A_368, %swap3A_369] {strides = array<i32>} : memref<2x4096xf32, #tpu.memory_space<vmem>>, vector<16xf32>,
      tpu.vector_store %arg7[%swap3A_368, %swap3A_369], %gather3A_321 {strides = array<i32>} : memref<2x4096xf32, #tpu.memory_space<vmem>>, vector<16xf32>,
      %mul3A_371 = arith.constant 128 : i32
      %mul3A_372 = arith.muli %scan3A_280, %mul3A_371 : i32
      %add3A_373 = arith.constant 96 : i32
      %add3A_374 = arith.addi %mul3A_372, %add3A_373 : i32
      %swap3A_375 = arith.constant 0 : i32
      %swap3A_376 = arith.index_cast %swap3A_375 : i32 to index
      %swap3A_377 = arith.index_cast %add3A_374 : i32 to index
      %swap3A_378 = tpu.vector_load %arg7[%swap3A_376, %swap3A_377] {strides = array<i32>} : memref<2x4096xf32, #tpu.memory_space<vmem>>, vector<16xf32>,
      tpu.vector_store %arg7[%swap3A_376, %swap3A_377], %gather3A_322 {strides = array<i32>} : memref<2x4096xf32, #tpu.memory_space<vmem>>, vector<16xf32>,
      %mul3A_379 = arith.constant 128 : i32
      %mul3A_380 = arith.muli %scan3A_280, %mul3A_379 : i32
      %add3A_381 = arith.constant 112 : i32
      %add3A_382 = arith.addi %mul3A_380, %add3A_381 : i32
      %swap3A_383 = arith.constant 0 : i32
      %swap3A_384 = arith.index_cast %swap3A_383 : i32 to index
      %swap3A_385 = arith.index_cast %add3A_382 : i32 to index
      %swap3A_386 = tpu.vector_load %arg7[%swap3A_384, %swap3A_385] {strides = array<i32>} : memref<2x4096xf32, #tpu.memory_space<vmem>>, vector<16xf32>,
      tpu.vector_store %arg7[%swap3A_384, %swap3A_385], %gather3A_323 {strides = array<i32>} : memref<2x4096xf32, #tpu.memory_space<vmem>>, vector<16xf32>,
      %scan3A_387 = arith.constant 0 : i32
      %scan3A_388 = arith.constant 1 : i32
      %scan3A_389 = arith.addi %scan3A_280, %scan3A_388 : i32
      %mul3A_390 = arith.constant 128 : i32
      %mul3A_391 = arith.muli %scan3A_389, %mul3A_390 : i32
      %add3A_392 = arith.constant 8192 : i32
      %add3A_393 = arith.addi %add3A_392, %mul3A_391 : i32
      %add3A_394 = arith.constant 0 : i32
      %add3A_395 = arith.addi %add3A_393, %add3A_394 : i32
      %get3A_396 = arith.index_cast %add3A_395 : i32 to index
      %get3A_397 = tpu.vector_load %arg6[%get3A_396] {strides = array<i32>} : memref<16384xi32, #tpu.memory_space<vmem>>, vector<16xi32>,
      %add3A_398 = arith.constant 16 : i32
      %add3A_399 = arith.addi %add3A_393, %add3A_398 : i32
      %get3A_400 = arith.index_cast %add3A_399 : i32 to index
      %get3A_401 = tpu.vector_load %arg6[%get3A_400] {strides = array<i32>} : memref<16384xi32, #tpu.memory_space<vmem>>, vector<16xi32>,
      %add3A_402 = arith.constant 32 : i32
      %add3A_403 = arith.addi %add3A_393, %add3A_402 : i32
      %get3A_404 = arith.index_cast %add3A_403 : i32 to index
      %get3A_405 = tpu.vector_load %arg6[%get3A_404] {strides = array<i32>} : memref<16384xi32, #tpu.memory_space<vmem>>, vector<16xi32>,
      %add3A_406 = arith.constant 48 : i32
      %add3A_407 = arith.addi %add3A_393, %add3A_406 : i32
      %get3A_408 = arith.index_cast %add3A_407 : i32 to index
      %get3A_409 = tpu.vector_load %arg6[%get3A_408] {strides = array<i32>} : memref<16384xi32, #tpu.memory_space<vmem>>, vector<16xi32>,
      %add3A_410 = arith.constant 64 : i32
      %add3A_411 = arith.addi %add3A_393, %add3A_410 : i32
      %get3A_412 = arith.index_cast %add3A_411 : i32 to index
      %get3A_413 = tpu.vector_load %arg6[%get3A_412] {strides = array<i32>} : memref<16384xi32, #tpu.memory_space<vmem>>, vector<16xi32>,
      %add3A_414 = arith.constant 80 : i32
      %add3A_415 = arith.addi %add3A_393, %add3A_414 : i32
      %get3A_416 = arith.index_cast %add3A_415 : i32 to index
      %get3A_417 = tpu.vector_load %arg6[%get3A_416] {strides = array<i32>} : memref<16384xi32, #tpu.memory_space<vmem>>, vector<16xi32>,
      %add3A_418 = arith.constant 96 : i32
      %add3A_419 = arith.addi %add3A_393, %add3A_418 : i32
      %get3A_420 = arith.index_cast %add3A_419 : i32 to index
      %get3A_421 = tpu.vector_load %arg6[%get3A_420] {strides = array<i32>} : memref<16384xi32, #tpu.memory_space<vmem>>, vector<16xi32>,
      %add3A_422 = arith.constant 112 : i32
      %add3A_423 = arith.addi %add3A_393, %add3A_422 : i32
      %get3A_424 = arith.index_cast %add3A_423 : i32 to index
      %get3A_425 = tpu.vector_load %arg6[%get3A_424] {strides = array<i32>} : memref<16384xi32, #tpu.memory_space<vmem>>, vector<16xi32>,
      %gather3A_426 = tpu.vector_load_idx %arg5[%get3A_397] : memref<100000xf32, #tpu.memory_space<vmem>>[vector<16xi32>], vector<16xf32>,
      %gather3A_427 = tpu.vector_load_idx %arg5[%get3A_401] : memref<100000xf32, #tpu.memory_space<vmem>>[vector<16xi32>], vector<16xf32>,
      %gather3A_428 = tpu.vector_load_idx %arg5[%get3A_405] : memref<100000xf32, #tpu.memory_space<vmem>>[vector<16xi32>], vector<16xf32>,
      %gather3A_429 = tpu.vector_load_idx %arg5[%get3A_409] : memref<100000xf32, #tpu.memory_space<vmem>>[vector<16xi32>], vector<16xf32>,
      %gather3A_430 = tpu.vector_load_idx %arg5[%get3A_413] : memref<100000xf32, #tpu.memory_space<vmem>>[vector<16xi32>], vector<16xf32>,
      %gather3A_431 = tpu.vector_load_idx %arg5[%get3A_417] : memref<100000xf32, #tpu.memory_space<vmem>>[vector<16xi32>], vector<16xf32>,
      %gather3A_432 = tpu.vector_load_idx %arg5[%get3A_421] : memref<100000xf32, #tpu.memory_space<vmem>>[vector<16xi32>], vector<16xf32>,
      %gather3A_433 = tpu.vector_load_idx %arg5[%get3A_425] : memref<100000xf32, #tpu.memory_space<vmem>>[vector<16xi32>], vector<16xf32>,
      %mul3A_434 = arith.constant 128 : i32
      %mul3A_435 = arith.muli %scan3A_389, %mul3A_434 : i32
      %add3A_436 = arith.constant 0 : i32
      %add3A_437 = arith.addi %mul3A_435, %add3A_436 : i32
      %swap3A_438 = arith.constant 0 : i32
      %swap3A_439 = arith.index_cast %swap3A_438 : i32 to index
      %swap3A_440 = arith.index_cast %add3A_437 : i32 to index
      %swap3A_441 = tpu.vector_load %arg7[%swap3A_439, %swap3A_440] {strides = array<i32>} : memref<2x4096xf32, #tpu.memory_space<vmem>>, vector<16xf32>,
      tpu.vector_store %arg7[%swap3A_439, %swap3A_440], %gather3A_426 {strides = array<i32>} : memref<2x4096xf32, #tpu.memory_space<vmem>>, vector<16xf32>,
      %mul3A_442 = arith.constant 128 : i32
      %mul3A_443 = arith.muli %scan3A_389, %mul3A_442 : i32
      %add3A_444 = arith.constant 16 : i32
      %add3A_445 = arith.addi %mul3A_443, %add3A_444 : i32
      %swap3A_446 = arith.constant 0 : i32
      %swap3A_447 = arith.index_cast %swap3A_446 : i32 to index
      %swap3A_448 = arith.index_cast %add3A_445 : i32 to index
      %swap3A_449 = tpu.vector_load %arg7[%swap3A_447, %swap3A_448] {strides = array<i32>} : memref<2x4096xf32, #tpu.memory_space<vmem>>, vector<16xf32>,
      tpu.vector_store %arg7[%swap3A_447, %swap3A_448], %gather3A_427 {strides = array<i32>} : memref<2x4096xf32, #tpu.memory_space<vmem>>, vector<16xf32>,
      %mul3A_450 = arith.constant 128 : i32
      %mul3A_451 = arith.muli %scan3A_389, %mul3A_450 : i32
      %add3A_452 = arith.constant 32 : i32
      %add3A_453 = arith.addi %mul3A_451, %add3A_452 : i32
      %swap3A_454 = arith.constant 0 : i32
      %swap3A_455 = arith.index_cast %swap3A_454 : i32 to index
      %swap3A_456 = arith.index_cast %add3A_453 : i32 to index
      %swap3A_457 = tpu.vector_load %arg7[%swap3A_455, %swap3A_456] {strides = array<i32>} : memref<2x4096xf32, #tpu.memory_space<vmem>>, vector<16xf32>,
      tpu.vector_store %arg7[%swap3A_455, %swap3A_456], %gather3A_428 {strides = array<i32>} : memref<2x4096xf32, #tpu.memory_space<vmem>>, vector<16xf32>,
      %mul3A_458 = arith.constant 128 : i32
      %mul3A_459 = arith.muli %scan3A_389, %mul3A_458 : i32
      %add3A_460 = arith.constant 48 : i32
      %add3A_461 = arith.addi %mul3A_459, %add3A_460 : i32
      %swap3A_462 = arith.constant 0 : i32
      %swap3A_463 = arith.index_cast %swap3A_462 : i32 to index
      %swap3A_464 = arith.index_cast %add3A_461 : i32 to index
      %swap3A_465 = tpu.vector_load %arg7[%swap3A_463, %swap3A_464] {strides = array<i32>} : memref<2x4096xf32, #tpu.memory_space<vmem>>, vector<16xf32>,
      tpu.vector_store %arg7[%swap3A_463, %swap3A_464], %gather3A_429 {strides = array<i32>} : memref<2x4096xf32, #tpu.memory_space<vmem>>, vector<16xf32>,
      %mul3A_466 = arith.constant 128 : i32
      %mul3A_467 = arith.muli %scan3A_389, %mul3A_466 : i32
      %add3A_468 = arith.constant 64 : i32
      %add3A_469 = arith.addi %mul3A_467, %add3A_468 : i32
      %swap3A_470 = arith.constant 0 : i32
      %swap3A_471 = arith.index_cast %swap3A_470 : i32 to index
      %swap3A_472 = arith.index_cast %add3A_469 : i32 to index
      %swap3A_473 = tpu.vector_load %arg7[%swap3A_471, %swap3A_472] {strides = array<i32>} : memref<2x4096xf32, #tpu.memory_space<vmem>>, vector<16xf32>,
      tpu.vector_store %arg7[%swap3A_471, %swap3A_472], %gather3A_430 {strides = array<i32>} : memref<2x4096xf32, #tpu.memory_space<vmem>>, vector<16xf32>,
      %mul3A_474 = arith.constant 128 : i32
      %mul3A_475 = arith.muli %scan3A_389, %mul3A_474 : i32
      %add3A_476 = arith.constant 80 : i32
      %add3A_477 = arith.addi %mul3A_475, %add3A_476 : i32
      %swap3A_478 = arith.constant 0 : i32
      %swap3A_479 = arith.index_cast %swap3A_478 : i32 to index
      %swap3A_480 = arith.index_cast %add3A_477 : i32 to index
      %swap3A_481 = tpu.vector_load %arg7[%swap3A_479, %swap3A_480] {strides = array<i32>} : memref<2x4096xf32, #tpu.memory_space<vmem>>, vector<16xf32>,
      tpu.vector_store %arg7[%swap3A_479, %swap3A_480], %gather3A_431 {strides = array<i32>} : memref<2x4096xf32, #tpu.memory_space<vmem>>, vector<16xf32>,
      %mul3A_482 = arith.constant 128 : i32
      %mul3A_483 = arith.muli %scan3A_389, %mul3A_482 : i32
      %add3A_484 = arith.constant 96 : i32
      %add3A_485 = arith.addi %mul3A_483, %add3A_484 : i32
      %swap3A_486 = arith.constant 0 : i32
      %swap3A_487 = arith.index_cast %swap3A_486 : i32 to index
      %swap3A_488 = arith.index_cast %add3A_485 : i32 to index
      %swap3A_489 = tpu.vector_load %arg7[%swap3A_487, %swap3A_488] {strides = array<i32>} : memref<2x4096xf32, #tpu.memory_space<vmem>>, vector<16xf32>,
      tpu.vector_store %arg7[%swap3A_487, %swap3A_488], %gather3A_432 {strides = array<i32>} : memref<2x4096xf32, #tpu.memory_space<vmem>>, vector<16xf32>,
      %mul3A_490 = arith.constant 128 : i32
      %mul3A_491 = arith.muli %scan3A_389, %mul3A_490 : i32
      %add3A_492 = arith.constant 112 : i32
      %add3A_493 = arith.addi %mul3A_491, %add3A_492 : i32
      %swap3A_494 = arith.constant 0 : i32
      %swap3A_495 = arith.index_cast %swap3A_494 : i32 to index
      %swap3A_496 = arith.index_cast %add3A_493 : i32 to index
      %swap3A_497 = tpu.vector_load %arg7[%swap3A_495, %swap3A_496] {strides = array<i32>} : memref<2x4096xf32, #tpu.memory_space<vmem>>, vector<16xf32>,
      tpu.vector_store %arg7[%swap3A_495, %swap3A_496], %gather3A_433 {strides = array<i32>} : memref<2x4096xf32, #tpu.memory_space<vmem>>, vector<16xf32>,
      %scan3A_498 = arith.constant 0 : i32
      scf.yield %scan3A_498 : i32
    }
    %scan3A_207 = arith.constant 32 : i32
    %dma_start3A_208 = arith.constant 0 : i32
    %dma_start3A_209 = arith.constant 0 : i32
    %dma_start3A_210 = tpu.memref_slice %arg7[%dma_start3A_208, %dma_start3A_209] : memref<2x4096xf32, #tpu.memory_space<vmem>> -> memref<1x4096xf32, #tpu.memory_space<vmem>>
    %dma_start3A_211 = tpu.memref_squeeze %dma_start3A_210 : memref<1x4096xf32, #tpu.memory_space<vmem>> -> memref<4096xf32, #tpu.memory_space<vmem>>
    %dma_start3A_212 = arith.constant 8192 : i32
    %dma_start3A_213 = tpu.memref_slice %arg4[%add3A_121, %dma_start3A_212] : memref<64x16384xf32, #tpu.memory_space<hbm>> -> memref<1x4096xf32, #tpu.memory_space<hbm>>
    %dma_start3A_214 = tpu.memref_squeeze %dma_start3A_213 : memref<1x4096xf32, #tpu.memory_space<hbm>> -> memref<4096xf32, #tpu.memory_space<hbm>>
    %dma_start3A_215 = arith.constant 8192 : i32
    %dma_start3A_216 = tpu.memref_slice %arg4[%add3A_121, %dma_start3A_215] : memref<64x16384xf32, #tpu.memory_space<hbm>> -> memref<1x4096xf32, #tpu.memory_space<hbm>>
    %dma_start3A_217 = tpu.memref_squeeze %dma_start3A_216 : memref<1x4096xf32, #tpu.memory_space<hbm>> -> memref<4096xf32, #tpu.memory_space<hbm>>
    %dma_start3A_218 = arith.constant 0 : i32
    %dma_start3A_219 = tpu.memref_slice %arg7[%dma_start3A_208, %dma_start3A_218] : memref<2x4096xf32, #tpu.memory_space<vmem>> -> memref<1x4096xf32, #tpu.memory_space<vmem>>
    %dma_start3A_220 = tpu.memref_squeeze %dma_start3A_219 : memref<1x4096xf32, #tpu.memory_space<vmem>> -> memref<4096xf32, #tpu.memory_space<vmem>>
    tpu.enqueue_dma source(%dma_start3A_220 : memref<4096xf32, #tpu.memory_space<vmem>>) target(%dma_start3A_217 : memref<4096xf32, #tpu.memory_space<hbm>>) target_semaphore(%arg8 : memref<!tpu.dma_semaphore, #tpu.memory_space<semaphore_mem>>)
    %dma_wait3A_221 = arith.constant 1 : i32
    %dma_wait3A_222 = arith.constant 0 : i32
    %dma_wait3A_223 = tpu.memref_slice %arg7[%dma_wait3A_221, %dma_wait3A_222] : memref<2x4096xf32, #tpu.memory_space<vmem>> -> memref<1x4096xf32, #tpu.memory_space<vmem>>
    %dma_wait3A_224 = tpu.memref_squeeze %dma_wait3A_223 : memref<1x4096xf32, #tpu.memory_space<vmem>> -> memref<4096xf32, #tpu.memory_space<vmem>>
    %dma_wait3A_225 = arith.constant 4096 : i32
    %dma_wait3A_226 = tpu.memref_slice %arg4[%add3A_121, %dma_wait3A_225] : memref<64x16384xf32, #tpu.memory_space<hbm>> -> memref<1x4096xf32, #tpu.memory_space<hbm>>
    %dma_wait3A_227 = tpu.memref_squeeze %dma_wait3A_226 : memref<1x4096xf32, #tpu.memory_space<hbm>> -> memref<4096xf32, #tpu.memory_space<hbm>>
    %dma_wait3A_228 = arith.constant 4096 : i32
    %dma_wait3A_229 = tpu.memref_slice %arg4[%add3A_121, %dma_wait3A_228] : memref<64x16384xf32, #tpu.memory_space<hbm>> -> memref<1x4096xf32, #tpu.memory_space<hbm>>
    %dma_wait3A_230 = tpu.memref_squeeze %dma_wait3A_229 : memref<1x4096xf32, #tpu.memory_space<hbm>> -> memref<4096xf32, #tpu.memory_space<hbm>>
    %dma_wait3A_231 = arith.constant 0 : i32
    %dma_wait3A_232 = tpu.memref_slice %arg7[%dma_wait3A_221, %dma_wait3A_231] : memref<2x4096xf32, #tpu.memory_space<vmem>> -> memref<1x4096xf32, #tpu.memory_space<vmem>>
    %dma_wait3A_233 = tpu.memref_squeeze %dma_wait3A_232 : memref<1x4096xf32, #tpu.memory_space<vmem>> -> memref<4096xf32, #tpu.memory_space<vmem>>
    tpu.wait_dma2 semaphore(%arg8 : memref<!tpu.dma_semaphore, #tpu.memory_space<semaphore_mem>>) src(%dma_wait3A_233 : memref<4096xf32, #tpu.memory_space<vmem>>) dst(%dma_wait3A_230 : memref<4096xf32, #tpu.memory_space<hbm>>)
    %scan3A_234 = arith.constant 0 : i32
    %scan3A_235 = arith.constant 0 : i32
    %scan3A_236 = arith.constant 32 : i32
    %scan3A_237 = arith.addi %scan3A_235, %scan3A_236 : i32
    %scan3A_238 = arith.constant 2 : i32
    %scan3A_239 = scf.for %scan3A_280 = %scan3A_235 to %scan3A_237 step %scan3A_238 iter_args(%scan3A_281 = %scan3A_234) -> (i32)  : i32 {
      %mul3A_282 = arith.constant 128 : i32
      %mul3A_283 = arith.muli %scan3A_280, %mul3A_282 : i32
      %add3A_284 = arith.constant 12288 : i32
      %add3A_285 = arith.addi %add3A_284, %mul3A_283 : i32
      %add3A_286 = arith.constant 0 : i32
      %add3A_287 = arith.addi %add3A_285, %add3A_286 : i32
      %get3A = arith.index_cast %add3A_287 : i32 to index
      %get3A_288 = tpu.vector_load %arg6[%get3A] {strides = array<i32>} : memref<16384xi32, #tpu.memory_space<vmem>>, vector<16xi32>,
      %add3A_289 = arith.constant 16 : i32
      %add3A_290 = arith.addi %add3A_285, %add3A_289 : i32
      %get3A_291 = arith.index_cast %add3A_290 : i32 to index
      %get3A_292 = tpu.vector_load %arg6[%get3A_291] {strides = array<i32>} : memref<16384xi32, #tpu.memory_space<vmem>>, vector<16xi32>,
      %add3A_293 = arith.constant 32 : i32
      %add3A_294 = arith.addi %add3A_285, %add3A_293 : i32
      %get3A_295 = arith.index_cast %add3A_294 : i32 to index
      %get3A_296 = tpu.vector_load %arg6[%get3A_295] {strides = array<i32>} : memref<16384xi32, #tpu.memory_space<vmem>>, vector<16xi32>,
      %add3A_297 = arith.constant 48 : i32
      %add3A_298 = arith.addi %add3A_285, %add3A_297 : i32
      %get3A_299 = arith.index_cast %add3A_298 : i32 to index
      %get3A_300 = tpu.vector_load %arg6[%get3A_299] {strides = array<i32>} : memref<16384xi32, #tpu.memory_space<vmem>>, vector<16xi32>,
      %add3A_301 = arith.constant 64 : i32
      %add3A_302 = arith.addi %add3A_285, %add3A_301 : i32
      %get3A_303 = arith.index_cast %add3A_302 : i32 to index
      %get3A_304 = tpu.vector_load %arg6[%get3A_303] {strides = array<i32>} : memref<16384xi32, #tpu.memory_space<vmem>>, vector<16xi32>,
      %add3A_305 = arith.constant 80 : i32
      %add3A_306 = arith.addi %add3A_285, %add3A_305 : i32
      %get3A_307 = arith.index_cast %add3A_306 : i32 to index
      %get3A_308 = tpu.vector_load %arg6[%get3A_307] {strides = array<i32>} : memref<16384xi32, #tpu.memory_space<vmem>>, vector<16xi32>,
      %add3A_309 = arith.constant 96 : i32
      %add3A_310 = arith.addi %add3A_285, %add3A_309 : i32
      %get3A_311 = arith.index_cast %add3A_310 : i32 to index
      %get3A_312 = tpu.vector_load %arg6[%get3A_311] {strides = array<i32>} : memref<16384xi32, #tpu.memory_space<vmem>>, vector<16xi32>,
      %add3A_313 = arith.constant 112 : i32
      %add3A_314 = arith.addi %add3A_285, %add3A_313 : i32
      %get3A_315 = arith.index_cast %add3A_314 : i32 to index
      %get3A_316 = tpu.vector_load %arg6[%get3A_315] {strides = array<i32>} : memref<16384xi32, #tpu.memory_space<vmem>>, vector<16xi32>,
      %gather3A = tpu.vector_load_idx %arg5[%get3A_288] : memref<100000xf32, #tpu.memory_space<vmem>>[vector<16xi32>], vector<16xf32>,
      %gather3A_317 = tpu.vector_load_idx %arg5[%get3A_292] : memref<100000xf32, #tpu.memory_space<vmem>>[vector<16xi32>], vector<16xf32>,
      %gather3A_318 = tpu.vector_load_idx %arg5[%get3A_296] : memref<100000xf32, #tpu.memory_space<vmem>>[vector<16xi32>], vector<16xf32>,
      %gather3A_319 = tpu.vector_load_idx %arg5[%get3A_300] : memref<100000xf32, #tpu.memory_space<vmem>>[vector<16xi32>], vector<16xf32>,
      %gather3A_320 = tpu.vector_load_idx %arg5[%get3A_304] : memref<100000xf32, #tpu.memory_space<vmem>>[vector<16xi32>], vector<16xf32>,
      %gather3A_321 = tpu.vector_load_idx %arg5[%get3A_308] : memref<100000xf32, #tpu.memory_space<vmem>>[vector<16xi32>], vector<16xf32>,
      %gather3A_322 = tpu.vector_load_idx %arg5[%get3A_312] : memref<100000xf32, #tpu.memory_space<vmem>>[vector<16xi32>], vector<16xf32>,
      %gather3A_323 = tpu.vector_load_idx %arg5[%get3A_316] : memref<100000xf32, #tpu.memory_space<vmem>>[vector<16xi32>], vector<16xf32>,
      %mul3A_324 = arith.constant 128 : i32
      %mul3A_325 = arith.muli %scan3A_280, %mul3A_324 : i32
      %add3A_326 = arith.constant 0 : i32
      %add3A_327 = arith.addi %mul3A_325, %add3A_326 : i32
      %swap3A = arith.constant 1 : i32
      %swap3A_328 = arith.index_cast %swap3A : i32 to index
      %swap3A_329 = arith.index_cast %add3A_327 : i32 to index
      %swap3A_330 = tpu.vector_load %arg7[%swap3A_328, %swap3A_329] {strides = array<i32>} : memref<2x4096xf32, #tpu.memory_space<vmem>>, vector<16xf32>,
      tpu.vector_store %arg7[%swap3A_328, %swap3A_329], %gather3A {strides = array<i32>} : memref<2x4096xf32, #tpu.memory_space<vmem>>, vector<16xf32>,
      %mul3A_331 = arith.constant 128 : i32
      %mul3A_332 = arith.muli %scan3A_280, %mul3A_331 : i32
      %add3A_333 = arith.constant 16 : i32
      %add3A_334 = arith.addi %mul3A_332, %add3A_333 : i32
      %swap3A_335 = arith.constant 1 : i32
      %swap3A_336 = arith.index_cast %swap3A_335 : i32 to index
      %swap3A_337 = arith.index_cast %add3A_334 : i32 to index
      %swap3A_338 = tpu.vector_load %arg7[%swap3A_336, %swap3A_337] {strides = array<i32>} : memref<2x4096xf32, #tpu.memory_space<vmem>>, vector<16xf32>,
      tpu.vector_store %arg7[%swap3A_336, %swap3A_337], %gather3A_317 {strides = array<i32>} : memref<2x4096xf32, #tpu.memory_space<vmem>>, vector<16xf32>,
      %mul3A_339 = arith.constant 128 : i32
      %mul3A_340 = arith.muli %scan3A_280, %mul3A_339 : i32
      %add3A_341 = arith.constant 32 : i32
      %add3A_342 = arith.addi %mul3A_340, %add3A_341 : i32
      %swap3A_343 = arith.constant 1 : i32
      %swap3A_344 = arith.index_cast %swap3A_343 : i32 to index
      %swap3A_345 = arith.index_cast %add3A_342 : i32 to index
      %swap3A_346 = tpu.vector_load %arg7[%swap3A_344, %swap3A_345] {strides = array<i32>} : memref<2x4096xf32, #tpu.memory_space<vmem>>, vector<16xf32>,
      tpu.vector_store %arg7[%swap3A_344, %swap3A_345], %gather3A_318 {strides = array<i32>} : memref<2x4096xf32, #tpu.memory_space<vmem>>, vector<16xf32>,
      %mul3A_347 = arith.constant 128 : i32
      %mul3A_348 = arith.muli %scan3A_280, %mul3A_347 : i32
      %add3A_349 = arith.constant 48 : i32
      %add3A_350 = arith.addi %mul3A_348, %add3A_349 : i32
      %swap3A_351 = arith.constant 1 : i32
      %swap3A_352 = arith.index_cast %swap3A_351 : i32 to index
      %swap3A_353 = arith.index_cast %add3A_350 : i32 to index
      %swap3A_354 = tpu.vector_load %arg7[%swap3A_352, %swap3A_353] {strides = array<i32>} : memref<2x4096xf32, #tpu.memory_space<vmem>>, vector<16xf32>,
      tpu.vector_store %arg7[%swap3A_352, %swap3A_353], %gather3A_319 {strides = array<i32>} : memref<2x4096xf32, #tpu.memory_space<vmem>>, vector<16xf32>,
      %mul3A_355 = arith.constant 128 : i32
      %mul3A_356 = arith.muli %scan3A_280, %mul3A_355 : i32
      %add3A_357 = arith.constant 64 : i32
      %add3A_358 = arith.addi %mul3A_356, %add3A_357 : i32
      %swap3A_359 = arith.constant 1 : i32
      %swap3A_360 = arith.index_cast %swap3A_359 : i32 to index
      %swap3A_361 = arith.index_cast %add3A_358 : i32 to index
      %swap3A_362 = tpu.vector_load %arg7[%swap3A_360, %swap3A_361] {strides = array<i32>} : memref<2x4096xf32, #tpu.memory_space<vmem>>, vector<16xf32>,
      tpu.vector_store %arg7[%swap3A_360, %swap3A_361], %gather3A_320 {strides = array<i32>} : memref<2x4096xf32, #tpu.memory_space<vmem>>, vector<16xf32>,
      %mul3A_363 = arith.constant 128 : i32
      %mul3A_364 = arith.muli %scan3A_280, %mul3A_363 : i32
      %add3A_365 = arith.constant 80 : i32
      %add3A_366 = arith.addi %mul3A_364, %add3A_365 : i32
      %swap3A_367 = arith.constant 1 : i32
      %swap3A_368 = arith.index_cast %swap3A_367 : i32 to index
      %swap3A_369 = arith.index_cast %add3A_366 : i32 to index
      %swap3A_370 = tpu.vector_load %arg7[%swap3A_368, %swap3A_369] {strides = array<i32>} : memref<2x4096xf32, #tpu.memory_space<vmem>>, vector<16xf32>,
      tpu.vector_store %arg7[%swap3A_368, %swap3A_369], %gather3A_321 {strides = array<i32>} : memref<2x4096xf32, #tpu.memory_space<vmem>>, vector<16xf32>,
      %mul3A_371 = arith.constant 128 : i32
      %mul3A_372 = arith.muli %scan3A_280, %mul3A_371 : i32
      %add3A_373 = arith.constant 96 : i32
      %add3A_374 = arith.addi %mul3A_372, %add3A_373 : i32
      %swap3A_375 = arith.constant 1 : i32
      %swap3A_376 = arith.index_cast %swap3A_375 : i32 to index
      %swap3A_377 = arith.index_cast %add3A_374 : i32 to index
      %swap3A_378 = tpu.vector_load %arg7[%swap3A_376, %swap3A_377] {strides = array<i32>} : memref<2x4096xf32, #tpu.memory_space<vmem>>, vector<16xf32>,
      tpu.vector_store %arg7[%swap3A_376, %swap3A_377], %gather3A_322 {strides = array<i32>} : memref<2x4096xf32, #tpu.memory_space<vmem>>, vector<16xf32>,
      %mul3A_379 = arith.constant 128 : i32
      %mul3A_380 = arith.muli %scan3A_280, %mul3A_379 : i32
      %add3A_381 = arith.constant 112 : i32
      %add3A_382 = arith.addi %mul3A_380, %add3A_381 : i32
      %swap3A_383 = arith.constant 1 : i32
      %swap3A_384 = arith.index_cast %swap3A_383 : i32 to index
      %swap3A_385 = arith.index_cast %add3A_382 : i32 to index
      %swap3A_386 = tpu.vector_load %arg7[%swap3A_384, %swap3A_385] {strides = array<i32>} : memref<2x4096xf32, #tpu.memory_space<vmem>>, vector<16xf32>,
      tpu.vector_store %arg7[%swap3A_384, %swap3A_385], %gather3A_323 {strides = array<i32>} : memref<2x4096xf32, #tpu.memory_space<vmem>>, vector<16xf32>,
      %scan3A_387 = arith.constant 0 : i32
      %scan3A_388 = arith.constant 1 : i32
      %scan3A_389 = arith.addi %scan3A_280, %scan3A_388 : i32
      %mul3A_390 = arith.constant 128 : i32
      %mul3A_391 = arith.muli %scan3A_389, %mul3A_390 : i32
      %add3A_392 = arith.constant 12288 : i32
      %add3A_393 = arith.addi %add3A_392, %mul3A_391 : i32
      %add3A_394 = arith.constant 0 : i32
      %add3A_395 = arith.addi %add3A_393, %add3A_394 : i32
      %get3A_396 = arith.index_cast %add3A_395 : i32 to index
      %get3A_397 = tpu.vector_load %arg6[%get3A_396] {strides = array<i32>} : memref<16384xi32, #tpu.memory_space<vmem>>, vector<16xi32>,
      %add3A_398 = arith.constant 16 : i32
      %add3A_399 = arith.addi %add3A_393, %add3A_398 : i32
      %get3A_400 = arith.index_cast %add3A_399 : i32 to index
      %get3A_401 = tpu.vector_load %arg6[%get3A_400] {strides = array<i32>} : memref<16384xi32, #tpu.memory_space<vmem>>, vector<16xi32>,
      %add3A_402 = arith.constant 32 : i32
      %add3A_403 = arith.addi %add3A_393, %add3A_402 : i32
      %get3A_404 = arith.index_cast %add3A_403 : i32 to index
      %get3A_405 = tpu.vector_load %arg6[%get3A_404] {strides = array<i32>} : memref<16384xi32, #tpu.memory_space<vmem>>, vector<16xi32>,
      %add3A_406 = arith.constant 48 : i32
      %add3A_407 = arith.addi %add3A_393, %add3A_406 : i32
      %get3A_408 = arith.index_cast %add3A_407 : i32 to index
      %get3A_409 = tpu.vector_load %arg6[%get3A_408] {strides = array<i32>} : memref<16384xi32, #tpu.memory_space<vmem>>, vector<16xi32>,
      %add3A_410 = arith.constant 64 : i32
      %add3A_411 = arith.addi %add3A_393, %add3A_410 : i32
      %get3A_412 = arith.index_cast %add3A_411 : i32 to index
      %get3A_413 = tpu.vector_load %arg6[%get3A_412] {strides = array<i32>} : memref<16384xi32, #tpu.memory_space<vmem>>, vector<16xi32>,
      %add3A_414 = arith.constant 80 : i32
      %add3A_415 = arith.addi %add3A_393, %add3A_414 : i32
      %get3A_416 = arith.index_cast %add3A_415 : i32 to index
      %get3A_417 = tpu.vector_load %arg6[%get3A_416] {strides = array<i32>} : memref<16384xi32, #tpu.memory_space<vmem>>, vector<16xi32>,
      %add3A_418 = arith.constant 96 : i32
      %add3A_419 = arith.addi %add3A_393, %add3A_418 : i32
      %get3A_420 = arith.index_cast %add3A_419 : i32 to index
      %get3A_421 = tpu.vector_load %arg6[%get3A_420] {strides = array<i32>} : memref<16384xi32, #tpu.memory_space<vmem>>, vector<16xi32>,
      %add3A_422 = arith.constant 112 : i32
      %add3A_423 = arith.addi %add3A_393, %add3A_422 : i32
      %get3A_424 = arith.index_cast %add3A_423 : i32 to index
      %get3A_425 = tpu.vector_load %arg6[%get3A_424] {strides = array<i32>} : memref<16384xi32, #tpu.memory_space<vmem>>, vector<16xi32>,
      %gather3A_426 = tpu.vector_load_idx %arg5[%get3A_397] : memref<100000xf32, #tpu.memory_space<vmem>>[vector<16xi32>], vector<16xf32>,
      %gather3A_427 = tpu.vector_load_idx %arg5[%get3A_401] : memref<100000xf32, #tpu.memory_space<vmem>>[vector<16xi32>], vector<16xf32>,
      %gather3A_428 = tpu.vector_load_idx %arg5[%get3A_405] : memref<100000xf32, #tpu.memory_space<vmem>>[vector<16xi32>], vector<16xf32>,
      %gather3A_429 = tpu.vector_load_idx %arg5[%get3A_409] : memref<100000xf32, #tpu.memory_space<vmem>>[vector<16xi32>], vector<16xf32>,
      %gather3A_430 = tpu.vector_load_idx %arg5[%get3A_413] : memref<100000xf32, #tpu.memory_space<vmem>>[vector<16xi32>], vector<16xf32>,
      %gather3A_431 = tpu.vector_load_idx %arg5[%get3A_417] : memref<100000xf32, #tpu.memory_space<vmem>>[vector<16xi32>], vector<16xf32>,
      %gather3A_432 = tpu.vector_load_idx %arg5[%get3A_421] : memref<100000xf32, #tpu.memory_space<vmem>>[vector<16xi32>], vector<16xf32>,
      %gather3A_433 = tpu.vector_load_idx %arg5[%get3A_425] : memref<100000xf32, #tpu.memory_space<vmem>>[vector<16xi32>], vector<16xf32>,
      %mul3A_434 = arith.constant 128 : i32
      %mul3A_435 = arith.muli %scan3A_389, %mul3A_434 : i32
      %add3A_436 = arith.constant 0 : i32
      %add3A_437 = arith.addi %mul3A_435, %add3A_436 : i32
      %swap3A_438 = arith.constant 1 : i32
      %swap3A_439 = arith.index_cast %swap3A_438 : i32 to index
      %swap3A_440 = arith.index_cast %add3A_437 : i32 to index
      %swap3A_441 = tpu.vector_load %arg7[%swap3A_439, %swap3A_440] {strides = array<i32>} : memref<2x4096xf32, #tpu.memory_space<vmem>>, vector<16xf32>,
      tpu.vector_store %arg7[%swap3A_439, %swap3A_440], %gather3A_426 {strides = array<i32>} : memref<2x4096xf32, #tpu.memory_space<vmem>>, vector<16xf32>,
      %mul3A_442 = arith.constant 128 : i32
      %mul3A_443 = arith.muli %scan3A_389, %mul3A_442 : i32
      %add3A_444 = arith.constant 16 : i32
      %add3A_445 = arith.addi %mul3A_443, %add3A_444 : i32
      %swap3A_446 = arith.constant 1 : i32
      %swap3A_447 = arith.index_cast %swap3A_446 : i32 to index
      %swap3A_448 = arith.index_cast %add3A_445 : i32 to index
      %swap3A_449 = tpu.vector_load %arg7[%swap3A_447, %swap3A_448] {strides = array<i32>} : memref<2x4096xf32, #tpu.memory_space<vmem>>, vector<16xf32>,
      tpu.vector_store %arg7[%swap3A_447, %swap3A_448], %gather3A_427 {strides = array<i32>} : memref<2x4096xf32, #tpu.memory_space<vmem>>, vector<16xf32>,
      %mul3A_450 = arith.constant 128 : i32
      %mul3A_451 = arith.muli %scan3A_389, %mul3A_450 : i32
      %add3A_452 = arith.constant 32 : i32
      %add3A_453 = arith.addi %mul3A_451, %add3A_452 : i32
      %swap3A_454 = arith.constant 1 : i32
      %swap3A_455 = arith.index_cast %swap3A_454 : i32 to index
      %swap3A_456 = arith.index_cast %add3A_453 : i32 to index
      %swap3A_457 = tpu.vector_load %arg7[%swap3A_455, %swap3A_456] {strides = array<i32>} : memref<2x4096xf32, #tpu.memory_space<vmem>>, vector<16xf32>,
      tpu.vector_store %arg7[%swap3A_455, %swap3A_456], %gather3A_428 {strides = array<i32>} : memref<2x4096xf32, #tpu.memory_space<vmem>>, vector<16xf32>,
      %mul3A_458 = arith.constant 128 : i32
      %mul3A_459 = arith.muli %scan3A_389, %mul3A_458 : i32
      %add3A_460 = arith.constant 48 : i32
      %add3A_461 = arith.addi %mul3A_459, %add3A_460 : i32
      %swap3A_462 = arith.constant 1 : i32
      %swap3A_463 = arith.index_cast %swap3A_462 : i32 to index
      %swap3A_464 = arith.index_cast %add3A_461 : i32 to index
      %swap3A_465 = tpu.vector_load %arg7[%swap3A_463, %swap3A_464] {strides = array<i32>} : memref<2x4096xf32, #tpu.memory_space<vmem>>, vector<16xf32>,
      tpu.vector_store %arg7[%swap3A_463, %swap3A_464], %gather3A_429 {strides = array<i32>} : memref<2x4096xf32, #tpu.memory_space<vmem>>, vector<16xf32>,
      %mul3A_466 = arith.constant 128 : i32
      %mul3A_467 = arith.muli %scan3A_389, %mul3A_466 : i32
      %add3A_468 = arith.constant 64 : i32
      %add3A_469 = arith.addi %mul3A_467, %add3A_468 : i32
      %swap3A_470 = arith.constant 1 : i32
      %swap3A_471 = arith.index_cast %swap3A_470 : i32 to index
      %swap3A_472 = arith.index_cast %add3A_469 : i32 to index
      %swap3A_473 = tpu.vector_load %arg7[%swap3A_471, %swap3A_472] {strides = array<i32>} : memref<2x4096xf32, #tpu.memory_space<vmem>>, vector<16xf32>,
      tpu.vector_store %arg7[%swap3A_471, %swap3A_472], %gather3A_430 {strides = array<i32>} : memref<2x4096xf32, #tpu.memory_space<vmem>>, vector<16xf32>,
      %mul3A_474 = arith.constant 128 : i32
      %mul3A_475 = arith.muli %scan3A_389, %mul3A_474 : i32
      %add3A_476 = arith.constant 80 : i32
      %add3A_477 = arith.addi %mul3A_475, %add3A_476 : i32
      %swap3A_478 = arith.constant 1 : i32
      %swap3A_479 = arith.index_cast %swap3A_478 : i32 to index
      %swap3A_480 = arith.index_cast %add3A_477 : i32 to index
      %swap3A_481 = tpu.vector_load %arg7[%swap3A_479, %swap3A_480] {strides = array<i32>} : memref<2x4096xf32, #tpu.memory_space<vmem>>, vector<16xf32>,
      tpu.vector_store %arg7[%swap3A_479, %swap3A_480], %gather3A_431 {strides = array<i32>} : memref<2x4096xf32, #tpu.memory_space<vmem>>, vector<16xf32>,
      %mul3A_482 = arith.constant 128 : i32
      %mul3A_483 = arith.muli %scan3A_389, %mul3A_482 : i32
      %add3A_484 = arith.constant 96 : i32
      %add3A_485 = arith.addi %mul3A_483, %add3A_484 : i32
      %swap3A_486 = arith.constant 1 : i32
      %swap3A_487 = arith.index_cast %swap3A_486 : i32 to index
      %swap3A_488 = arith.index_cast %add3A_485 : i32 to index
      %swap3A_489 = tpu.vector_load %arg7[%swap3A_487, %swap3A_488] {strides = array<i32>} : memref<2x4096xf32, #tpu.memory_space<vmem>>, vector<16xf32>,
      tpu.vector_store %arg7[%swap3A_487, %swap3A_488], %gather3A_432 {strides = array<i32>} : memref<2x4096xf32, #tpu.memory_space<vmem>>, vector<16xf32>,
      %mul3A_490 = arith.constant 128 : i32
      %mul3A_491 = arith.muli %scan3A_389, %mul3A_490 : i32
      %add3A_492 = arith.constant 112 : i32
      %add3A_493 = arith.addi %mul3A_491, %add3A_492 : i32
      %swap3A_494 = arith.constant 1 : i32
      %swap3A_495 = arith.index_cast %swap3A_494 : i32 to index
      %swap3A_496 = arith.index_cast %add3A_493 : i32 to index
      %swap3A_497 = tpu.vector_load %arg7[%swap3A_495, %swap3A_496] {strides = array<i32>} : memref<2x4096xf32, #tpu.memory_space<vmem>>, vector<16xf32>,
      tpu.vector_store %arg7[%swap3A_495, %swap3A_496], %gather3A_433 {strides = array<i32>} : memref<2x4096xf32, #tpu.memory_space<vmem>>, vector<16xf32>,
      %scan3A_498 = arith.constant 0 : i32
      scf.yield %scan3A_498 : i32
    }
    %scan3A_240 = arith.constant 32 : i32
    %dma_start3A_241 = arith.constant 1 : i32
    %dma_start3A_242 = arith.constant 0 : i32
    %dma_start3A_243 = tpu.memref_slice %arg7[%dma_start3A_241, %dma_start3A_242] : memref<2x4096xf32, #tpu.memory_space<vmem>> -> memref<1x4096xf32, #tpu.memory_space<vmem>>
    %dma_start3A_244 = tpu.memref_squeeze %dma_start3A_243 : memref<1x4096xf32, #tpu.memory_space<vmem>> -> memref<4096xf32, #tpu.memory_space<vmem>>
    %dma_start3A_245 = arith.constant 12288 : i32
    %dma_start3A_246 = tpu.memref_slice %arg4[%add3A_121, %dma_start3A_245] : memref<64x16384xf32, #tpu.memory_space<hbm>> -> memref<1x4096xf32, #tpu.memory_space<hbm>>
    %dma_start3A_247 = tpu.memref_squeeze %dma_start3A_246 : memref<1x4096xf32, #tpu.memory_space<hbm>> -> memref<4096xf32, #tpu.memory_space<hbm>>
    %dma_start3A_248 = arith.constant 12288 : i32
    %dma_start3A_249 = tpu.memref_slice %arg4[%add3A_121, %dma_start3A_248] : memref<64x16384xf32, #tpu.memory_space<hbm>> -> memref<1x4096xf32, #tpu.memory_space<hbm>>
    %dma_start3A_250 = tpu.memref_squeeze %dma_start3A_249 : memref<1x4096xf32, #tpu.memory_space<hbm>> -> memref<4096xf32, #tpu.memory_space<hbm>>
    %dma_start3A_251 = arith.constant 0 : i32
    %dma_start3A_252 = tpu.memref_slice %arg7[%dma_start3A_241, %dma_start3A_251] : memref<2x4096xf32, #tpu.memory_space<vmem>> -> memref<1x4096xf32, #tpu.memory_space<vmem>>
    %dma_start3A_253 = tpu.memref_squeeze %dma_start3A_252 : memref<1x4096xf32, #tpu.memory_space<vmem>> -> memref<4096xf32, #tpu.memory_space<vmem>>
    tpu.enqueue_dma source(%dma_start3A_253 : memref<4096xf32, #tpu.memory_space<vmem>>) target(%dma_start3A_250 : memref<4096xf32, #tpu.memory_space<hbm>>) target_semaphore(%arg8 : memref<!tpu.dma_semaphore, #tpu.memory_space<semaphore_mem>>)
    %dma_wait3A_254 = arith.constant 0 : i32
    %dma_wait3A_255 = arith.constant 0 : i32
    %dma_wait3A_256 = tpu.memref_slice %arg7[%dma_wait3A_254, %dma_wait3A_255] : memref<2x4096xf32, #tpu.memory_space<vmem>> -> memref<1x4096xf32, #tpu.memory_space<vmem>>
    %dma_wait3A_257 = tpu.memref_squeeze %dma_wait3A_256 : memref<1x4096xf32, #tpu.memory_space<vmem>> -> memref<4096xf32, #tpu.memory_space<vmem>>
    %dma_wait3A_258 = arith.constant 8192 : i32
    %dma_wait3A_259 = tpu.memref_slice %arg4[%add3A_121, %dma_wait3A_258] : memref<64x16384xf32, #tpu.memory_space<hbm>> -> memref<1x4096xf32, #tpu.memory_space<hbm>>
    %dma_wait3A_260 = tpu.memref_squeeze %dma_wait3A_259 : memref<1x4096xf32, #tpu.memory_space<hbm>> -> memref<4096xf32, #tpu.memory_space<hbm>>
    %dma_wait3A_261 = arith.constant 8192 : i32
    %dma_wait3A_262 = tpu.memref_slice %arg4[%add3A_121, %dma_wait3A_261] : memref<64x16384xf32, #tpu.memory_space<hbm>> -> memref<1x4096xf32, #tpu.memory_space<hbm>>
    %dma_wait3A_263 = tpu.memref_squeeze %dma_wait3A_262 : memref<1x4096xf32, #tpu.memory_space<hbm>> -> memref<4096xf32, #tpu.memory_space<hbm>>
    %dma_wait3A_264 = arith.constant 0 : i32
    %dma_wait3A_265 = tpu.memref_slice %arg7[%dma_wait3A_254, %dma_wait3A_264] : memref<2x4096xf32, #tpu.memory_space<vmem>> -> memref<1x4096xf32, #tpu.memory_space<vmem>>
    %dma_wait3A_266 = tpu.memref_squeeze %dma_wait3A_265 : memref<1x4096xf32, #tpu.memory_space<vmem>> -> memref<4096xf32, #tpu.memory_space<vmem>>
    tpu.wait_dma2 semaphore(%arg8 : memref<!tpu.dma_semaphore, #tpu.memory_space<semaphore_mem>>) src(%dma_wait3A_266 : memref<4096xf32, #tpu.memory_space<vmem>>) dst(%dma_wait3A_263 : memref<4096xf32, #tpu.memory_space<hbm>>)
    %dma_wait3A_267 = arith.constant 1 : i32
    %dma_wait3A_268 = arith.constant 0 : i32
    %dma_wait3A_269 = tpu.memref_slice %arg7[%dma_wait3A_267, %dma_wait3A_268] : memref<2x4096xf32, #tpu.memory_space<vmem>> -> memref<1x4096xf32, #tpu.memory_space<vmem>>
    %dma_wait3A_270 = tpu.memref_squeeze %dma_wait3A_269 : memref<1x4096xf32, #tpu.memory_space<vmem>> -> memref<4096xf32, #tpu.memory_space<vmem>>
    %dma_wait3A_271 = arith.constant 12288 : i32
    %dma_wait3A_272 = tpu.memref_slice %arg4[%add3A_121, %dma_wait3A_271] : memref<64x16384xf32, #tpu.memory_space<hbm>> -> memref<1x4096xf32, #tpu.memory_space<hbm>>
    %dma_wait3A_273 = tpu.memref_squeeze %dma_wait3A_272 : memref<1x4096xf32, #tpu.memory_space<hbm>> -> memref<4096xf32, #tpu.memory_space<hbm>>
    %dma_wait3A_274 = arith.constant 12288 : i32
    %dma_wait3A_275 = tpu.memref_slice %arg4[%add3A_121, %dma_wait3A_274] : memref<64x16384xf32, #tpu.memory_space<hbm>> -> memref<1x4096xf32, #tpu.memory_space<hbm>>
    %dma_wait3A_276 = tpu.memref_squeeze %dma_wait3A_275 : memref<1x4096xf32, #tpu.memory_space<hbm>> -> memref<4096xf32, #tpu.memory_space<hbm>>
    %dma_wait3A_277 = arith.constant 0 : i32
    %dma_wait3A_278 = tpu.memref_slice %arg7[%dma_wait3A_267, %dma_wait3A_277] : memref<2x4096xf32, #tpu.memory_space<vmem>> -> memref<1x4096xf32, #tpu.memory_space<vmem>>
    %dma_wait3A_279 = tpu.memref_squeeze %dma_wait3A_278 : memref<1x4096xf32, #tpu.memory_space<vmem>> -> memref<4096xf32, #tpu.memory_space<vmem>>
    tpu.wait_dma2 semaphore(%arg8 : memref<!tpu.dma_semaphore, #tpu.memory_space<semaphore_mem>>) src(%dma_wait3A_279 : memref<4096xf32, #tpu.memory_space<vmem>>) dst(%dma_wait3A_276 : memref<4096xf32, #tpu.memory_space<hbm>>)
    return
  }
}

module attributes {stable_mosaic.version = 14 : i64} {
  func.func @_sincos_t_body(%arg0: i32, %arg1: memref<1x4096xf32, #tpu.memory_space<vmem>>, %arg2: memref<128x4096xf32, #tpu.memory_space<vmem>>) attributes {dimension_semantics = [#tpu.dimension_semantics<arbitrary>], iteration_bounds = array<i64: 4>, scalar_prefetch = 0 : i64, scratch_operands = 0 : i64, tpu.core_type = #tpu.core_type<tc>, window_params = [{transform_indices = @transform_0, window_bounds = array<i64: 1, 4096>}, {transform_indices = @transform_1, window_bounds = array<i64: 128, 4096>}]} {
    %get3A = arith.constant 0 : index
    %get3A_0 = arith.constant 0 : index
    %get3A_1 = vector.load %arg1[%get3A, %get3A_0] : memref<1x4096xf32, #tpu.memory_space<vmem>>, vector<1x4096xf32>
    %iota3A = tpu.iota {dimensions = array<i32: 0>} : vector<128x1xi32>
    %lt3A = arith.constant 64 : i32
    %lt3A_2 = vector.broadcast %lt3A : i32 to vector<128x1xi32>
    %lt3A_3 = arith.cmpi slt, %iota3A, %lt3A_2 : vector<128x1xi32>
    %sub3A = arith.constant 64 : i32
    %sub3A_4 = vector.broadcast %sub3A : i32 to vector<128x1xi32>
    %sub3A_5 = arith.subi %iota3A, %sub3A_4 : vector<128x1xi32>
    %select_n3A = arith.select %lt3A_3, %iota3A, %sub3A_5 : vector<128x1xi1>, vector<128x1xi32>
    %convert_element_type3A = arith.sitofp %select_n3A : vector<128x1xi32> to vector<128x1xf32>
    %mul3A = arith.constant -0.182744846 : f32
    %mul3A_6 = vector.broadcast %mul3A : f32 to vector<128x1xf32>
    %mul3A_7 = arith.mulf %convert_element_type3A, %mul3A_6 : vector<128x1xf32>
    %exp3A = math.exp %mul3A_7 : vector<128x1xf32>
    %lt3A_8 = arith.constant 64 : i32
    %lt3A_9 = vector.broadcast %lt3A_8 : i32 to vector<128x1xi32>
    %lt3A_10 = arith.cmpi slt, %iota3A, %lt3A_9 : vector<128x1xi32>
    %jit3A = arith.constant 0.000000e+00 : f32
    %jit3A_11 = arith.constant 1.57079637 : f32
    %broadcast_in_dim3A = vector.broadcast %jit3A : f32 to vector<128x1xf32>
    %broadcast_in_dim3A_12 = vector.broadcast %jit3A_11 : f32 to vector<128x1xf32>
    %select_n3A_13 = arith.select %lt3A_10, %broadcast_in_dim3A, %broadcast_in_dim3A_12 : vector<128x1xi1>, vector<128x1xf32>
    %mul3A_14 = vector.broadcast %exp3A : vector<128x1xf32> to vector<128x4096xf32>
    %mul3A_15 = vector.broadcast %get3A_1 : vector<1x4096xf32> to vector<128x4096xf32>
    %mul3A_16 = arith.mulf %mul3A_14, %mul3A_15 : vector<128x4096xf32>
    %add3A = vector.broadcast %select_n3A_13 : vector<128x1xf32> to vector<128x4096xf32>
    %add3A_17 = arith.addf %mul3A_16, %add3A : vector<128x4096xf32>
    %sin3A = math.sin %add3A_17 : vector<128x4096xf32>
    %swap3A = arith.constant 0 : index
    %swap3A_18 = arith.constant 0 : index
    %swap3A_19 = vector.load %arg2[%swap3A, %swap3A_18] : memref<128x4096xf32, #tpu.memory_space<vmem>>, vector<128x4096xf32>
    tpu.vector_store %arg2[%swap3A, %swap3A_18], %sin3A {strides = array<i32>} : memref<128x4096xf32, #tpu.memory_space<vmem>>, vector<128x4096xf32>,
    return
  }
  func.func @transform_0(%arg0: i32) -> (i32, i32) {
    %c0_i32 = arith.constant 0 : i32
    %c0_i32_0 = arith.constant 0 : i32
    return %c0_i32, %arg0 : i32, i32
  }
  func.func @transform_1(%arg0: i32) -> (i32, i32) {
    %c0_i32 = arith.constant 0 : i32
    %c0_i32_0 = arith.constant 0 : i32
    return %c0_i32, %arg0 : i32, i32
  }
}

</mosaic_0001>

<sc_bundles>
// kernel: kernel.4.cloned.1.call-start
scs
__scs_entry_jumppad:
0x0: {  	(pc) =	sbr.rel $0x88, $3  }
0x1: {  	(tag) =	ssettag $0x0;
	lr =	simm.s32 $0x1  }
0x2: {  	[smem:$0x3F9F] =	sst lr;
	_ =	strace $0xD0000000  }
0x3: {  	_ = 	snop  }
0x4: {  	_ = 	snop  }
0x5: {  	_ = 	snop  }
0x6: {  	_ = 	snop  }
0x7: {  	_ = 	snop  }
__scs_overlays_trampoline_lowered:
0x8: {  	[smem:$0x3FAE] =	sst s0  }
0x9: {  	[smem:$0x3FAF] =	sst s1  }
0xa: {  	[smem:$0x3FB0] =	sst s2  }
0xb: {  	[smem:$0x3FB1] =	sst s3  }
0xc: {  	[smem:$0x3FB2] =	sst s4  }
0xd: {  	[smem:$0x3FB3] =	sst s5  }
0xe: {  	[smem:$0x3FB4] =	sst s6  }
0xf: {  	[smem:$0x3FB5] =	sst s7  }
0x10: {  	[smem:$0x3FB6] =	sst s8  }
0x11: {  	[smem:$0x3FB7] =	sst s9;
	s0 =	simm.s32 @!p0 $0x0  }
0x12: {  	s1 =	sld [smem:$0x3F9D];
	s0 =	simm.s32 @p0 $0x1  }
0x13: {  	[smem:$0x3FB8] =	sst s0;
	s0 =	simm.s32 @!p1 $0x0  }
0x14: {  	s2 =	sld [smem:$0x3F9C];
	s0 =	simm.s32 @p1 $0x1  }
0x15: {  	[smem:$0x3FB9] =	sst s0;
	s0 =	simm.s32 @!p2 $0x0  }
0x16: {  	s3 =	sld [smem:$0x3FDB];
	s0 =	simm.s32 @p2 $0x1  }
0x17: {  	s4 =	simm.s32 $0x1BF5;
	[smem:$0x3FBB] =	sst s0  }
0x18: {  	s0 =	sld [smem:$0x3F9E];
	_ =	swait.ge [sflag:s4], $0x0  }
0x19: {  	s7 =	sld [smem:$0x3F9F]  }
0x1a: {  	s8 =	sadd.s32 $0xFFFFE003, lr  }
0x1b: {  	s9 =	sadd.s32 $0xFFFFFEF7, lr;
	s5 =	simm.s32 $0xFFFFFFFF;
	p2 =	slt.u32 s8, $0xFFFFF086  }
0x1c: {  	p1 =	slt.u32 s9, $0xF7A;
	s5 =	simm.s32 @!p2 $0x0  }
0x1d: {  	s5 =	simm.s32 @p1 $0x1;
	p0 =	seq.s32 s7, s2  }
0x1e: {  	s7 =	smul.u32 @!p0 $0xF7A, s2;
	p2 =	seq.s32 @!p0 s5, $0x0  }
0x1f: {  	s9 =	smul.u32 $0xF7A, s1;
	s8 =	simm.s32 @!p0 $0x1BF5;
	p2 =	por !p2, p0  }
0x20: {  	[sflag:s8] =	ssyncset.s32 @!p0 $0xFFFFF086;
	s6 =	sadd.s32 @!p0 s3, s7;
	s7 =	simm.s32 @!p0 $0x108  }
0x21: {  	s3 =	sadd.s32 s3, s9;
	s6 =	sadd.s32 @!p0 $0x88, s6;
	s7 =	simm.s32 @p2 $0x1082  }
0x22: {  	[simem:s7], [sflag:s8] =	dma.local @!p0 [hbm:s6], $0xF7A  }
0x23: {  	s9 =	sor.u32 $0xD0000000, s2;
	s6 =	simm.s32 $0x108;
	_ =	swait.ge @!p0 [sflag:s8], $0x0  }
0x24: {  	s3 =	sadd.s32 $0x88, s3;
	s6 =	simm.s32 @!p1 $0x1082;
	[sflag:s4] =	ssyncset.s32 $0xFFFFF086  }
0x25: {  	[simem:s6], [sflag:s4] =	dma.local [hbm:s3], $0xF7A  }
0x26: {  	[smem:$0x3F9F] =	sst s1;
	(tag) =	ssettag s2;
	_ =	strace s9  }
0x27: {  	s1 =	sld [smem:$0x3FAF]  }
0x28: {  	s2 =	sld [smem:$0x3FB0]  }
0x29: {  	s4 =	sld [smem:$0x3FB2]  }
0x2a: {  	p0 =	seq.s32 s5, $0x0;
	s5 =	sld [smem:$0x3FB3]  }
0x2b: {  	s6 =	sld [smem:$0x3FB4]  }
0x2c: {  	s7 =	sld [smem:$0x3FB5]  }
0x2d: {  	s3 =	simm.s32 $0x108;
	s8 =	sld [smem:$0x3FB6]  }
0x2e: {  	s3 =	simm.s32 @!p0 $0x1082;
	s9 =	sld [smem:$0x3FB7]  }
0x2f: {  	lr =	sadd.s32 s0, s3;
	s0 =	sld [smem:$0x3FAE]  }
0x30: {  	s3 =	sld [smem:$0x3FB1]  }
0x31: {  	[smem:$0x3FBA] =	sst s10  }
0x32: {  	s10 =	sld [smem:$0x3FB8];
	_ =	sdelay $0x3  }
0x33: {  	p0 =	seq.s32 s10, $0x1;
	s10 =	sld [smem:$0x3FBA];
	_ =	sdelay $0x3  }
0x34: {  	[smem:$0x3FBA] =	sst s10  }
0x35: {  	s10 =	sld [smem:$0x3FB9];
	_ =	sdelay $0x3  }
0x36: {  	p1 =	seq.s32 s10, $0x1;
	s10 =	sld [smem:$0x3FBA];
	_ =	sdelay $0x3  }
0x37: {  	[smem:$0x3FBA] =	sst s10  }
0x38: {  	s10 =	sld [smem:$0x3FBB]  }
0x39: {  	_ = 	snop;
	(pc) =	sbr.ind lr, $3  }
0x3a: {  	_ = 	snop  }
0x3b: {  	_ = 	snop  }
0x3c: {  	p2 =	seq.s32 s10, $0x1;
	s10 =	sld [smem:$0x3FBA]  }
0x3d: {  	_ =	shalt  }
0x3e: {  	_ =	shalt  }
0x3f: {  	_ =	shalt  }
0x40: {  	_ =	shalt  }
0x41: {  	_ =	shalt  }
0x42: {  	_ =	shalt  }
0x43: {  	_ =	shalt  }
0x44: {  	_ =	shalt  }
0x45: {  	_ =	shalt  }
0x46: {  	_ =	shalt  }
0x47: {  	_ =	shalt  }
0x48: {  	_ =	shalt  }
0x49: {  	_ =	shalt  }
0x4a: {  	_ =	shalt  }
0x4b: {  	_ =	shalt  }
0x4c: {  	_ =	shalt  }
0x4d: {  	_ =	shalt  }
0x4e: {  	_ =	shalt  }
0x4f: {  	_ =	shalt  }
0x50: {  	_ =	shalt  }
0x51: {  	_ =	shalt  }
0x52: {  	_ =	shalt  }
0x53: {  	_ =	shalt  }
0x54: {  	_ =	shalt  }
0x55: {  	_ =	shalt  }
0x56: {  	_ =	shalt  }
0x57: {  	_ =	shalt  }
0x58: {  	_ =	shalt  }
0x59: {  	_ =	shalt  }
0x5a: {  	_ =	shalt  }
0x5b: {  	_ =	shalt  }
0x5c: {  	_ =	shalt  }
0x5d: {  	_ =	shalt  }
0x5e: {  	_ =	shalt  }
0x5f: {  	_ =	shalt  }
0x60: {  	_ =	shalt  }
0x61: {  	_ =	shalt  }
0x62: {  	_ =	shalt  }
0x63: {  	_ =	shalt  }
0x64: {  	_ =	shalt  }
0x65: {  	_ =	shalt  }
0x66: {  	_ =	shalt  }
0x67: {  	_ =	shalt  }
0x68: {  	_ =	shalt  }
0x69: {  	_ =	shalt  }
0x6a: {  	_ =	shalt  }
0x6b: {  	_ =	shalt  }
0x6c: {  	_ =	shalt  }
0x6d: {  	_ =	shalt  }
0x6e: {  	_ =	shalt  }
0x6f: {  	_ =	shalt  }
0x70: {  	_ =	shalt  }
0x71: {  	_ =	shalt  }
0x72: {  	_ =	shalt  }
0x73: {  	_ =	shalt  }
0x74: {  	_ =	shalt  }
0x75: {  	_ =	shalt  }
0x76: {  	_ =	shalt  }
0x77: {  	_ =	shalt  }
0x78: {  	_ =	shalt  }
0x79: {  	_ =	shalt  }
0x7a: {  	_ =	shalt  }
0x7b: {  	_ =	shalt  }
0x7c: {  	_ =	shalt  }
0x7d: {  	_ =	shalt  }
0x7e: {  	_ =	shalt  }
0x7f: {  	_ =	shalt  }
0x80: {  	_ =	shalt  }
0x81: {  	_ =	shalt  }
0x82: {  	_ =	shalt  }
0x83: {  	_ =	shalt  }
0x84: {  	_ =	shalt  }
0x85: {  	_ =	shalt  }
0x86: {  	_ =	shalt  }
0x87: {  	_ =	shalt  }
.Lfunc_end0:
.L_simem_size_0:
called_computation_lowered:
.L_overlay_start_0:
0x88: {  	s2 =	sld [smem:$0x3FD9]  }
0x89: {  	s3 =	sld [smem:$0x3FFE];
	_ =	sdelay $0x1  }
0x8a: {  	s1 =	srdreg.scid  }
0x8b: {  	s0 =	sand.u32 $0x1, s1  }
0x8c: {  	s17 =	sshll.u32 s0, $0xA;
	s2 =	sadd.s32 s3, s2  }
0x8d: {  	s2 =	sadd.s32 s2, s17  }
0x8e: {  	[smem:$0x3FC6] =	sst s2  }
0x8f: {  	_ = 	snop  }
0x90: {  	s2 =	sld [smem:$0x3FC8];
	(tm) =	ssettm $0x1  }
0x91: {  	s18 =	sld [smem:$0x3FFB];
	_ =	sdelay $0x3  }
0x92: {  	_ =	strace s18  }
0x93: {  	s3 =	sld [smem:$0x3FFC];
	_ =	sdelay $0x3  }
0x94: {  	_ =	strace s3  }
0x95: {  	s3 =	sld [smem:$0x3FFD];
	_ =	sdelay $0x3  }
0x96: {  	_ =	strace s3  }
0x97: {  	_ =	strace $0x8FFFFFFF  }
0x98: {  	s19 =	sld [smem:$0x3FDB];
	_ =	sdelay $0x1  }
0x99: {  	s4 =	simm.s32 $_scs_section_size  }
0x9a: {  	s5 =	simm.s32 $_size__tile_overlayer_lowered;
	s6 =	simm.s32 $_tile_overlayer_lowered  }
0x9b: {  	s22 =	simm.s32 $0x1BFF;
	s21 =	sshll.u32 s6, $0x1;
	s3 =	sadd.s32 s4, s19  }
0x9c: {  	s7 =	simm.s32 $0x0;
	s20 =	sshll.u32 s5, $0x1;
	s5 =	sadd.s32 s21, s3  }
0x9d: {  	[timem:s7], [sflag:s22] =	dma.local [hbm:s5], s20  }
0x9e: {  	_ =	swait.ge [sflag:s22], s20  }
0x9f: {  	s4 =	ssub.s32 $0x0, s20;
	[sflag:s22] =	ssyncset.done $0x0  }
0xa0: {  	[sflag:s22] =	ssyncadd.s32 s4;
	_ =	sdelay $0x1  }
0xa1: {  	s23 =	simm.s32 $0x1B8B  }
0xa2: {  	_ =	swait.ge [sflag:s23], $0x1  }
0xa3: {  	[sflag:s23] =	ssyncset.done $0x0  }
0xa4: {  	s25 =	simm.s32 $0x1B8E;
	s24 =	sld [smem:$0x3FFE];
	[sflag:s23] =	ssyncadd.s32 $0xFFFFFFFF  }
0xa5: {  	s26 =	simm.s32 $execute0_lowered;
	[smem:$0x3FD2] =	sst s25  }
0xa6: {  	s5 =	sshll.u32 s26, $0x1;
	_ =	strace $0x80000046;
	[dreg:$0x1] =	wrdreg $0xFFFFFFFF  }
0xa7: {  	s28 =	simm.s32 $_size_execute0_lowered;
	s3 =	sadd.s32 s3, s5;
	[dreg:$0x0] =	wrdreg $0x0  }
0xa8: {  	s5 =	sshll.u32 s28, $0x1;
	[dreg:$0x2] =	wrdreg s3  }
0xa9: {  	[dreg:$0x3] =	wrdreg s5  }
0xaa: {  	[dreg:$0x4] =	wrdreg $0xC0  }
0xab: {  	_ =	task [dreg:s7], $0x5FFFF  }
0xac: {  	[dreg:$0x1] =	wrdreg $0xFFFFFFFF  }
0xad: {  	[dreg:$0x0] =	wrdreg $0x60  }
0xae: {  	[dreg:$0x2] =	wrdreg s2  }
0xaf: {  	[dreg:$0x3] =	wrdreg s24  }
0xb0: {  	[dreg:$0x4] =	wrdreg $0x9  }
0xb1: {  	_ =	task.clear_ibuf [dreg:s7], $0x5FFFF;
	_ =	strace $0x90000046  }
0xb2: {  	s29 =	simm.s32 $0x9;
	_ =	strace $0x80000048  }
0xb3: {  	_ =	swait.ge [sflag:s29], $0x1  }
0xb4: {  	[sflag:s29] =	ssyncadd.s32 $0xFFFFFFFF  }
0xb5: {  	_ =	strace $0x90000048  }
0xb6: {  	_ =	sfence  }
0xb7: {  	s30 =	sld [smem:$0x0];
	_ =	sdelay $0x2  }
0xb8: {  	s31 =	sshll.u32 s1, $0xD;
	s1 =	sshrl.u32 s1, $0x2  }
0xb9: {  	s3 =	sand.u32 $0x4000, s31;
	s1 =	sadd.s32 s1, s30  }
0xba: {  	s0 =	sor.u32 s3, s0;
	s1 =	sshll.u32 s1, $0x11  }
0xbb: {  	s0 =	sor.u32 s1, s0  }
0xbc: {  	s0 =	sadd.s32 $0x8F2B, s0  }
0xbd: {  	[sflag:s0] =	ssyncadd.remote.s32 $0x1  }
0xbe: {  	_ =	sfence.sel $0xFFFF  }
0xbf: {  	[dreg:$0x0] =	wrdreg $0xFFFFFFFF;
	(pc) =	sbr.abs _section_cstart, $3  }
0xc0: {  	[dreg:$0x1] =	wrdreg $0xFFFFFFFF  }
0xc1: {  	_ =	task.clear_ibuf [dreg:s7], $0x2FFFF;
	_ =	strace $0x9FFFFFFF  }
0xc2: {  	(tm) =	ssettm $0x7FFFFFFF  }
0xc3: {  	_ =	shalt  }
tec
execute0_lowered:
.L_overlay_start_1:
0x0: {  	(tag) =	ssettag $0x1  }
0x1: {  	s9 =	rddreg [dreg:$0x0]  }
0x2: {  	s8 =	rddreg [dreg:$0x1]  }
0x3: {  	s0 =	rddreg [dreg:$0x2]  }
0x4: {  	s1 =	simm.s32 $0x0;
	s4 =	srdreg.scid;
	s2 =	stileid.u32  }
0x5: {  	s19 =	simm.s32 $0x2;
	s20 =	simm.s32 $0x1;
	s21 =	simm.s32 $0x0  }
0x6: {  	[smem:$0x7FF] =	sst s1;
	s3 =	sadd.s32 $0x600, s8;
	s4 =	sand.u32 $0x1, s4  }
0x7: {  	s5 =	sshll.u32 s2, $0x9;
	s6 =	sshrl.u32 s2, $0x1;
	s11 =	sadd.s32 $0xE00, s8  }
0x8: {  	s30 =	sadd.s32 $0x1E00, s8;
	s16 =	sadd.s32 $0x2E00, s8;
	s18 =	sadd.s32 $0x3E00, s8  }
0x9: {  	s7 =	sshll.u32 s4, $0x8;
	s5 =	sand.u32 $0x200, s5;
	s10 =	smul.u32 $0xC3800, s6  }
0xa: {  	_ =	strace $0x80000047;
	s4 =	ssub.s32 $0x2, s4;
	s7 =	sor.u32 s7, s5  }
0xb: {  	s12 =	sshll.u32 s6, $0x11;
	s13 =	sshrl.u32 s4, $0x1;
	s5 =	sor.u32 s10, s7  }
0xc: {  	s6 =	sor.u32 s12, s7;
	s15 =	ssub.s32 s4, s13;
	s17 =	sor.u32 $0x80, s7  }
0xd: {  	s5 =	sshrl.u32 s5, $0x3;
	s14 =	sshrl.u32 s6, $0x3;
	s10 =	sor.u32 s10, s17  }
0xe: {  	s12 =	sor.u32 s12, s17;
	s17 =	simm.s32 $0x18700;
	s4 =	sadd.s32 s9, s5  }
0xf: {  	s5 =	sadd.s32 s11, s14;
	s6 =	sadd.s32 s14, s30;
	s7 =	sadd.s32 s14, s16  }
0x10: {  	s10 =	sshrl.u32 s10, $0x3;
	s8 =	sadd.s32 s14, s18;
	s31 =	sshrl.u32 s12, $0x3  }
0x11: {  	s14 =	smax.u32 s15, $0x1;
	s15 =	simm.s32 $0x80;
	s9 =	sadd.s32 s9, s10  }
0x12: {  	s10 =	sadd.s32 s11, s31;
	s11 =	sadd.s32 s31, s30;
	s12 =	sadd.s32 s31, s16  }
0x13: {  	s13 =	sadd.s32 s31, s18;
	s16 =	simm.s32 $0x400;
	s18 =	simm.s32 $0x3  }
.LBB2_1:
0x14: {  	[tilespmem:s1], [sflag:$0x2] =	stream.strided.gather [hbm4b:s4+s15], $0x18700, s16, s15, $0x38;
	[tilespmem:$0x1E700] =	vst v63  }
0x15: {  	_ = 	snop  }
0x16: {  	[tilespmem:s17], [sflag:$0x3] =	stream.linear.gather [hbm4b:s3+s1], $0x4000, $0x38;
	[tilespmem:$0x1E700] =	vst v63  }
0x17: {  	_ =	swait.ge [sflag:s18], $0x4000  }
0x18: {  	[sflag:s18] =	ssyncset.done $0x0  }
0x19: {  	[sflag:s18] =	ssyncadd.s32 $0xFFFFC000  }
0x1a: {  	_ =	swait.ge [sflag:s19], $0x18700  }
0x1b: {  	[sflag:s19] =	ssyncset.done $0x0  }
0x1c: {  	s22 =	simm.s32 $0x18780;
	[sflag:s19] =	ssyncadd.s32 $0xFFFE7900  }
0x1d: {  	v0 =	vld [tilespmem:s22+$0xFFFFFFE0]  }
0x1e: {  	v1 =	vld [tilespmem:s22+$0xFFFFFFF0]  }
0x1f: {  	v2 =	vld [tilespmem:s22+$0xFFFFFF80]  }
0x20: {  	v3 =	vld [tilespmem:s22+$0xFFFFFFA0]  }
0x21: {  	v4 =	vld [tilespmem:s22+$0xFFFFFFD0]  }
0x22: {  	v5 =	vld [tilespmem:s22+$0xFFFFFFB0]  }
0x23: {  	v6 =	vld [tilespmem:s22+$0xFFFFFFC0]  }
0x24: {  	v7 =	vld [tilespmem:s22+$0xFFFFFF90]  }
0x25: {  	v0 =	vld.idx.msk [tilespmem:v0+s1+$0x0], $0xffff  }
0x26: {  	v1 =	vld.idx.msk [tilespmem:v1+s1+$0x0], $0xffff  }
0x27: {  	v2 =	vld.idx.msk [tilespmem:v2+s1+$0x0], $0xffff  }
0x28: {  	v3 =	vld.idx.msk [tilespmem:v3+s1+$0x0], $0xffff  }
0x29: {  	v4 =	vld.idx.msk [tilespmem:v4+s1+$0x0], $0xffff  }
0x2a: {  	v5 =	vld.idx.msk [tilespmem:v5+s1+$0x0], $0xffff  }
0x2b: {  	s23 =	simm.s32 $0x1C800;
	v6 =	vld.idx.msk [tilespmem:v6+s1+$0x0], $0xffff  }
0x2c: {  	v7 =	vld.idx.msk [tilespmem:v7+s1+$0x0], $0xffff;
	[tilespmem:s23+$0xFFFFFF70] =	vst v1  }
0x2d: {  	[tilespmem:s23+$0xFFFFFF00] =	vst v2  }
0x2e: {  	[tilespmem:s23+$0xFFFFFF20] =	vst v3  }
0x2f: {  	[tilespmem:s23+$0xFFFFFF50] =	vst v4  }
0x30: {  	[tilespmem:s23+$0xFFFFFF40] =	vst v6  }
0x31: {  	[tilespmem:s23+$0xFFFFFF30] =	vst v5  }
0x32: {  	[tilespmem:s23+$0xFFFFFF10] =	vst v7  }
0x33: {  	[tilespmem:s23+$0xFFFFFF60] =	vst v0  }
0x34: {  	v0 =	vld [tilespmem:s22+$0x70]  }
0x35: {  	v6 =	vld [tilespmem:s22+$0x10]  }
0x36: {  	v7 =	vld [tilespmem:s22+$0x20]  }
0x37: {  	v8 =	vld [tilespmem:s22+$0x60]  }
0x38: {  	v5 =	vld [tilespmem:s22+$0x40]  }
0x39: {  	v2 =	vld [tilespmem:s22+$0x50]  }
0x3a: {  	v3 =	vld [tilespmem:s22+$0x0]  }
0x3b: {  	v4 =	vld [tilespmem:s22+$0x30]  }
0x3c: {  	v1 =	vld.idx.msk [tilespmem:v0+s1+$0x0], $0xffff  }
0x3d: {  	v0 =	vld.idx.msk [tilespmem:v6+s1+$0x0], $0xffff  }
0x3e: {  	v7 =	vld.idx.msk [tilespmem:v7+s1+$0x0], $0xffff  }
0x3f: {  	s25 =	simm.s32 $0x0;
	s24 =	simm.s32 $0x1C800;
	v6 =	vld.idx.msk [tilespmem:v8+s1+$0x0], $0xffff  }
.LBB2_2:
0x40: {  	s25 =	sadd.s32 $0x2, s25;
	v5 =	vld.idx.msk [tilespmem:v5+s1+$0x0], $0xffff;
	s23 =	sadd.s32 $0x200, s23;
	s22 =	sadd.s32 $0x100, s22  }
0x41: {  	p0 =	slt.u32 s25, $0x1E;
	v2 =	vld.idx.msk [tilespmem:v2+s1+$0x0], $0xffff  }
0x42: {  	v3 =	vld.idx.msk [tilespmem:v3+s1+$0x0], $0xffff  }
0x43: {  	v4 =	vld.idx.msk [tilespmem:v4+s1+$0x0], $0xffff  }
0x44: {  	[tilespmem:s24+$0x20] =	vst v7  }
0x45: {  	[tilespmem:s24+$0x70] =	vst v1  }
0x46: {  	[tilespmem:s24+$0x60] =	vst v6  }
0x47: {  	[tilespmem:s24+$0x50] =	vst v2  }
0x48: {  	[tilespmem:s24+$0x0] =	vst v3  }
0x49: {  	[tilespmem:s24+$0x40] =	vst v5  }
0x4a: {  	[tilespmem:s24+$0x30] =	vst v4  }
0x4b: {  	[tilespmem:s24+$0x10] =	vst v0;
	s24 =	smov.u32 s23  }
0x4c: {  	v0 =	vld [tilespmem:s22+$0xFFFFFFE0]  }
0x4d: {  	v1 =	vld [tilespmem:s22+$0xFFFFFFF0]  }
0x4e: {  	v2 =	vld [tilespmem:s22+$0xFFFFFF80]  }
0x4f: {  	v3 =	vld [tilespmem:s22+$0xFFFFFFA0]  }
0x50: {  	v4 =	vld [tilespmem:s22+$0xFFFFFFD0]  }
0x51: {  	v5 =	vld [tilespmem:s22+$0xFFFFFFB0]  }
0x52: {  	v6 =	vld [tilespmem:s22+$0xFFFFFFC0]  }
0x53: {  	v7 =	vld [tilespmem:s22+$0xFFFFFF90]  }
0x54: {  	v0 =	vld.idx.msk [tilespmem:v0+s1+$0x0], $0xffff  }
0x55: {  	v1 =	vld.idx.msk [tilespmem:v1+s1+$0x0], $0xffff  }
0x56: {  	v2 =	vld.idx.msk [tilespmem:v2+s1+$0x0], $0xffff  }
0x57: {  	v3 =	vld.idx.msk [tilespmem:v3+s1+$0x0], $0xffff  }
0x58: {  	v4 =	vld.idx.msk [tilespmem:v4+s1+$0x0], $0xffff  }
0x59: {  	v5 =	vld.idx.msk [tilespmem:v5+s1+$0x0], $0xffff  }
0x5a: {  	v6 =	vld.idx.msk [tilespmem:v6+s1+$0x0], $0xffff  }
0x5b: {  	v7 =	vld.idx.msk [tilespmem:v7+s1+$0x0], $0xffff  }
0x5c: {  	[tilespmem:s23+$0xFFFFFF70] =	vst v1  }
0x5d: {  	[tilespmem:s23+$0xFFFFFF00] =	vst v2  }
0x5e: {  	[tilespmem:s23+$0xFFFFFF20] =	vst v3  }
0x5f: {  	[tilespmem:s23+$0xFFFFFF50] =	vst v4  }
0x60: {  	[tilespmem:s23+$0xFFFFFF40] =	vst v6  }
0x61: {  	[tilespmem:s23+$0xFFFFFF30] =	vst v5  }
0x62: {  	[tilespmem:s23+$0xFFFFFF10] =	vst v7  }
0x63: {  	[tilespmem:s23+$0xFFFFFF60] =	vst v0  }
0x64: {  	v0 =	vld [tilespmem:s22+$0x70]  }
0x65: {  	v6 =	vld [tilespmem:s22+$0x10]  }
0x66: {  	v7 =	vld [tilespmem:s22+$0x20]  }
0x67: {  	v8 =	vld [tilespmem:s22+$0x60]  }
0x68: {  	v5 =	vld [tilespmem:s22+$0x40]  }
0x69: {  	v2 =	vld [tilespmem:s22+$0x50]  }
0x6a: {  	v3 =	vld [tilespmem:s22+$0x0]  }
.Ltmp0:
0x6b: {  	v4 =	vld [tilespmem:s22+$0x30];
	(pc) =	sbr.rel @p0 .LBB2_2-.Ltmp0, $4  }
0x6c: {  	v1 =	vld.idx.msk [tilespmem:v0+s1+$0x0], $0xffff  }
0x6d: {  	v0 =	vld.idx.msk [tilespmem:v6+s1+$0x0], $0xffff  }
0x6e: {  	v7 =	vld.idx.msk [tilespmem:v7+s1+$0x0], $0xffff  }
0x6f: {  	v6 =	vld.idx.msk [tilespmem:v8+s1+$0x0], $0xffff  }
0x70: {  	_ =	sdelay $0x3  }
0x71: {  	v5 =	vld.idx.msk [tilespmem:v5+s1+$0x0], $0xffff  }
0x72: {  	v2 =	vld.idx.msk [tilespmem:v2+s1+$0x0], $0xffff  }
0x73: {  	v3 =	vld.idx.msk [tilespmem:v3+s1+$0x0], $0xffff  }
0x74: {  	v4 =	vld.idx.msk [tilespmem:v4+s1+$0x0], $0xffff;
	[tilespmem:s24+$0x70] =	vst v1  }
0x75: {  	[tilespmem:s24+$0x10] =	vst v0  }
0x76: {  	[tilespmem:s24+$0x20] =	vst v7  }
0x77: {  	[tilespmem:s24+$0x60] =	vst v6  }
0x78: {  	[tilespmem:s24+$0x50] =	vst v2  }
0x79: {  	[tilespmem:s24+$0x0] =	vst v3  }
0x7a: {  	[tilespmem:s24+$0x40] =	vst v5  }
0x7b: {  	s22 =	simm.s32 $0x0;
	s23 =	simm.s32 $0x1C700;
	[tilespmem:s24+$0x30] =	vst v4  }
.LBB2_4:
0x7c: {  	p0 =	sne.s32 s22, $0xF80  }
.Ltmp1:
0x7d: {  	_ = 	snop;
	(pc) =	sbr.rel @p0 .LBB2_4-.Ltmp1, $4  }
0x7e: {  	_ = 	snop  }
0x7f: {  	s24 =	sadd.s32 s22, s5  }
0x80: {  	[hbm4b:s24+s1] =	stream.linear.scatter [tilespmem:s23], [sflag:$0x1], $0x80, $0x38;
	[tilespmem:$0x1E700] =	vst v63  }
0x81: {  	s22 =	sadd.s32 $0x80, s22;
	s23 =	sadd.s32 $0x100, s23  }
0x82: {  	s22 =	simm.s32 $0x197F0  }
0x83: {  	v0 =	vld [tilespmem:s22+$0xFFFFFF70]  }
0x84: {  	v1 =	vld [tilespmem:s22+$0xFFFFFF80]  }
0x85: {  	v2 =	vld [tilespmem:s22+$0xFFFFFF10]  }
0x86: {  	v3 =	vld [tilespmem:s22+$0xFFFFFF30]  }
0x87: {  	v4 =	vld [tilespmem:s22+$0xFFFFFF60]  }
0x88: {  	v5 =	vld [tilespmem:s22+$0xFFFFFF40]  }
0x89: {  	v6 =	vld [tilespmem:s22+$0xFFFFFF50]  }
0x8a: {  	v7 =	vld [tilespmem:s22+$0xFFFFFF20]  }
0x8b: {  	v0 =	vld.idx.msk [tilespmem:v0+s1+$0x0], $0xffff  }
0x8c: {  	v1 =	vld.idx.msk [tilespmem:v1+s1+$0x0], $0xffff  }
0x8d: {  	v2 =	vld.idx.msk [tilespmem:v2+s1+$0x0], $0xffff  }
0x8e: {  	v3 =	vld.idx.msk [tilespmem:v3+s1+$0x0], $0xffff  }
0x8f: {  	v4 =	vld.idx.msk [tilespmem:v4+s1+$0x0], $0xffff  }
0x90: {  	v5 =	vld.idx.msk [tilespmem:v5+s1+$0x0], $0xffff  }
0x91: {  	s23 =	simm.s32 $0x1C880;
	v6 =	vld.idx.msk [tilespmem:v6+s1+$0x0], $0xffff  }
0x92: {  	v7 =	vld.idx.msk [tilespmem:v7+s1+$0x0], $0xffff;
	[tilespmem:s23+$0xFFFFFF70] =	vst v1  }
0x93: {  	[tilespmem:s23+$0xFFFFFF00] =	vst v2  }
0x94: {  	[tilespmem:s23+$0xFFFFFF20] =	vst v3  }
0x95: {  	[tilespmem:s23+$0xFFFFFF50] =	vst v4  }
0x96: {  	[tilespmem:s23+$0xFFFFFF40] =	vst v6  }
0x97: {  	[tilespmem:s23+$0xFFFFFF30] =	vst v5  }
0x98: {  	[tilespmem:s23+$0xFFFFFF10] =	vst v7  }
0x99: {  	[tilespmem:s23+$0xFFFFFF60] =	vst v0  }
0x9a: {  	v0 =	vld [tilespmem:s22+$0x0]  }
0x9b: {  	v6 =	vld [tilespmem:s22+$0xFFFFFFA0]  }
0x9c: {  	v7 =	vld [tilespmem:s22+$0xFFFFFFB0]  }
0x9d: {  	v8 =	vld [tilespmem:s22+$0xFFFFFFF0]  }
0x9e: {  	v5 =	vld [tilespmem:s22+$0xFFFFFFD0]  }
0x9f: {  	v2 =	vld [tilespmem:s22+$0xFFFFFFE0]  }
0xa0: {  	v3 =	vld [tilespmem:s22+$0xFFFFFF90]  }
0xa1: {  	v4 =	vld [tilespmem:s22+$0xFFFFFFC0]  }
0xa2: {  	v1 =	vld.idx.msk [tilespmem:v0+s1+$0x0], $0xffff  }
0xa3: {  	v0 =	vld.idx.msk [tilespmem:v6+s1+$0x0], $0xffff  }
0xa4: {  	v7 =	vld.idx.msk [tilespmem:v7+s1+$0x0], $0xffff  }
0xa5: {  	s25 =	simm.s32 $0x0;
	s24 =	simm.s32 $0x1C880;
	v6 =	vld.idx.msk [tilespmem:v8+s1+$0x0], $0xffff  }
.LBB2_6:
0xa6: {  	s25 =	sadd.s32 $0x2, s25;
	v5 =	vld.idx.msk [tilespmem:v5+s1+$0x0], $0xffff;
	s22 =	sadd.s32 $0x100, s22;
	s23 =	sadd.s32 $0x200, s23  }
0xa7: {  	p0 =	slt.u32 s25, $0x1E;
	v2 =	vld.idx.msk [tilespmem:v2+s1+$0x0], $0xffff  }
0xa8: {  	v3 =	vld.idx.msk [tilespmem:v3+s1+$0x0], $0xffff  }
0xa9: {  	v4 =	vld.idx.msk [tilespmem:v4+s1+$0x0], $0xffff  }
0xaa: {  	[tilespmem:s24+$0x20] =	vst v7  }
0xab: {  	[tilespmem:s24+$0x70] =	vst v1  }
0xac: {  	[tilespmem:s24+$0x60] =	vst v6  }
0xad: {  	[tilespmem:s24+$0x50] =	vst v2  }
0xae: {  	[tilespmem:s24+$0x0] =	vst v3  }
0xaf: {  	[tilespmem:s24+$0x40] =	vst v5  }
0xb0: {  	[tilespmem:s24+$0x30] =	vst v4  }
0xb1: {  	[tilespmem:s24+$0x10] =	vst v0;
	s24 =	smov.u32 s23  }
0xb2: {  	v0 =	vld [tilespmem:s22+$0xFFFFFF70]  }
0xb3: {  	v1 =	vld [tilespmem:s22+$0xFFFFFF80]  }
0xb4: {  	v2 =	vld [tilespmem:s22+$0xFFFFFF10]  }
0xb5: {  	v3 =	vld [tilespmem:s22+$0xFFFFFF30]  }
0xb6: {  	v4 =	vld [tilespmem:s22+$0xFFFFFF60]  }
0xb7: {  	v5 =	vld [tilespmem:s22+$0xFFFFFF40]  }
0xb8: {  	v6 =	vld [tilespmem:s22+$0xFFFFFF50]  }
0xb9: {  	v7 =	vld [tilespmem:s22+$0xFFFFFF20]  }
0xba: {  	v0 =	vld.idx.msk [tilespmem:v0+s1+$0x0], $0xffff  }
0xbb: {  	v1 =	vld.idx.msk [tilespmem:v1+s1+$0x0], $0xffff  }
0xbc: {  	v2 =	vld.idx.msk [tilespmem:v2+s1+$0x0], $0xffff  }
0xbd: {  	v3 =	vld.idx.msk [tilespmem:v3+s1+$0x0], $0xffff  }
0xbe: {  	v4 =	vld.idx.msk [tilespmem:v4+s1+$0x0], $0xffff  }
0xbf: {  	v5 =	vld.idx.msk [tilespmem:v5+s1+$0x0], $0xffff  }
0xc0: {  	v6 =	vld.idx.msk [tilespmem:v6+s1+$0x0], $0xffff  }
0xc1: {  	v7 =	vld.idx.msk [tilespmem:v7+s1+$0x0], $0xffff  }
0xc2: {  	[tilespmem:s23+$0xFFFFFF70] =	vst v1  }
0xc3: {  	[tilespmem:s23+$0xFFFFFF00] =	vst v2  }
0xc4: {  	[tilespmem:s23+$0xFFFFFF20] =	vst v3  }
0xc5: {  	[tilespmem:s23+$0xFFFFFF50] =	vst v4  }
0xc6: {  	[tilespmem:s23+$0xFFFFFF40] =	vst v6  }
0xc7: {  	[tilespmem:s23+$0xFFFFFF30] =	vst v5  }
0xc8: {  	[tilespmem:s23+$0xFFFFFF10] =	vst v7  }
0xc9: {  	[tilespmem:s23+$0xFFFFFF60] =	vst v0  }
0xca: {  	v0 =	vld [tilespmem:s22+$0x0]  }
0xcb: {  	v6 =	vld [tilespmem:s22+$0xFFFFFFA0]  }
0xcc: {  	v7 =	vld [tilespmem:s22+$0xFFFFFFB0]  }
0xcd: {  	v8 =	vld [tilespmem:s22+$0xFFFFFFF0]  }
0xce: {  	v5 =	vld [tilespmem:s22+$0xFFFFFFD0]  }
0xcf: {  	v2 =	vld [tilespmem:s22+$0xFFFFFFE0]  }
0xd0: {  	v3 =	vld [tilespmem:s22+$0xFFFFFF90]  }
.Ltmp2:
0xd1: {  	v4 =	vld [tilespmem:s22+$0xFFFFFFC0];
	(pc) =	sbr.rel @p0 .LBB2_6-.Ltmp2, $4  }
0xd2: {  	v1 =	vld.idx.msk [tilespmem:v0+s1+$0x0], $0xffff  }
0xd3: {  	v0 =	vld.idx.msk [tilespmem:v6+s1+$0x0], $0xffff  }
0xd4: {  	v7 =	vld.idx.msk [tilespmem:v7+s1+$0x0], $0xffff  }
0xd5: {  	v6 =	vld.idx.msk [tilespmem:v8+s1+$0x0], $0xffff  }
0xd6: {  	_ =	sdelay $0x3  }
0xd7: {  	v5 =	vld.idx.msk [tilespmem:v5+s1+$0x0], $0xffff  }
0xd8: {  	v2 =	vld.idx.msk [tilespmem:v2+s1+$0x0], $0xffff  }
0xd9: {  	v3 =	vld.idx.msk [tilespmem:v3+s1+$0x0], $0xffff  }
0xda: {  	v4 =	vld.idx.msk [tilespmem:v4+s1+$0x0], $0xffff;
	[tilespmem:s24+$0x70] =	vst v1  }
0xdb: {  	[tilespmem:s24+$0x10] =	vst v0  }
0xdc: {  	[tilespmem:s24+$0x20] =	vst v7  }
0xdd: {  	[tilespmem:s24+$0x60] =	vst v6  }
0xde: {  	[tilespmem:s24+$0x50] =	vst v2  }
0xdf: {  	[tilespmem:s24+$0x0] =	vst v3  }
0xe0: {  	s22 =	simm.s32 $0x1C780;
	[tilespmem:s24+$0x40] =	vst v5  }
0xe1: {  	s23 =	simm.s32 $0x80;
	s25 =	sadd.s32 $0x0, s6;
	[tilespmem:s24+$0x30] =	vst v4;
	s24 =	simm.s32 $0x1C880  }
.LBB2_8:
0xe2: {  	[hbm4b:s25+s1] =	stream.linear.scatter [tilespmem:s22], [sflag:$0x1], $0x80, $0x38;
	[tilespmem:$0x1E700] =	vst v63  }
0xe3: {  	s25 =	smov.u32 s23;
	s22 =	smov.u32 s24;
	p0 =	sne.s32 s23, $0xF80  }
.Ltmp3:
0xe4: {  	s23 =	sadd.s32 $0x80, s23;
	(pc) =	sbr.rel @p0 .LBB2_8-.Ltmp3, $2  }
0xe5: {  	_ =	sdelay $0x2  }
0xe6: {  	s24 =	sadd.s32 $0x100, s24;
	s25 =	sadd.s32 s25, s6  }
0xe7: {  	[hbm4b:s25+s1] =	stream.linear.scatter [tilespmem:s22], [sflag:$0x1], $0x80, $0x38;
	[tilespmem:$0x1E700] =	vst v63  }
0xe8: {  	_ =	swait.ge [sflag:s20], $0x1000  }
0xe9: {  	[sflag:s20] =	ssyncset.done $0x0  }
0xea: {  	s22 =	simm.s32 $0x1A7F0;
	[sflag:s20] =	ssyncadd.s32 $0xFFFFF000  }
0xeb: {  	v0 =	vld [tilespmem:s22+$0xFFFFFF70]  }
0xec: {  	v1 =	vld [tilespmem:s22+$0xFFFFFF80]  }
0xed: {  	v2 =	vld [tilespmem:s22+$0xFFFFFF10]  }
0xee: {  	v3 =	vld [tilespmem:s22+$0xFFFFFF30]  }
0xef: {  	v4 =	vld [tilespmem:s22+$0xFFFFFF60]  }
0xf0: {  	v5 =	vld [tilespmem:s22+$0xFFFFFF40]  }
0xf1: {  	v6 =	vld [tilespmem:s22+$0xFFFFFF50]  }
0xf2: {  	v7 =	vld [tilespmem:s22+$0xFFFFFF20]  }
0xf3: {  	v0 =	vld.idx.msk [tilespmem:v0+s1+$0x0], $0xffff  }
0xf4: {  	v1 =	vld.idx.msk [tilespmem:v1+s1+$0x0], $0xffff  }
0xf5: {  	v2 =	vld.idx.msk [tilespmem:v2+s1+$0x0], $0xffff  }
0xf6: {  	v3 =	vld.idx.msk [tilespmem:v3+s1+$0x0], $0xffff  }
0xf7: {  	v4 =	vld.idx.msk [tilespmem:v4+s1+$0x0], $0xffff  }
0xf8: {  	v5 =	vld.idx.msk [tilespmem:v5+s1+$0x0], $0xffff  }
0xf9: {  	s23 =	simm.s32 $0x1C800;
	v6 =	vld.idx.msk [tilespmem:v6+s1+$0x0], $0xffff  }
0xfa: {  	v7 =	vld.idx.msk [tilespmem:v7+s1+$0x0], $0xffff;
	[tilespmem:s23+$0xFFFFFF70] =	vst v1  }
0xfb: {  	[tilespmem:s23+$0xFFFFFF00] =	vst v2  }
0xfc: {  	[tilespmem:s23+$0xFFFFFF20] =	vst v3  }
0xfd: {  	[tilespmem:s23+$0xFFFFFF50] =	vst v4  }
0xfe: {  	[tilespmem:s23+$0xFFFFFF40] =	vst v6  }
0xff: {  	[tilespmem:s23+$0xFFFFFF30] =	vst v5  }
0x100: {  	[tilespmem:s23+$0xFFFFFF10] =	vst v7  }
0x101: {  	[tilespmem:s23+$0xFFFFFF60] =	vst v0  }
0x102: {  	v0 =	vld [tilespmem:s22+$0x0]  }
0x103: {  	v6 =	vld [tilespmem:s22+$0xFFFFFFA0]  }
0x104: {  	v7 =	vld [tilespmem:s22+$0xFFFFFFB0]  }
0x105: {  	v8 =	vld [tilespmem:s22+$0xFFFFFFF0]  }
0x106: {  	v5 =	vld [tilespmem:s22+$0xFFFFFFD0]  }
0x107: {  	v2 =	vld [tilespmem:s22+$0xFFFFFFE0]  }
0x108: {  	v3 =	vld [tilespmem:s22+$0xFFFFFF90]  }
0x109: {  	v4 =	vld [tilespmem:s22+$0xFFFFFFC0]  }
0x10a: {  	v1 =	vld.idx.msk [tilespmem:v0+s1+$0x0], $0xffff  }
0x10b: {  	v0 =	vld.idx.msk [tilespmem:v6+s1+$0x0], $0xffff  }
0x10c: {  	v7 =	vld.idx.msk [tilespmem:v7+s1+$0x0], $0xffff  }
0x10d: {  	s25 =	simm.s32 $0x0;
	s24 =	simm.s32 $0x1C800;
	v6 =	vld.idx.msk [tilespmem:v8+s1+$0x0], $0xffff  }
.LBB2_10:
0x10e: {  	s25 =	sadd.s32 $0x2, s25;
	v5 =	vld.idx.msk [tilespmem:v5+s1+$0x0], $0xffff;
	s22 =	sadd.s32 $0x100, s22;
	s23 =	sadd.s32 $0x200, s23  }
0x10f: {  	p0 =	slt.u32 s25, $0x1E;
	v2 =	vld.idx.msk [tilespmem:v2+s1+$0x0], $0xffff  }
0x110: {  	v3 =	vld.idx.msk [tilespmem:v3+s1+$0x0], $0xffff  }
0x111: {  	v4 =	vld.idx.msk [tilespmem:v4+s1+$0x0], $0xffff  }
0x112: {  	[tilespmem:s24+$0x20] =	vst v7  }
0x113: {  	[tilespmem:s24+$0x70] =	vst v1  }
0x114: {  	[tilespmem:s24+$0x60] =	vst v6  }
0x115: {  	[tilespmem:s24+$0x50] =	vst v2  }
0x116: {  	[tilespmem:s24+$0x0] =	vst v3  }
0x117: {  	[tilespmem:s24+$0x40] =	vst v5  }
0x118: {  	[tilespmem:s24+$0x30] =	vst v4  }
0x119: {  	[tilespmem:s24+$0x10] =	vst v0;
	s24 =	smov.u32 s23  }
0x11a: {  	v0 =	vld [tilespmem:s22+$0xFFFFFF70]  }
0x11b: {  	v1 =	vld [tilespmem:s22+$0xFFFFFF80]  }
0x11c: {  	v2 =	vld [tilespmem:s22+$0xFFFFFF10]  }
0x11d: {  	v3 =	vld [tilespmem:s22+$0xFFFFFF30]  }
0x11e: {  	v4 =	vld [tilespmem:s22+$0xFFFFFF60]  }
0x11f: {  	v5 =	vld [tilespmem:s22+$0xFFFFFF40]  }
0x120: {  	v6 =	vld [tilespmem:s22+$0xFFFFFF50]  }
0x121: {  	v7 =	vld [tilespmem:s22+$0xFFFFFF20]  }
0x122: {  	v0 =	vld.idx.msk [tilespmem:v0+s1+$0x0], $0xffff  }
0x123: {  	v1 =	vld.idx.msk [tilespmem:v1+s1+$0x0], $0xffff  }
0x124: {  	v2 =	vld.idx.msk [tilespmem:v2+s1+$0x0], $0xffff  }
0x125: {  	v3 =	vld.idx.msk [tilespmem:v3+s1+$0x0], $0xffff  }
0x126: {  	v4 =	vld.idx.msk [tilespmem:v4+s1+$0x0], $0xffff  }
0x127: {  	v5 =	vld.idx.msk [tilespmem:v5+s1+$0x0], $0xffff  }
0x128: {  	v6 =	vld.idx.msk [tilespmem:v6+s1+$0x0], $0xffff  }
0x129: {  	v7 =	vld.idx.msk [tilespmem:v7+s1+$0x0], $0xffff  }
0x12a: {  	[tilespmem:s23+$0xFFFFFF70] =	vst v1  }
0x12b: {  	[tilespmem:s23+$0xFFFFFF00] =	vst v2  }
0x12c: {  	[tilespmem:s23+$0xFFFFFF20] =	vst v3  }
0x12d: {  	[tilespmem:s23+$0xFFFFFF50] =	vst v4  }
0x12e: {  	[tilespmem:s23+$0xFFFFFF40] =	vst v6  }
0x12f: {  	[tilespmem:s23+$0xFFFFFF30] =	vst v5  }
0x130: {  	[tilespmem:s23+$0xFFFFFF10] =	vst v7  }
0x131: {  	[tilespmem:s23+$0xFFFFFF60] =	vst v0  }
0x132: {  	v0 =	vld [tilespmem:s22+$0x0]  }
0x133: {  	v6 =	vld [tilespmem:s22+$0xFFFFFFA0]  }
0x134: {  	v7 =	vld [tilespmem:s22+$0xFFFFFFB0]  }
0x135: {  	v8 =	vld [tilespmem:s22+$0xFFFFFFF0]  }
0x136: {  	v5 =	vld [tilespmem:s22+$0xFFFFFFD0]  }
0x137: {  	v2 =	vld [tilespmem:s22+$0xFFFFFFE0]  }
0x138: {  	v3 =	vld [tilespmem:s22+$0xFFFFFF90]  }
.Ltmp4:
0x139: {  	v4 =	vld [tilespmem:s22+$0xFFFFFFC0];
	(pc) =	sbr.rel @p0 .LBB2_10-.Ltmp4, $4  }
0x13a: {  	v1 =	vld.idx.msk [tilespmem:v0+s1+$0x0], $0xffff  }
0x13b: {  	v0 =	vld.idx.msk [tilespmem:v6+s1+$0x0], $0xffff  }
0x13c: {  	v7 =	vld.idx.msk [tilespmem:v7+s1+$0x0], $0xffff  }
0x13d: {  	v6 =	vld.idx.msk [tilespmem:v8+s1+$0x0], $0xffff  }
0x13e: {  	_ =	sdelay $0x3  }
0x13f: {  	v5 =	vld.idx.msk [tilespmem:v5+s1+$0x0], $0xffff  }
0x140: {  	v2 =	vld.idx.msk [tilespmem:v2+s1+$0x0], $0xffff  }
0x141: {  	v3 =	vld.idx.msk [tilespmem:v3+s1+$0x0], $0xffff  }
0x142: {  	v4 =	vld.idx.msk [tilespmem:v4+s1+$0x0], $0xffff;
	[tilespmem:s24+$0x70] =	vst v1  }
0x143: {  	[tilespmem:s24+$0x10] =	vst v0  }
0x144: {  	[tilespmem:s24+$0x20] =	vst v7  }
0x145: {  	[tilespmem:s24+$0x60] =	vst v6  }
0x146: {  	[tilespmem:s24+$0x50] =	vst v2  }
0x147: {  	[tilespmem:s24+$0x0] =	vst v3  }
0x148: {  	s22 =	simm.s32 $0x1C700;
	[tilespmem:s24+$0x40] =	vst v5  }
0x149: {  	s23 =	simm.s32 $0x80;
	s25 =	sadd.s32 $0x0, s7;
	[tilespmem:s24+$0x30] =	vst v4;
	s24 =	simm.s32 $0x1C800  }
.LBB2_12:
0x14a: {  	[hbm4b:s25+s1] =	stream.linear.scatter [tilespmem:s22], [sflag:$0x1], $0x80, $0x38;
	[tilespmem:$0x1E700] =	vst v63  }
0x14b: {  	s25 =	smov.u32 s23;
	s22 =	smov.u32 s24;
	p0 =	sne.s32 s23, $0xF80  }
.Ltmp5:
0x14c: {  	s23 =	sadd.s32 $0x80, s23;
	(pc) =	sbr.rel @p0 .LBB2_12-.Ltmp5, $2  }
0x14d: {  	_ =	sdelay $0x2  }
0x14e: {  	s24 =	sadd.s32 $0x100, s24;
	s25 =	sadd.s32 s25, s7  }
0x14f: {  	[hbm4b:s25+s1] =	stream.linear.scatter [tilespmem:s22], [sflag:$0x1], $0x80, $0x38;
	[tilespmem:$0x1E700] =	vst v63  }
0x150: {  	_ =	swait.ge [sflag:s20], $0x1000  }
0x151: {  	[sflag:s20] =	ssyncset.done $0x0  }
0x152: {  	s22 =	simm.s32 $0x1B7F0;
	[sflag:s20] =	ssyncadd.s32 $0xFFFFF000  }
0x153: {  	v0 =	vld [tilespmem:s22+$0xFFFFFF70]  }
0x154: {  	v1 =	vld [tilespmem:s22+$0xFFFFFF80]  }
0x155: {  	v2 =	vld [tilespmem:s22+$0xFFFFFF10]  }
0x156: {  	v3 =	vld [tilespmem:s22+$0xFFFFFF30]  }
0x157: {  	v4 =	vld [tilespmem:s22+$0xFFFFFF60]  }
0x158: {  	v5 =	vld [tilespmem:s22+$0xFFFFFF40]  }
0x159: {  	v6 =	vld [tilespmem:s22+$0xFFFFFF50]  }
0x15a: {  	v7 =	vld [tilespmem:s22+$0xFFFFFF20]  }
0x15b: {  	v0 =	vld.idx.msk [tilespmem:v0+s1+$0x0], $0xffff  }
0x15c: {  	v1 =	vld.idx.msk [tilespmem:v1+s1+$0x0], $0xffff  }
0x15d: {  	v2 =	vld.idx.msk [tilespmem:v2+s1+$0x0], $0xffff  }
0x15e: {  	v3 =	vld.idx.msk [tilespmem:v3+s1+$0x0], $0xffff  }
0x15f: {  	v4 =	vld.idx.msk [tilespmem:v4+s1+$0x0], $0xffff  }
0x160: {  	v5 =	vld.idx.msk [tilespmem:v5+s1+$0x0], $0xffff  }
0x161: {  	s23 =	simm.s32 $0x1C880;
	v6 =	vld.idx.msk [tilespmem:v6+s1+$0x0], $0xffff  }
0x162: {  	v7 =	vld.idx.msk [tilespmem:v7+s1+$0x0], $0xffff;
	[tilespmem:s23+$0xFFFFFF70] =	vst v1  }
0x163: {  	[tilespmem:s23+$0xFFFFFF00] =	vst v2  }
0x164: {  	[tilespmem:s23+$0xFFFFFF20] =	vst v3  }
0x165: {  	[tilespmem:s23+$0xFFFFFF50] =	vst v4  }
0x166: {  	[tilespmem:s23+$0xFFFFFF40] =	vst v6  }
0x167: {  	[tilespmem:s23+$0xFFFFFF30] =	vst v5  }
0x168: {  	[tilespmem:s23+$0xFFFFFF10] =	vst v7  }
0x169: {  	[tilespmem:s23+$0xFFFFFF60] =	vst v0  }
0x16a: {  	v0 =	vld [tilespmem:s22+$0x0]  }
0x16b: {  	v6 =	vld [tilespmem:s22+$0xFFFFFFA0]  }
0x16c: {  	v7 =	vld [tilespmem:s22+$0xFFFFFFB0]  }
0x16d: {  	v8 =	vld [tilespmem:s22+$0xFFFFFFF0]  }
0x16e: {  	v5 =	vld [tilespmem:s22+$0xFFFFFFD0]  }
0x16f: {  	v2 =	vld [tilespmem:s22+$0xFFFFFFE0]  }
0x170: {  	v3 =	vld [tilespmem:s22+$0xFFFFFF90]  }
0x171: {  	v4 =	vld [tilespmem:s22+$0xFFFFFFC0]  }
0x172: {  	v1 =	vld.idx.msk [tilespmem:v0+s1+$0x0], $0xffff  }
0x173: {  	v0 =	vld.idx.msk [tilespmem:v6+s1+$0x0], $0xffff  }
0x174: {  	v7 =	vld.idx.msk [tilespmem:v7+s1+$0x0], $0xffff  }
0x175: {  	s25 =	simm.s32 $0x0;
	s24 =	simm.s32 $0x1C880;
	v6 =	vld.idx.msk [tilespmem:v8+s1+$0x0], $0xffff  }
.LBB2_14:
0x176: {  	s25 =	sadd.s32 $0x2, s25;
	v5 =	vld.idx.msk [tilespmem:v5+s1+$0x0], $0xffff;
	s22 =	sadd.s32 $0x100, s22;
	s23 =	sadd.s32 $0x200, s23  }
0x177: {  	p0 =	slt.u32 s25, $0x1E;
	v2 =	vld.idx.msk [tilespmem:v2+s1+$0x0], $0xffff  }
0x178: {  	v3 =	vld.idx.msk [tilespmem:v3+s1+$0x0], $0xffff  }
0x179: {  	v4 =	vld.idx.msk [tilespmem:v4+s1+$0x0], $0xffff  }
0x17a: {  	[tilespmem:s24+$0x20] =	vst v7  }
0x17b: {  	[tilespmem:s24+$0x70] =	vst v1  }
0x17c: {  	[tilespmem:s24+$0x60] =	vst v6  }
0x17d: {  	[tilespmem:s24+$0x50] =	vst v2  }
0x17e: {  	[tilespmem:s24+$0x0] =	vst v3  }
0x17f: {  	[tilespmem:s24+$0x40] =	vst v5  }
0x180: {  	[tilespmem:s24+$0x30] =	vst v4  }
0x181: {  	[tilespmem:s24+$0x10] =	vst v0;
	s24 =	smov.u32 s23  }
0x182: {  	v0 =	vld [tilespmem:s22+$0xFFFFFF70]  }
0x183: {  	v1 =	vld [tilespmem:s22+$0xFFFFFF80]  }
0x184: {  	v2 =	vld [tilespmem:s22+$0xFFFFFF10]  }
0x185: {  	v3 =	vld [tilespmem:s22+$0xFFFFFF30]  }
0x186: {  	v4 =	vld [tilespmem:s22+$0xFFFFFF60]  }
0x187: {  	v5 =	vld [tilespmem:s22+$0xFFFFFF40]  }
0x188: {  	v6 =	vld [tilespmem:s22+$0xFFFFFF50]  }
0x189: {  	v7 =	vld [tilespmem:s22+$0xFFFFFF20]  }
0x18a: {  	v0 =	vld.idx.msk [tilespmem:v0+s1+$0x0], $0xffff  }
0x18b: {  	v1 =	vld.idx.msk [tilespmem:v1+s1+$0x0], $0xffff  }
0x18c: {  	v2 =	vld.idx.msk [tilespmem:v2+s1+$0x0], $0xffff  }
0x18d: {  	v3 =	vld.idx.msk [tilespmem:v3+s1+$0x0], $0xffff  }
0x18e: {  	v4 =	vld.idx.msk [tilespmem:v4+s1+$0x0], $0xffff  }
0x18f: {  	v5 =	vld.idx.msk [tilespmem:v5+s1+$0x0], $0xffff  }
0x190: {  	v6 =	vld.idx.msk [tilespmem:v6+s1+$0x0], $0xffff  }
0x191: {  	v7 =	vld.idx.msk [tilespmem:v7+s1+$0x0], $0xffff  }
0x192: {  	[tilespmem:s23+$0xFFFFFF70] =	vst v1  }
0x193: {  	[tilespmem:s23+$0xFFFFFF00] =	vst v2  }
0x194: {  	[tilespmem:s23+$0xFFFFFF20] =	vst v3  }
0x195: {  	[tilespmem:s23+$0xFFFFFF50] =	vst v4  }
0x196: {  	[tilespmem:s23+$0xFFFFFF40] =	vst v6  }
0x197: {  	[tilespmem:s23+$0xFFFFFF30] =	vst v5  }
0x198: {  	[tilespmem:s23+$0xFFFFFF10] =	vst v7  }
0x199: {  	[tilespmem:s23+$0xFFFFFF60] =	vst v0  }
0x19a: {  	v0 =	vld [tilespmem:s22+$0x0]  }
0x19b: {  	v6 =	vld [tilespmem:s22+$0xFFFFFFA0]  }
0x19c: {  	v7 =	vld [tilespmem:s22+$0xFFFFFFB0]  }
0x19d: {  	v8 =	vld [tilespmem:s22+$0xFFFFFFF0]  }
0x19e: {  	v5 =	vld [tilespmem:s22+$0xFFFFFFD0]  }
0x19f: {  	v2 =	vld [tilespmem:s22+$0xFFFFFFE0]  }
0x1a0: {  	v3 =	vld [tilespmem:s22+$0xFFFFFF90]  }
.Ltmp6:
0x1a1: {  	v4 =	vld [tilespmem:s22+$0xFFFFFFC0];
	(pc) =	sbr.rel @p0 .LBB2_14-.Ltmp6, $4  }
0x1a2: {  	v1 =	vld.idx.msk [tilespmem:v0+s1+$0x0], $0xffff  }
0x1a3: {  	v0 =	vld.idx.msk [tilespmem:v6+s1+$0x0], $0xffff  }
0x1a4: {  	v7 =	vld.idx.msk [tilespmem:v7+s1+$0x0], $0xffff  }
0x1a5: {  	v6 =	vld.idx.msk [tilespmem:v8+s1+$0x0], $0xffff  }
0x1a6: {  	_ =	sdelay $0x3  }
0x1a7: {  	v5 =	vld.idx.msk [tilespmem:v5+s1+$0x0], $0xffff  }
0x1a8: {  	v2 =	vld.idx.msk [tilespmem:v2+s1+$0x0], $0xffff  }
0x1a9: {  	v3 =	vld.idx.msk [tilespmem:v3+s1+$0x0], $0xffff  }
0x1aa: {  	v4 =	vld.idx.msk [tilespmem:v4+s1+$0x0], $0xffff;
	[tilespmem:s24+$0x70] =	vst v1  }
0x1ab: {  	[tilespmem:s24+$0x10] =	vst v0  }
0x1ac: {  	[tilespmem:s24+$0x20] =	vst v7  }
0x1ad: {  	[tilespmem:s24+$0x60] =	vst v6  }
0x1ae: {  	[tilespmem:s24+$0x50] =	vst v2  }
0x1af: {  	[tilespmem:s24+$0x0] =	vst v3  }
0x1b0: {  	s22 =	simm.s32 $0x1C780;
	[tilespmem:s24+$0x40] =	vst v5  }
0x1b1: {  	s23 =	simm.s32 $0x80;
	s25 =	sadd.s32 $0x0, s8;
	[tilespmem:s24+$0x30] =	vst v4;
	s24 =	simm.s32 $0x1C880  }
.LBB2_16:
0x1b2: {  	[hbm4b:s25+s1] =	stream.linear.scatter [tilespmem:s22], [sflag:$0x1], $0x80, $0x38;
	[tilespmem:$0x1E700] =	vst v63  }
0x1b3: {  	s25 =	smov.u32 s23;
	s22 =	smov.u32 s24;
	p0 =	sne.s32 s23, $0xF80  }
.Ltmp7:
0x1b4: {  	s23 =	sadd.s32 $0x80, s23;
	(pc) =	sbr.rel @p0 .LBB2_16-.Ltmp7, $2  }
0x1b5: {  	_ =	sdelay $0x2  }
0x1b6: {  	s24 =	sadd.s32 $0x100, s24;
	s25 =	sadd.s32 s25, s8  }
0x1b7: {  	[hbm4b:s25+s1] =	stream.linear.scatter [tilespmem:s22], [sflag:$0x1], $0x80, $0x38;
	[tilespmem:$0x1E700] =	vst v63  }
0x1b8: {  	_ = 	snop  }
0x1b9: {  	[tilespmem:s1], [sflag:$0x3] =	stream.strided.gather [hbm4b:s9+s15], $0x18700, s16, s15, $0x38;
	[tilespmem:$0x1E700] =	vst v63  }
0x1ba: {  	_ =	swait.ge [sflag:s18], $0x18700  }
0x1bb: {  	[sflag:s18] =	ssyncset.done $0x0  }
0x1bc: {  	[sflag:s18] =	ssyncadd.s32 $0xFFFE7900  }
0x1bd: {  	_ =	swait.ge [sflag:s20], $0x1000  }
0x1be: {  	[sflag:s20] =	ssyncset.done $0x0  }
0x1bf: {  	s22 =	simm.s32 $0x18780;
	[sflag:s20] =	ssyncadd.s32 $0xFFFFF000  }
0x1c0: {  	v0 =	vld [tilespmem:s22+$0xFFFFFFE0]  }
0x1c1: {  	v1 =	vld [tilespmem:s22+$0xFFFFFFF0]  }
0x1c2: {  	v2 =	vld [tilespmem:s22+$0xFFFFFF80]  }
0x1c3: {  	v3 =	vld [tilespmem:s22+$0xFFFFFFA0]  }
0x1c4: {  	v4 =	vld [tilespmem:s22+$0xFFFFFFD0]  }
0x1c5: {  	v5 =	vld [tilespmem:s22+$0xFFFFFFB0]  }
0x1c6: {  	v6 =	vld [tilespmem:s22+$0xFFFFFFC0]  }
0x1c7: {  	v7 =	vld [tilespmem:s22+$0xFFFFFF90]  }
0x1c8: {  	v0 =	vld.idx.msk [tilespmem:v0+s1+$0x0], $0xffff  }
0x1c9: {  	v1 =	vld.idx.msk [tilespmem:v1+s1+$0x0], $0xffff  }
0x1ca: {  	v2 =	vld.idx.msk [tilespmem:v2+s1+$0x0], $0xffff  }
0x1cb: {  	v3 =	vld.idx.msk [tilespmem:v3+s1+$0x0], $0xffff  }
0x1cc: {  	v4 =	vld.idx.msk [tilespmem:v4+s1+$0x0], $0xffff  }
0x1cd: {  	v5 =	vld.idx.msk [tilespmem:v5+s1+$0x0], $0xffff  }
0x1ce: {  	s23 =	simm.s32 $0x1C800;
	v6 =	vld.idx.msk [tilespmem:v6+s1+$0x0], $0xffff  }
0x1cf: {  	v7 =	vld.idx.msk [tilespmem:v7+s1+$0x0], $0xffff;
	[tilespmem:s23+$0xFFFFFF70] =	vst v1  }
0x1d0: {  	[tilespmem:s23+$0xFFFFFF00] =	vst v2  }
0x1d1: {  	[tilespmem:s23+$0xFFFFFF20] =	vst v3  }
0x1d2: {  	[tilespmem:s23+$0xFFFFFF50] =	vst v4  }
0x1d3: {  	[tilespmem:s23+$0xFFFFFF40] =	vst v6  }
0x1d4: {  	[tilespmem:s23+$0xFFFFFF30] =	vst v5  }
0x1d5: {  	[tilespmem:s23+$0xFFFFFF10] =	vst v7  }
0x1d6: {  	[tilespmem:s23+$0xFFFFFF60] =	vst v0  }
0x1d7: {  	v0 =	vld [tilespmem:s22+$0x70]  }
0x1d8: {  	v6 =	vld [tilespmem:s22+$0x10]  }
0x1d9: {  	v7 =	vld [tilespmem:s22+$0x20]  }
0x1da: {  	v8 =	vld [tilespmem:s22+$0x60]  }
0x1db: {  	v5 =	vld [tilespmem:s22+$0x40]  }
0x1dc: {  	v2 =	vld [tilespmem:s22+$0x50]  }
0x1dd: {  	v3 =	vld [tilespmem:s22+$0x0]  }
0x1de: {  	v4 =	vld [tilespmem:s22+$0x30]  }
0x1df: {  	v1 =	vld.idx.msk [tilespmem:v0+s1+$0x0], $0xffff  }
0x1e0: {  	v0 =	vld.idx.msk [tilespmem:v6+s1+$0x0], $0xffff  }
0x1e1: {  	v7 =	vld.idx.msk [tilespmem:v7+s1+$0x0], $0xffff  }
0x1e2: {  	s25 =	simm.s32 $0x0;
	s24 =	simm.s32 $0x1C800;
	v6 =	vld.idx.msk [tilespmem:v8+s1+$0x0], $0xffff  }
.LBB2_18:
0x1e3: {  	s25 =	sadd.s32 $0x2, s25;
	v5 =	vld.idx.msk [tilespmem:v5+s1+$0x0], $0xffff;
	s23 =	sadd.s32 $0x200, s23;
	s22 =	sadd.s32 $0x100, s22  }
0x1e4: {  	p0 =	slt.u32 s25, $0x1E;
	v2 =	vld.idx.msk [tilespmem:v2+s1+$0x0], $0xffff  }
0x1e5: {  	v3 =	vld.idx.msk [tilespmem:v3+s1+$0x0], $0xffff  }
0x1e6: {  	v4 =	vld.idx.msk [tilespmem:v4+s1+$0x0], $0xffff  }
0x1e7: {  	[tilespmem:s24+$0x20] =	vst v7  }
0x1e8: {  	[tilespmem:s24+$0x70] =	vst v1  }
0x1e9: {  	[tilespmem:s24+$0x60] =	vst v6  }
0x1ea: {  	[tilespmem:s24+$0x50] =	vst v2  }
0x1eb: {  	[tilespmem:s24+$0x0] =	vst v3  }
0x1ec: {  	[tilespmem:s24+$0x40] =	vst v5  }
0x1ed: {  	[tilespmem:s24+$0x30] =	vst v4  }
0x1ee: {  	[tilespmem:s24+$0x10] =	vst v0;
	s24 =	smov.u32 s23  }
0x1ef: {  	v0 =	vld [tilespmem:s22+$0xFFFFFFE0]  }
0x1f0: {  	v1 =	vld [tilespmem:s22+$0xFFFFFFF0]  }
0x1f1: {  	v2 =	vld [tilespmem:s22+$0xFFFFFF80]  }
0x1f2: {  	v3 =	vld [tilespmem:s22+$0xFFFFFFA0]  }
0x1f3: {  	v4 =	vld [tilespmem:s22+$0xFFFFFFD0]  }
0x1f4: {  	v5 =	vld [tilespmem:s22+$0xFFFFFFB0]  }
0x1f5: {  	v6 =	vld [tilespmem:s22+$0xFFFFFFC0]  }
0x1f6: {  	v7 =	vld [tilespmem:s22+$0xFFFFFF90]  }
0x1f7: {  	v0 =	vld.idx.msk [tilespmem:v0+s1+$0x0], $0xffff  }
0x1f8: {  	v1 =	vld.idx.msk [tilespmem:v1+s1+$0x0], $0xffff  }
0x1f9: {  	v2 =	vld.idx.msk [tilespmem:v2+s1+$0x0], $0xffff  }
0x1fa: {  	v3 =	vld.idx.msk [tilespmem:v3+s1+$0x0], $0xffff  }
0x1fb: {  	v4 =	vld.idx.msk [tilespmem:v4+s1+$0x0], $0xffff  }
0x1fc: {  	v5 =	vld.idx.msk [tilespmem:v5+s1+$0x0], $0xffff  }
0x1fd: {  	v6 =	vld.idx.msk [tilespmem:v6+s1+$0x0], $0xffff  }
0x1fe: {  	v7 =	vld.idx.msk [tilespmem:v7+s1+$0x0], $0xffff  }
0x1ff: {  	[tilespmem:s23+$0xFFFFFF70] =	vst v1  }
0x200: {  	[tilespmem:s23+$0xFFFFFF00] =	vst v2  }
0x201: {  	[tilespmem:s23+$0xFFFFFF20] =	vst v3  }
0x202: {  	[tilespmem:s23+$0xFFFFFF50] =	vst v4  }
0x203: {  	[tilespmem:s23+$0xFFFFFF40] =	vst v6  }
0x204: {  	[tilespmem:s23+$0xFFFFFF30] =	vst v5  }
0x205: {  	[tilespmem:s23+$0xFFFFFF10] =	vst v7  }
0x206: {  	[tilespmem:s23+$0xFFFFFF60] =	vst v0  }
0x207: {  	v0 =	vld [tilespmem:s22+$0x70]  }
0x208: {  	v6 =	vld [tilespmem:s22+$0x10]  }
0x209: {  	v7 =	vld [tilespmem:s22+$0x20]  }
0x20a: {  	v8 =	vld [tilespmem:s22+$0x60]  }
0x20b: {  	v5 =	vld [tilespmem:s22+$0x40]  }
0x20c: {  	v2 =	vld [tilespmem:s22+$0x50]  }
0x20d: {  	v3 =	vld [tilespmem:s22+$0x0]  }
.Ltmp8:
0x20e: {  	v4 =	vld [tilespmem:s22+$0x30];
	(pc) =	sbr.rel @p0 .LBB2_18-.Ltmp8, $4  }
0x20f: {  	v1 =	vld.idx.msk [tilespmem:v0+s1+$0x0], $0xffff  }
0x210: {  	v0 =	vld.idx.msk [tilespmem:v6+s1+$0x0], $0xffff  }
0x211: {  	v7 =	vld.idx.msk [tilespmem:v7+s1+$0x0], $0xffff  }
0x212: {  	v6 =	vld.idx.msk [tilespmem:v8+s1+$0x0], $0xffff  }
0x213: {  	_ =	sdelay $0x3  }
0x214: {  	v5 =	vld.idx.msk [tilespmem:v5+s1+$0x0], $0xffff  }
0x215: {  	v2 =	vld.idx.msk [tilespmem:v2+s1+$0x0], $0xffff  }
0x216: {  	v3 =	vld.idx.msk [tilespmem:v3+s1+$0x0], $0xffff  }
0x217: {  	v4 =	vld.idx.msk [tilespmem:v4+s1+$0x0], $0xffff;
	[tilespmem:s24+$0x70] =	vst v1  }
0x218: {  	[tilespmem:s24+$0x10] =	vst v0  }
0x219: {  	[tilespmem:s24+$0x20] =	vst v7  }
0x21a: {  	[tilespmem:s24+$0x60] =	vst v6  }
0x21b: {  	[tilespmem:s24+$0x50] =	vst v2  }
0x21c: {  	[tilespmem:s24+$0x0] =	vst v3  }
0x21d: {  	s22 =	simm.s32 $0x1C700;
	[tilespmem:s24+$0x40] =	vst v5  }
0x21e: {  	s23 =	simm.s32 $0x80;
	s25 =	sadd.s32 $0x0, s10;
	[tilespmem:s24+$0x30] =	vst v4;
	s24 =	simm.s32 $0x1C800  }
.LBB2_20:
0x21f: {  	[hbm4b:s25+s1] =	stream.linear.scatter [tilespmem:s22], [sflag:$0x1], $0x80, $0x38;
	[tilespmem:$0x1E700] =	vst v63  }
0x220: {  	s25 =	smov.u32 s23;
	s22 =	smov.u32 s24;
	p0 =	sne.s32 s23, $0xF80  }
.Ltmp9:
0x221: {  	s23 =	sadd.s32 $0x80, s23;
	(pc) =	sbr.rel @p0 .LBB2_20-.Ltmp9, $2  }
0x222: {  	_ =	sdelay $0x2  }
0x223: {  	s24 =	sadd.s32 $0x100, s24;
	s25 =	sadd.s32 s25, s10  }
0x224: {  	[hbm4b:s25+s1] =	stream.linear.scatter [tilespmem:s22], [sflag:$0x1], $0x80, $0x38;
	[tilespmem:$0x1E700] =	vst v63  }
0x225: {  	_ =	swait.ge [sflag:s20], $0x1000  }
0x226: {  	[sflag:s20] =	ssyncset.done $0x0  }
0x227: {  	s22 =	simm.s32 $0x197F0;
	[sflag:s20] =	ssyncadd.s32 $0xFFFFF000  }
0x228: {  	v0 =	vld [tilespmem:s22+$0xFFFFFF70]  }
0x229: {  	v1 =	vld [tilespmem:s22+$0xFFFFFF80]  }
0x22a: {  	v2 =	vld [tilespmem:s22+$0xFFFFFF10]  }
0x22b: {  	v3 =	vld [tilespmem:s22+$0xFFFFFF30]  }
0x22c: {  	v4 =	vld [tilespmem:s22+$0xFFFFFF60]  }
0x22d: {  	v5 =	vld [tilespmem:s22+$0xFFFFFF40]  }
0x22e: {  	v6 =	vld [tilespmem:s22+$0xFFFFFF50]  }
0x22f: {  	v7 =	vld [tilespmem:s22+$0xFFFFFF20]  }
0x230: {  	v0 =	vld.idx.msk [tilespmem:v0+s1+$0x0], $0xffff  }
0x231: {  	v1 =	vld.idx.msk [tilespmem:v1+s1+$0x0], $0xffff  }
0x232: {  	v2 =	vld.idx.msk [tilespmem:v2+s1+$0x0], $0xffff  }
0x233: {  	v3 =	vld.idx.msk [tilespmem:v3+s1+$0x0], $0xffff  }
0x234: {  	v4 =	vld.idx.msk [tilespmem:v4+s1+$0x0], $0xffff  }
0x235: {  	v5 =	vld.idx.msk [tilespmem:v5+s1+$0x0], $0xffff  }
0x236: {  	s23 =	simm.s32 $0x1C880;
	v6 =	vld.idx.msk [tilespmem:v6+s1+$0x0], $0xffff  }
0x237: {  	v7 =	vld.idx.msk [tilespmem:v7+s1+$0x0], $0xffff;
	[tilespmem:s23+$0xFFFFFF70] =	vst v1  }
0x238: {  	[tilespmem:s23+$0xFFFFFF00] =	vst v2  }
0x239: {  	[tilespmem:s23+$0xFFFFFF20] =	vst v3  }
0x23a: {  	[tilespmem:s23+$0xFFFFFF50] =	vst v4  }
0x23b: {  	[tilespmem:s23+$0xFFFFFF40] =	vst v6  }
0x23c: {  	[tilespmem:s23+$0xFFFFFF30] =	vst v5  }
0x23d: {  	[tilespmem:s23+$0xFFFFFF10] =	vst v7  }
0x23e: {  	[tilespmem:s23+$0xFFFFFF60] =	vst v0  }
0x23f: {  	v0 =	vld [tilespmem:s22+$0x0]  }
0x240: {  	v6 =	vld [tilespmem:s22+$0xFFFFFFA0]  }
0x241: {  	v7 =	vld [tilespmem:s22+$0xFFFFFFB0]  }
0x242: {  	v8 =	vld [tilespmem:s22+$0xFFFFFFF0]  }
0x243: {  	v5 =	vld [tilespmem:s22+$0xFFFFFFD0]  }
0x244: {  	v2 =	vld [tilespmem:s22+$0xFFFFFFE0]  }
0x245: {  	v3 =	vld [tilespmem:s22+$0xFFFFFF90]  }
0x246: {  	v4 =	vld [tilespmem:s22+$0xFFFFFFC0]  }
0x247: {  	v1 =	vld.idx.msk [tilespmem:v0+s1+$0x0], $0xffff  }
0x248: {  	v0 =	vld.idx.msk [tilespmem:v6+s1+$0x0], $0xffff  }
0x249: {  	v7 =	vld.idx.msk [tilespmem:v7+s1+$0x0], $0xffff  }
0x24a: {  	s25 =	simm.s32 $0x0;
	s24 =	simm.s32 $0x1C880;
	v6 =	vld.idx.msk [tilespmem:v8+s1+$0x0], $0xffff  }
.LBB2_22:
0x24b: {  	s25 =	sadd.s32 $0x2, s25;
	v5 =	vld.idx.msk [tilespmem:v5+s1+$0x0], $0xffff;
	s22 =	sadd.s32 $0x100, s22;
	s23 =	sadd.s32 $0x200, s23  }
0x24c: {  	p0 =	slt.u32 s25, $0x1E;
	v2 =	vld.idx.msk [tilespmem:v2+s1+$0x0], $0xffff  }
0x24d: {  	v3 =	vld.idx.msk [tilespmem:v3+s1+$0x0], $0xffff  }
0x24e: {  	v4 =	vld.idx.msk [tilespmem:v4+s1+$0x0], $0xffff  }
0x24f: {  	[tilespmem:s24+$0x20] =	vst v7  }
0x250: {  	[tilespmem:s24+$0x70] =	vst v1  }
0x251: {  	[tilespmem:s24+$0x60] =	vst v6  }
0x252: {  	[tilespmem:s24+$0x50] =	vst v2  }
0x253: {  	[tilespmem:s24+$0x0] =	vst v3  }
0x254: {  	[tilespmem:s24+$0x40] =	vst v5  }
0x255: {  	[tilespmem:s24+$0x30] =	vst v4  }
0x256: {  	[tilespmem:s24+$0x10] =	vst v0;
	s24 =	smov.u32 s23  }
0x257: {  	v0 =	vld [tilespmem:s22+$0xFFFFFF70]  }
0x258: {  	v1 =	vld [tilespmem:s22+$0xFFFFFF80]  }
0x259: {  	v2 =	vld [tilespmem:s22+$0xFFFFFF10]  }
0x25a: {  	v3 =	vld [tilespmem:s22+$0xFFFFFF30]  }
0x25b: {  	v4 =	vld [tilespmem:s22+$0xFFFFFF60]  }
0x25c: {  	v5 =	vld [tilespmem:s22+$0xFFFFFF40]  }
0x25d: {  	v6 =	vld [tilespmem:s22+$0xFFFFFF50]  }
0x25e: {  	v7 =	vld [tilespmem:s22+$0xFFFFFF20]  }
0x25f: {  	v0 =	vld.idx.msk [tilespmem:v0+s1+$0x0], $0xffff  }
0x260: {  	v1 =	vld.idx.msk [tilespmem:v1+s1+$0x0], $0xffff  }
0x261: {  	v2 =	vld.idx.msk [tilespmem:v2+s1+$0x0], $0xffff  }
0x262: {  	v3 =	vld.idx.msk [tilespmem:v3+s1+$0x0], $0xffff  }
0x263: {  	v4 =	vld.idx.msk [tilespmem:v4+s1+$0x0], $0xffff  }
0x264: {  	v5 =	vld.idx.msk [tilespmem:v5+s1+$0x0], $0xffff  }
0x265: {  	v6 =	vld.idx.msk [tilespmem:v6+s1+$0x0], $0xffff  }
0x266: {  	v7 =	vld.idx.msk [tilespmem:v7+s1+$0x0], $0xffff  }
0x267: {  	[tilespmem:s23+$0xFFFFFF70] =	vst v1  }
0x268: {  	[tilespmem:s23+$0xFFFFFF00] =	vst v2  }
0x269: {  	[tilespmem:s23+$0xFFFFFF20] =	vst v3  }
0x26a: {  	[tilespmem:s23+$0xFFFFFF50] =	vst v4  }
0x26b: {  	[tilespmem:s23+$0xFFFFFF40] =	vst v6  }
0x26c: {  	[tilespmem:s23+$0xFFFFFF30] =	vst v5  }
0x26d: {  	[tilespmem:s23+$0xFFFFFF10] =	vst v7  }
0x26e: {  	[tilespmem:s23+$0xFFFFFF60] =	vst v0  }
0x26f: {  	v0 =	vld [tilespmem:s22+$0x0]  }
0x270: {  	v6 =	vld [tilespmem:s22+$0xFFFFFFA0]  }
0x271: {  	v7 =	vld [tilespmem:s22+$0xFFFFFFB0]  }
0x272: {  	v8 =	vld [tilespmem:s22+$0xFFFFFFF0]  }
0x273: {  	v5 =	vld [tilespmem:s22+$0xFFFFFFD0]  }
0x274: {  	v2 =	vld [tilespmem:s22+$0xFFFFFFE0]  }
0x275: {  	v3 =	vld [tilespmem:s22+$0xFFFFFF90]  }
.Ltmp10:
0x276: {  	v4 =	vld [tilespmem:s22+$0xFFFFFFC0];
	(pc) =	sbr.rel @p0 .LBB2_22-.Ltmp10, $4  }
0x277: {  	v1 =	vld.idx.msk [tilespmem:v0+s1+$0x0], $0xffff  }
0x278: {  	v0 =	vld.idx.msk [tilespmem:v6+s1+$0x0], $0xffff  }
0x279: {  	v7 =	vld.idx.msk [tilespmem:v7+s1+$0x0], $0xffff  }
0x27a: {  	v6 =	vld.idx.msk [tilespmem:v8+s1+$0x0], $0xffff  }
0x27b: {  	_ =	sdelay $0x3  }
0x27c: {  	v5 =	vld.idx.msk [tilespmem:v5+s1+$0x0], $0xffff  }
0x27d: {  	v2 =	vld.idx.msk [tilespmem:v2+s1+$0x0], $0xffff  }
0x27e: {  	v3 =	vld.idx.msk [tilespmem:v3+s1+$0x0], $0xffff  }
0x27f: {  	v4 =	vld.idx.msk [tilespmem:v4+s1+$0x0], $0xffff;
	[tilespmem:s24+$0x70] =	vst v1  }
0x280: {  	[tilespmem:s24+$0x10] =	vst v0  }
0x281: {  	[tilespmem:s24+$0x20] =	vst v7  }
0x282: {  	[tilespmem:s24+$0x60] =	vst v6  }
0x283: {  	[tilespmem:s24+$0x50] =	vst v2  }
0x284: {  	[tilespmem:s24+$0x0] =	vst v3  }
0x285: {  	s22 =	simm.s32 $0x1C780;
	[tilespmem:s24+$0x40] =	vst v5  }
0x286: {  	s23 =	simm.s32 $0x80;
	s25 =	sadd.s32 $0x0, s11;
	[tilespmem:s24+$0x30] =	vst v4;
	s24 =	simm.s32 $0x1C880  }
.LBB2_24:
0x287: {  	[hbm4b:s25+s1] =	stream.linear.scatter [tilespmem:s22], [sflag:$0x1], $0x80, $0x38;
	[tilespmem:$0x1E700] =	vst v63  }
0x288: {  	s25 =	smov.u32 s23;
	s22 =	smov.u32 s24;
	p0 =	sne.s32 s23, $0xF80  }
.Ltmp11:
0x289: {  	s23 =	sadd.s32 $0x80, s23;
	(pc) =	sbr.rel @p0 .LBB2_24-.Ltmp11, $2  }
0x28a: {  	_ =	sdelay $0x2  }
0x28b: {  	s24 =	sadd.s32 $0x100, s24;
	s25 =	sadd.s32 s25, s11  }
0x28c: {  	[hbm4b:s25+s1] =	stream.linear.scatter [tilespmem:s22], [sflag:$0x1], $0x80, $0x38;
	[tilespmem:$0x1E700] =	vst v63  }
0x28d: {  	_ =	swait.ge [sflag:s20], $0x1000  }
0x28e: {  	[sflag:s20] =	ssyncset.done $0x0  }
0x28f: {  	s22 =	simm.s32 $0x1A7F0;
	[sflag:s20] =	ssyncadd.s32 $0xFFFFF000  }
0x290: {  	v0 =	vld [tilespmem:s22+$0xFFFFFF70]  }
0x291: {  	v1 =	vld [tilespmem:s22+$0xFFFFFF80]  }
0x292: {  	v2 =	vld [tilespmem:s22+$0xFFFFFF10]  }
0x293: {  	v3 =	vld [tilespmem:s22+$0xFFFFFF30]  }
0x294: {  	v4 =	vld [tilespmem:s22+$0xFFFFFF60]  }
0x295: {  	v5 =	vld [tilespmem:s22+$0xFFFFFF40]  }
0x296: {  	v6 =	vld [tilespmem:s22+$0xFFFFFF50]  }
0x297: {  	v7 =	vld [tilespmem:s22+$0xFFFFFF20]  }
0x298: {  	v0 =	vld.idx.msk [tilespmem:v0+s1+$0x0], $0xffff  }
0x299: {  	v1 =	vld.idx.msk [tilespmem:v1+s1+$0x0], $0xffff  }
0x29a: {  	v2 =	vld.idx.msk [tilespmem:v2+s1+$0x0], $0xffff  }
0x29b: {  	v3 =	vld.idx.msk [tilespmem:v3+s1+$0x0], $0xffff  }
0x29c: {  	v4 =	vld.idx.msk [tilespmem:v4+s1+$0x0], $0xffff  }
0x29d: {  	v5 =	vld.idx.msk [tilespmem:v5+s1+$0x0], $0xffff  }
0x29e: {  	s23 =	simm.s32 $0x1C800;
	v6 =	vld.idx.msk [tilespmem:v6+s1+$0x0], $0xffff  }
0x29f: {  	v7 =	vld.idx.msk [tilespmem:v7+s1+$0x0], $0xffff;
	[tilespmem:s23+$0xFFFFFF70] =	vst v1  }
0x2a0: {  	[tilespmem:s23+$0xFFFFFF00] =	vst v2  }
0x2a1: {  	[tilespmem:s23+$0xFFFFFF20] =	vst v3  }
0x2a2: {  	[tilespmem:s23+$0xFFFFFF50] =	vst v4  }
0x2a3: {  	[tilespmem:s23+$0xFFFFFF40] =	vst v6  }
0x2a4: {  	[tilespmem:s23+$0xFFFFFF30] =	vst v5  }
0x2a5: {  	[tilespmem:s23+$0xFFFFFF10] =	vst v7  }
0x2a6: {  	[tilespmem:s23+$0xFFFFFF60] =	vst v0  }
0x2a7: {  	v0 =	vld [tilespmem:s22+$0x0]  }
0x2a8: {  	v6 =	vld [tilespmem:s22+$0xFFFFFFA0]  }
0x2a9: {  	v7 =	vld [tilespmem:s22+$0xFFFFFFB0]  }
0x2aa: {  	v8 =	vld [tilespmem:s22+$0xFFFFFFF0]  }
0x2ab: {  	v5 =	vld [tilespmem:s22+$0xFFFFFFD0]  }
0x2ac: {  	v2 =	vld [tilespmem:s22+$0xFFFFFFE0]  }
0x2ad: {  	v3 =	vld [tilespmem:s22+$0xFFFFFF90]  }
0x2ae: {  	v4 =	vld [tilespmem:s22+$0xFFFFFFC0]  }
0x2af: {  	v1 =	vld.idx.msk [tilespmem:v0+s1+$0x0], $0xffff  }
0x2b0: {  	v0 =	vld.idx.msk [tilespmem:v6+s1+$0x0], $0xffff  }
0x2b1: {  	v7 =	vld.idx.msk [tilespmem:v7+s1+$0x0], $0xffff  }
0x2b2: {  	s25 =	simm.s32 $0x0;
	s24 =	simm.s32 $0x1C800;
	v6 =	vld.idx.msk [tilespmem:v8+s1+$0x0], $0xffff  }
.LBB2_26:
0x2b3: {  	s25 =	sadd.s32 $0x2, s25;
	v5 =	vld.idx.msk [tilespmem:v5+s1+$0x0], $0xffff;
	s22 =	sadd.s32 $0x100, s22;
	s23 =	sadd.s32 $0x200, s23  }
0x2b4: {  	p0 =	slt.u32 s25, $0x1E;
	v2 =	vld.idx.msk [tilespmem:v2+s1+$0x0], $0xffff  }
0x2b5: {  	v3 =	vld.idx.msk [tilespmem:v3+s1+$0x0], $0xffff  }
0x2b6: {  	v4 =	vld.idx.msk [tilespmem:v4+s1+$0x0], $0xffff  }
0x2b7: {  	[tilespmem:s24+$0x20] =	vst v7  }
0x2b8: {  	[tilespmem:s24+$0x70] =	vst v1  }
0x2b9: {  	[tilespmem:s24+$0x60] =	vst v6  }
0x2ba: {  	[tilespmem:s24+$0x50] =	vst v2  }
0x2bb: {  	[tilespmem:s24+$0x0] =	vst v3  }
0x2bc: {  	[tilespmem:s24+$0x40] =	vst v5  }
0x2bd: {  	[tilespmem:s24+$0x30] =	vst v4  }
0x2be: {  	[tilespmem:s24+$0x10] =	vst v0;
	s24 =	smov.u32 s23  }
0x2bf: {  	v0 =	vld [tilespmem:s22+$0xFFFFFF70]  }
0x2c0: {  	v1 =	vld [tilespmem:s22+$0xFFFFFF80]  }
0x2c1: {  	v2 =	vld [tilespmem:s22+$0xFFFFFF10]  }
0x2c2: {  	v3 =	vld [tilespmem:s22+$0xFFFFFF30]  }
0x2c3: {  	v4 =	vld [tilespmem:s22+$0xFFFFFF60]  }
0x2c4: {  	v5 =	vld [tilespmem:s22+$0xFFFFFF40]  }
0x2c5: {  	v6 =	vld [tilespmem:s22+$0xFFFFFF50]  }
0x2c6: {  	v7 =	vld [tilespmem:s22+$0xFFFFFF20]  }
0x2c7: {  	v0 =	vld.idx.msk [tilespmem:v0+s1+$0x0], $0xffff  }
0x2c8: {  	v1 =	vld.idx.msk [tilespmem:v1+s1+$0x0], $0xffff  }
0x2c9: {  	v2 =	vld.idx.msk [tilespmem:v2+s1+$0x0], $0xffff  }
0x2ca: {  	v3 =	vld.idx.msk [tilespmem:v3+s1+$0x0], $0xffff  }
0x2cb: {  	v4 =	vld.idx.msk [tilespmem:v4+s1+$0x0], $0xffff  }
0x2cc: {  	v5 =	vld.idx.msk [tilespmem:v5+s1+$0x0], $0xffff  }
0x2cd: {  	v6 =	vld.idx.msk [tilespmem:v6+s1+$0x0], $0xffff  }
0x2ce: {  	v7 =	vld.idx.msk [tilespmem:v7+s1+$0x0], $0xffff  }
0x2cf: {  	[tilespmem:s23+$0xFFFFFF70] =	vst v1  }
0x2d0: {  	[tilespmem:s23+$0xFFFFFF00] =	vst v2  }
0x2d1: {  	[tilespmem:s23+$0xFFFFFF20] =	vst v3  }
0x2d2: {  	[tilespmem:s23+$0xFFFFFF50] =	vst v4  }
0x2d3: {  	[tilespmem:s23+$0xFFFFFF40] =	vst v6  }
0x2d4: {  	[tilespmem:s23+$0xFFFFFF30] =	vst v5  }
0x2d5: {  	[tilespmem:s23+$0xFFFFFF10] =	vst v7  }
0x2d6: {  	[tilespmem:s23+$0xFFFFFF60] =	vst v0  }
0x2d7: {  	v0 =	vld [tilespmem:s22+$0x0]  }
0x2d8: {  	v6 =	vld [tilespmem:s22+$0xFFFFFFA0]  }
0x2d9: {  	v7 =	vld [tilespmem:s22+$0xFFFFFFB0]  }
0x2da: {  	v8 =	vld [tilespmem:s22+$0xFFFFFFF0]  }
0x2db: {  	v5 =	vld [tilespmem:s22+$0xFFFFFFD0]  }
0x2dc: {  	v2 =	vld [tilespmem:s22+$0xFFFFFFE0]  }
0x2dd: {  	v3 =	vld [tilespmem:s22+$0xFFFFFF90]  }
.Ltmp12:
0x2de: {  	v4 =	vld [tilespmem:s22+$0xFFFFFFC0];
	(pc) =	sbr.rel @p0 .LBB2_26-.Ltmp12, $4  }
0x2df: {  	v1 =	vld.idx.msk [tilespmem:v0+s1+$0x0], $0xffff  }
0x2e0: {  	v0 =	vld.idx.msk [tilespmem:v6+s1+$0x0], $0xffff  }
0x2e1: {  	v7 =	vld.idx.msk [tilespmem:v7+s1+$0x0], $0xffff  }
0x2e2: {  	v6 =	vld.idx.msk [tilespmem:v8+s1+$0x0], $0xffff  }
0x2e3: {  	_ =	sdelay $0x3  }
0x2e4: {  	v5 =	vld.idx.msk [tilespmem:v5+s1+$0x0], $0xffff  }
0x2e5: {  	v2 =	vld.idx.msk [tilespmem:v2+s1+$0x0], $0xffff  }
0x2e6: {  	v3 =	vld.idx.msk [tilespmem:v3+s1+$0x0], $0xffff  }
0x2e7: {  	v4 =	vld.idx.msk [tilespmem:v4+s1+$0x0], $0xffff;
	[tilespmem:s24+$0x70] =	vst v1  }
0x2e8: {  	[tilespmem:s24+$0x10] =	vst v0  }
0x2e9: {  	[tilespmem:s24+$0x20] =	vst v7  }
0x2ea: {  	[tilespmem:s24+$0x60] =	vst v6  }
0x2eb: {  	[tilespmem:s24+$0x50] =	vst v2  }
0x2ec: {  	[tilespmem:s24+$0x0] =	vst v3  }
0x2ed: {  	s22 =	simm.s32 $0x1C700;
	[tilespmem:s24+$0x40] =	vst v5  }
0x2ee: {  	s23 =	simm.s32 $0x80;
	s25 =	sadd.s32 $0x0, s12;
	[tilespmem:s24+$0x30] =	vst v4;
	s24 =	simm.s32 $0x1C800  }
.LBB2_28:
0x2ef: {  	[hbm4b:s25+s1] =	stream.linear.scatter [tilespmem:s22], [sflag:$0x1], $0x80, $0x38;
	[tilespmem:$0x1E700] =	vst v63  }
0x2f0: {  	s25 =	smov.u32 s23;
	s22 =	smov.u32 s24;
	p0 =	sne.s32 s23, $0xF80  }
.Ltmp13:
0x2f1: {  	s23 =	sadd.s32 $0x80, s23;
	(pc) =	sbr.rel @p0 .LBB2_28-.Ltmp13, $2  }
0x2f2: {  	_ =	sdelay $0x2  }
0x2f3: {  	s24 =	sadd.s32 $0x100, s24;
	s25 =	sadd.s32 s25, s12  }
0x2f4: {  	[hbm4b:s25+s1] =	stream.linear.scatter [tilespmem:s22], [sflag:$0x1], $0x80, $0x38;
	[tilespmem:$0x1E700] =	vst v63  }
0x2f5: {  	_ =	swait.ge [sflag:s20], $0x1000  }
0x2f6: {  	[sflag:s20] =	ssyncset.done $0x0  }
0x2f7: {  	s22 =	simm.s32 $0x1B7F0;
	[sflag:s20] =	ssyncadd.s32 $0xFFFFF000  }
0x2f8: {  	v0 =	vld [tilespmem:s22+$0xFFFFFF70]  }
0x2f9: {  	v1 =	vld [tilespmem:s22+$0xFFFFFF80]  }
0x2fa: {  	v2 =	vld [tilespmem:s22+$0xFFFFFF10]  }
0x2fb: {  	v3 =	vld [tilespmem:s22+$0xFFFFFF30]  }
0x2fc: {  	v4 =	vld [tilespmem:s22+$0xFFFFFF60]  }
0x2fd: {  	v5 =	vld [tilespmem:s22+$0xFFFFFF40]  }
0x2fe: {  	v6 =	vld [tilespmem:s22+$0xFFFFFF50]  }
0x2ff: {  	v7 =	vld [tilespmem:s22+$0xFFFFFF20]  }
0x300: {  	v0 =	vld.idx.msk [tilespmem:v0+s1+$0x0], $0xffff  }
0x301: {  	v1 =	vld.idx.msk [tilespmem:v1+s1+$0x0], $0xffff  }
0x302: {  	v2 =	vld.idx.msk [tilespmem:v2+s1+$0x0], $0xffff  }
0x303: {  	v3 =	vld.idx.msk [tilespmem:v3+s1+$0x0], $0xffff  }
0x304: {  	v4 =	vld.idx.msk [tilespmem:v4+s1+$0x0], $0xffff  }
0x305: {  	v5 =	vld.idx.msk [tilespmem:v5+s1+$0x0], $0xffff  }
0x306: {  	s23 =	simm.s32 $0x1C880;
	v6 =	vld.idx.msk [tilespmem:v6+s1+$0x0], $0xffff  }
0x307: {  	v7 =	vld.idx.msk [tilespmem:v7+s1+$0x0], $0xffff;
	[tilespmem:s23+$0xFFFFFF70] =	vst v1  }
0x308: {  	[tilespmem:s23+$0xFFFFFF00] =	vst v2  }
0x309: {  	[tilespmem:s23+$0xFFFFFF20] =	vst v3  }
0x30a: {  	[tilespmem:s23+$0xFFFFFF50] =	vst v4  }
0x30b: {  	[tilespmem:s23+$0xFFFFFF40] =	vst v6  }
0x30c: {  	[tilespmem:s23+$0xFFFFFF30] =	vst v5  }
0x30d: {  	[tilespmem:s23+$0xFFFFFF10] =	vst v7  }
0x30e: {  	[tilespmem:s23+$0xFFFFFF60] =	vst v0  }
0x30f: {  	v0 =	vld [tilespmem:s22+$0x0]  }
0x310: {  	v6 =	vld [tilespmem:s22+$0xFFFFFFA0]  }
0x311: {  	v7 =	vld [tilespmem:s22+$0xFFFFFFB0]  }
0x312: {  	v8 =	vld [tilespmem:s22+$0xFFFFFFF0]  }
0x313: {  	v5 =	vld [tilespmem:s22+$0xFFFFFFD0]  }
0x314: {  	v2 =	vld [tilespmem:s22+$0xFFFFFFE0]  }
0x315: {  	v3 =	vld [tilespmem:s22+$0xFFFFFF90]  }
0x316: {  	v4 =	vld [tilespmem:s22+$0xFFFFFFC0]  }
0x317: {  	v1 =	vld.idx.msk [tilespmem:v0+s1+$0x0], $0xffff  }
0x318: {  	v0 =	vld.idx.msk [tilespmem:v6+s1+$0x0], $0xffff  }
0x319: {  	v7 =	vld.idx.msk [tilespmem:v7+s1+$0x0], $0xffff  }
0x31a: {  	s25 =	simm.s32 $0x0;
	s24 =	simm.s32 $0x1C880;
	v6 =	vld.idx.msk [tilespmem:v8+s1+$0x0], $0xffff  }
.LBB2_30:
0x31b: {  	s25 =	sadd.s32 $0x2, s25;
	v5 =	vld.idx.msk [tilespmem:v5+s1+$0x0], $0xffff;
	s22 =	sadd.s32 $0x100, s22;
	s23 =	sadd.s32 $0x200, s23  }
0x31c: {  	p0 =	slt.u32 s25, $0x1E;
	v2 =	vld.idx.msk [tilespmem:v2+s1+$0x0], $0xffff  }
0x31d: {  	v3 =	vld.idx.msk [tilespmem:v3+s1+$0x0], $0xffff  }
0x31e: {  	v4 =	vld.idx.msk [tilespmem:v4+s1+$0x0], $0xffff  }
0x31f: {  	[tilespmem:s24+$0x20] =	vst v7  }
0x320: {  	[tilespmem:s24+$0x70] =	vst v1  }
0x321: {  	[tilespmem:s24+$0x60] =	vst v6  }
0x322: {  	[tilespmem:s24+$0x50] =	vst v2  }
0x323: {  	[tilespmem:s24+$0x0] =	vst v3  }
0x324: {  	[tilespmem:s24+$0x40] =	vst v5  }
0x325: {  	[tilespmem:s24+$0x30] =	vst v4  }
0x326: {  	[tilespmem:s24+$0x10] =	vst v0;
	s24 =	smov.u32 s23  }
0x327: {  	v0 =	vld [tilespmem:s22+$0xFFFFFF70]  }
0x328: {  	v1 =	vld [tilespmem:s22+$0xFFFFFF80]  }
0x329: {  	v2 =	vld [tilespmem:s22+$0xFFFFFF10]  }
0x32a: {  	v3 =	vld [tilespmem:s22+$0xFFFFFF30]  }
0x32b: {  	v4 =	vld [tilespmem:s22+$0xFFFFFF60]  }
0x32c: {  	v5 =	vld [tilespmem:s22+$0xFFFFFF40]  }
0x32d: {  	v6 =	vld [tilespmem:s22+$0xFFFFFF50]  }
0x32e: {  	v7 =	vld [tilespmem:s22+$0xFFFFFF20]  }
0x32f: {  	v0 =	vld.idx.msk [tilespmem:v0+s1+$0x0], $0xffff  }
0x330: {  	v1 =	vld.idx.msk [tilespmem:v1+s1+$0x0], $0xffff  }
0x331: {  	v2 =	vld.idx.msk [tilespmem:v2+s1+$0x0], $0xffff  }
0x332: {  	v3 =	vld.idx.msk [tilespmem:v3+s1+$0x0], $0xffff  }
0x333: {  	v4 =	vld.idx.msk [tilespmem:v4+s1+$0x0], $0xffff  }
0x334: {  	v5 =	vld.idx.msk [tilespmem:v5+s1+$0x0], $0xffff  }
0x335: {  	v6 =	vld.idx.msk [tilespmem:v6+s1+$0x0], $0xffff  }
0x336: {  	v7 =	vld.idx.msk [tilespmem:v7+s1+$0x0], $0xffff  }
0x337: {  	[tilespmem:s23+$0xFFFFFF70] =	vst v1  }
0x338: {  	[tilespmem:s23+$0xFFFFFF00] =	vst v2  }
0x339: {  	[tilespmem:s23+$0xFFFFFF20] =	vst v3  }
0x33a: {  	[tilespmem:s23+$0xFFFFFF50] =	vst v4  }
0x33b: {  	[tilespmem:s23+$0xFFFFFF40] =	vst v6  }
0x33c: {  	[tilespmem:s23+$0xFFFFFF30] =	vst v5  }
0x33d: {  	[tilespmem:s23+$0xFFFFFF10] =	vst v7  }
0x33e: {  	[tilespmem:s23+$0xFFFFFF60] =	vst v0  }
0x33f: {  	v0 =	vld [tilespmem:s22+$0x0]  }
0x340: {  	v6 =	vld [tilespmem:s22+$0xFFFFFFA0]  }
0x341: {  	v7 =	vld [tilespmem:s22+$0xFFFFFFB0]  }
0x342: {  	v8 =	vld [tilespmem:s22+$0xFFFFFFF0]  }
0x343: {  	v5 =	vld [tilespmem:s22+$0xFFFFFFD0]  }
0x344: {  	v2 =	vld [tilespmem:s22+$0xFFFFFFE0]  }
0x345: {  	v3 =	vld [tilespmem:s22+$0xFFFFFF90]  }
.Ltmp14:
0x346: {  	v4 =	vld [tilespmem:s22+$0xFFFFFFC0];
	(pc) =	sbr.rel @p0 .LBB2_30-.Ltmp14, $4  }
0x347: {  	v1 =	vld.idx.msk [tilespmem:v0+s1+$0x0], $0xffff  }
0x348: {  	v0 =	vld.idx.msk [tilespmem:v6+s1+$0x0], $0xffff  }
0x349: {  	v7 =	vld.idx.msk [tilespmem:v7+s1+$0x0], $0xffff  }
0x34a: {  	v6 =	vld.idx.msk [tilespmem:v8+s1+$0x0], $0xffff  }
0x34b: {  	_ =	sdelay $0x3  }
0x34c: {  	v5 =	vld.idx.msk [tilespmem:v5+s1+$0x0], $0xffff  }
0x34d: {  	v2 =	vld.idx.msk [tilespmem:v2+s1+$0x0], $0xffff  }
0x34e: {  	v3 =	vld.idx.msk [tilespmem:v3+s1+$0x0], $0xffff  }
0x34f: {  	v4 =	vld.idx.msk [tilespmem:v4+s1+$0x0], $0xffff;
	[tilespmem:s24+$0x70] =	vst v1  }
0x350: {  	[tilespmem:s24+$0x10] =	vst v0  }
0x351: {  	[tilespmem:s24+$0x20] =	vst v7  }
0x352: {  	[tilespmem:s24+$0x60] =	vst v6  }
0x353: {  	[tilespmem:s24+$0x50] =	vst v2  }
0x354: {  	[tilespmem:s24+$0x0] =	vst v3  }
0x355: {  	s22 =	simm.s32 $0x1C780;
	[tilespmem:s24+$0x40] =	vst v5  }
0x356: {  	s23 =	simm.s32 $0x80;
	s25 =	sadd.s32 $0x0, s13;
	[tilespmem:s24+$0x30] =	vst v4;
	s24 =	simm.s32 $0x1C880  }
.LBB2_32:
0x357: {  	[hbm4b:s25+s1] =	stream.linear.scatter [tilespmem:s22], [sflag:$0x1], $0x80, $0x38;
	[tilespmem:$0x1E700] =	vst v63  }
0x358: {  	s25 =	smov.u32 s23;
	s22 =	smov.u32 s24;
	p0 =	sne.s32 s23, $0xF80  }
.Ltmp15:
0x359: {  	s23 =	sadd.s32 $0x80, s23;
	(pc) =	sbr.rel @p0 .LBB2_32-.Ltmp15, $2  }
0x35a: {  	_ =	sdelay $0x2  }
0x35b: {  	s24 =	sadd.s32 $0x100, s24;
	s25 =	sadd.s32 s25, s13  }
0x35c: {  	[hbm4b:s25+s1] =	stream.linear.scatter [tilespmem:s22], [sflag:$0x1], $0x80, $0x38;
	[tilespmem:$0x1E700] =	vst v63  }
0x35d: {  	s21 =	sadd.s32 $0x1, s21  }
0x35e: {  	_ =	swait.ge [sflag:s20], $0x1000;
	p0 =	sne.s32 s21, s14  }
.Ltmp16:
0x35f: {  	[sflag:s20] =	ssyncset.done $0x0;
	(pc) =	sbr.rel @p0 .LBB2_1-.Ltmp16, $4  }
0x360: {  	[sflag:s20] =	ssyncadd.s32 $0xFFFFF000  }
0x361: {  	_ =	swait.ge [sflag:s20], $0x1000  }
0x362: {  	[sflag:s20] =	ssyncset.done $0x0  }
0x363: {  	[sflag:s20] =	ssyncadd.s32 $0xFFFFF000  }
0x364: {  	_ =	sfence.sel $0x180000  }
0x365: {  	[bflag:$0x0] =	sbarrier.arrive $0xFFFF  }
0x366: {  	p0 =	sne.s32 s2, $0x0;
	_ =	strace $0x90000047  }
0x367: {  	s0 =	sadd.s32 @!p0 $0x100000, s0;
	[bflag:$0x2] =	sbarrier.arrive $0xFFFF  }
0x368: {  	[sflag:s0] =	ssyncadd.tile.s32 @!p0 $0x1;
	_ =	shalt  }
.Lfunc_end2:
_tile_overlayer_lowered:
.L_overlay_start_2:
0x369: {  	(tag) =	ssettag $0x2  }
0x36a: {  	s0 =	rddreg [dreg:$0x0];
	s2 =	stileid.u32  }
0x36b: {  	s1 =	rddreg [dreg:$0x1];
	p0 =	sne.s32 s2, $0x0  }
0x36c: {  	s3 =	rddreg [dreg:$0x2];
	[bflag:$0x3] =	sbarrier.arrive $0xFFFF;
	s2 =	simm.s32 @!p0 $0x1C03  }
0x36d: {  	[timem:s3], [sflag:s2] =	dma.local @!p0 [hbm:s0], s1  }
0x36e: {  	s0 =	simm.s32 @!p0 $0x3  }
0x36f: {  	_ =	swait.ge @!p0 [sflag:s0], s1  }
0x370: {  	s1 =	ssub.s32 @!p0 $0x0, s1;
	[sflag:s0] =	ssyncset.done @!p0 $0x0  }
0x371: {  	[sflag:s0] =	ssyncadd.s32 @!p0 s1  }
0x372: {  	[bflag:$0x3] =	sbarrier.arrive $0xFFFF  }
0x373: {  	_ =	shalt  }

</sc_bundles>
